<compile_context>
chip_gen: v7x
topology: tpu7x:2x2x1
jax: 0.10.2.dev20260603
libtpu: 0.0.44.dev20260713+nightly
codegen_flags: <defaults>
</compile_context>

<pallas_src>
import functools
import math

import jax
import jax.numpy as jnp
from jax import lax
from jax.experimental import pallas as pl
from jax.experimental.pallas import tpu as pltpu
from jax.experimental.pallas import tpu_sc as plsc

N = 10000
E = 160000
D = 256
H = 8
DH = 32
HALF = D // 2

NC = 2
NS = 16
L = 16

ET = E // NS
EC = 80
NCHUNK = ET // EC
RPT = 624
NZ = 208
NREM = N - NS * RPT

_F32 = jnp.float32
_I32 = jnp.int32



def _sc_edge_body(k_hbm, q_hbm, v_hbm, ee_hbm, src_hbm, dst_hbm,
                  z128_hbm,
                  eout_hbm, hatt_hbm, w_hbm,
                  srcd_v, adjs_v, kq_v, q_v, t_v, w_v,
                  acc_sh, sem_i, sem_g, sem_o, sem_s):
    s = lax.axis_index("s")
    c = lax.axis_index("c")

    row0 = s * RPT
    pltpu.sync_copy(z128_hbm.at[pl.ds(row0, RPT)], acc_sh.at[pl.ds(row0, RPT)])

    @pl.when(s < 2)
    def _zero_rem():
        r = NS * RPT + s * 8
        pltpu.sync_copy(z128_hbm.at[pl.ds(r, 8)], acc_sh.at[pl.ds(r, 8)])

    plsc.subcore_barrier()

    lanes = lax.iota(_I32, L)

    pltpu.sync_copy(src_hbm.at[pl.ds(s * ET, EC)], srcd_v.at[0, 0])
    pltpu.sync_copy(dst_hbm.at[pl.ds(s * ET, EC)], srcd_v.at[0, 1])

    @pl.loop(0, NCHUNK)
    def _chunk(ch):
        p = lax.rem(ch, 3)
        pn = lax.rem(ch + 1, 3)
        base = s * ET + ch * EC
        base_n = s * ET + jnp.minimum(ch + 1, NCHUNK - 1) * EC

        cpi1 = pltpu.async_copy(src_hbm.at[pl.ds(base_n, EC)],
                                srcd_v.at[pn, 0], sem_i)
        cpi2 = pltpu.async_copy(dst_hbm.at[pl.ds(base_n, EC)],
                                srcd_v.at[pn, 1], sem_i)

        off = c * N
        for g in range(EC // L):
            sl = pl.ds(g * L, L)
            adjs_v[sl] = srcd_v[p, 0, sl] + off
            srcd_v[p, 1, sl] = srcd_v[p, 1, sl] + off

        cp_q = pltpu.async_copy(q_hbm.at[srcd_v.at[p, 1]], q_v, sem_g)
        cp_e = pltpu.async_copy(
            ee_hbm.at[pl.ds((c * E + base) * HALF, EC * HALF)], t_v, sem_g)

        @pl.when(ch >= 1)
        def _drain_sct():
            pltpu.make_async_copy(
                z128_hbm.at[pl.ds(0, EC)], kq_v, sem_s).wait()

        cp_k = pltpu.async_copy(k_hbm.at[adjs_v], kq_v, sem_g)
        cp_k.wait()
        cp_q.wait()
        cp_e.wait()

        @pl.loop(0, EC)
        def _tmul(ei):
            tbase = ei * HALF
            for j in range(HALF // L):
                tsl = pl.ds(tbase + j * L, L)
                t_v[tsl] = kq_v[ei, pl.ds(j * L, L)] * \
                    q_v[ei, pl.ds(j * L, L)] * t_v[tsl]

        cp_v = pltpu.async_copy(v_hbm.at[srcd_v.at[p, 1]], kq_v, sem_g)
        cp_out = pltpu.async_copy(
            t_v, eout_hbm.at[pl.ds((c * E + base) * HALF, EC * HALF)], sem_o)

        perm1 = lanes ^ 1
        perm2 = lanes ^ 2
        perm4 = lanes ^ 4
        perm8 = lanes ^ 8
        lm4 = lanes & 3

        @pl.loop(0, EC)
        def _score(ei):
            tbase = ei * HALF
            a = []
            for hh in range(H // 2):
                x = t_v[pl.ds(tbase + 2 * hh * L, L)] + \
                    t_v[pl.ds(tbase + (2 * hh + 1) * L, L)]
                x = x + x.at[perm1].get(mode="promise_in_bounds")
                x = x + x.at[perm2].get(mode="promise_in_bounds")
                a.append(x)
            comb = jnp.where(lm4 == 0, a[0],
                             jnp.where(lm4 == 1, a[1],
                                       jnp.where(lm4 == 2, a[2], a[3])))
            comb = comb + comb.at[perm4].get(mode="promise_in_bounds")
            comb = comb + comb.at[perm8].get(mode="promise_in_bounds")
            w_v[ei, :] = jnp.exp(comb)

        cp_w = pltpu.async_copy(w_v, w_hbm.at[pl.ds(c * E + base, EC)], sem_o)
        cp_v.wait()

        @pl.loop(0, EC)
        def _wv(ei):
            wrow = w_v[ei, :]
            for hh in range(H // 2):
                bc = jnp.full((L,), wrow[hh], _F32)
                for j2 in range(DH // L):
                    sl = pl.ds(hh * DH + j2 * L, L)
                    kq_v[ei, sl] = kq_v[ei, sl] * bc

        pltpu.async_copy(kq_v, acc_sh.at[srcd_v.at[p, 0]], sem_s, add=True)
        cp_out.wait()
        cp_w.wait()
        cpi1.wait()
        cpi2.wait()

    pltpu.make_async_copy(z128_hbm.at[pl.ds(0, EC)], kq_v, sem_s).wait()

    plsc.subcore_barrier()

    pltpu.sync_copy(acc_sh.at[pl.ds(row0, RPT)],
                    hatt_hbm.at[pl.ds(c * N + row0, RPT)])

    @pl.when(s < 2)
    def _dump_rem():
        r = NS * RPT + s * 8
        pltpu.sync_copy(acc_sh.at[pl.ds(r, 8)],
                        hatt_hbm.at[pl.ds(c * N + r, 8)])


def _sc_edge(k2, q2, v2, ee2, src, dst):
    mesh = plsc.VectorSubcoreMesh(core_axis_name="c", subcore_axis_name="s")
    fn = pl.kernel(
        _sc_edge_body,
        out_type=[
            jax.ShapeDtypeStruct((NC * E * HALF,), _F32),
            jax.ShapeDtypeStruct((NC * N, HALF), _F32),
            jax.ShapeDtypeStruct((NC * E, L), _F32),
        ],
        mesh=mesh,
        scratch_types=[
            pltpu.VMEM((3, 2, EC), _I32),
            pltpu.VMEM((EC,), _I32),
            pltpu.VMEM((EC, HALF), _F32),
            pltpu.VMEM((EC, HALF), _F32),
            pltpu.VMEM((EC * HALF,), _F32),
            pltpu.VMEM((EC, L), _F32),
            pltpu.VMEM_SHARED((N, HALF), _F32),
            pltpu.SemaphoreType.DMA,
            pltpu.SemaphoreType.DMA,
            pltpu.SemaphoreType.DMA,
            pltpu.SemaphoreType.DMA,
        ],
    )
    z128 = jnp.zeros((N, HALF), _F32)
    return fn(k2, q2, v2, ee2, src, dst, z128)


def _sc_ssum_body(w_hbm, src_hbm, z128_hbm, ssum_hbm,
                  src_v, w_v, x_v, acc_sh, sem_i, sem_s):
    s = lax.axis_index("s")
    c = lax.axis_index("c")

    row0 = s * RPT
    pltpu.sync_copy(z128_hbm.at[pl.ds(row0, RPT)], acc_sh.at[pl.ds(row0, RPT)])

    @pl.when(s < 2)
    def _zero_rem():
        r = NS * RPT + s * 8
        pltpu.sync_copy(z128_hbm.at[pl.ds(r, 8)], acc_sh.at[pl.ds(r, 8)])

    @pl.loop(0, EC)
    def _zero_x(ei):
        for p2 in range(2):
            for j in range(HALF // L):
                x_v[p2, ei, pl.ds(j * L, L)] = jnp.zeros((L,), _F32)

    plsc.subcore_barrier()

    pltpu.sync_copy(src_hbm.at[pl.ds(s * ET, EC)], src_v.at[0])
    pltpu.sync_copy(w_hbm.at[pl.ds(c * E + s * ET, EC)], w_v.at[0])

    @pl.loop(0, NCHUNK)
    def _chunk(ch):
        p = lax.rem(ch, 2)
        pn = 1 - p
        base_n = s * ET + jnp.minimum(ch + 1, NCHUNK - 1) * EC
        cpi = pltpu.async_copy(src_hbm.at[pl.ds(base_n, EC)],
                               src_v.at[pn], sem_i)
        cpw = pltpu.async_copy(w_hbm.at[pl.ds(c * E + base_n, EC)],
                               w_v.at[pn], sem_i)

        @pl.when(ch >= 2)
        def _drain():
            pltpu.make_async_copy(
                z128_hbm.at[pl.ds(0, EC)], x_v.at[p], sem_s).wait()

        @pl.loop(0, EC)
        def _expand(ei):
            x_v[p, ei, pl.ds(0, L)] = w_v[p, ei, :]

        pltpu.async_copy(x_v.at[p], acc_sh.at[src_v.at[p]], sem_s, add=True)
        cpi.wait()
        cpw.wait()

    for p2 in range(2):
        pltpu.make_async_copy(
            z128_hbm.at[pl.ds(0, EC)], x_v.at[p2], sem_s).wait()

    plsc.subcore_barrier()

    pltpu.sync_copy(acc_sh.at[pl.ds(row0, RPT)],
                    ssum_hbm.at[pl.ds(c * N + row0, RPT)])

    @pl.when(s < 2)
    def _dump_rem():
        r = NS * RPT + s * 8
        pltpu.sync_copy(acc_sh.at[pl.ds(r, 8)],
                        ssum_hbm.at[pl.ds(c * N + r, 8)])


def _sc_ssum(w2, src):
    mesh = plsc.VectorSubcoreMesh(core_axis_name="c", subcore_axis_name="s")
    fn = pl.kernel(
        _sc_ssum_body,
        out_type=[jax.ShapeDtypeStruct((NC * N, HALF), _F32)],
        mesh=mesh,
        scratch_types=[
            pltpu.VMEM((2, EC), _I32),
            pltpu.VMEM((2, EC, L), _F32),
            pltpu.VMEM((2, EC, HALF), _F32),
            pltpu.VMEM_SHARED((N, HALF), _F32),
            pltpu.SemaphoreType.DMA,
            pltpu.SemaphoreType.DMA,
        ],
    )
    z128 = jnp.zeros((N, HALF), _F32)
    return fn(w2, src, z128)[0]



def _proj_body(x_ref, w_ref, o_ref, nout):
    y = jnp.dot(x_ref[...], w_ref[...], preferred_element_type=_F32)
    for k in range(nout):
        o_ref[k, :, :] = y[:, k * HALF:(k + 1) * HALF]


def _proj(x, w, bn):
    rows, _ = x.shape
    nout = w.shape[1] // HALF
    grid = rows // bn
    return pl.pallas_call(
        functools.partial(_proj_body, nout=nout),
        grid=(grid,),
        in_specs=[
            pl.BlockSpec((bn, D), lambda i: (i, 0)),
            pl.BlockSpec((D, nout * HALF), lambda i: (0, 0)),
        ],
        out_specs=pl.BlockSpec((nout, bn, HALF), lambda i: (0, i, 0)),
        out_shape=jax.ShapeDtypeStruct((nout, rows, HALF), _F32),
    )(x, w)


def _stats_update(ref_sum, ref_sq, y, first):
    @pl.when(first)
    def _init():
        ref_sum[...] = jnp.zeros_like(ref_sum)
        ref_sq[...] = jnp.zeros_like(ref_sq)

    cs = jnp.sum(y, axis=0, keepdims=True)
    cq = jnp.sum(y * y, axis=0, keepdims=True)
    ref_sum[...] = ref_sum[...] + jnp.broadcast_to(cs, ref_sum.shape)
    ref_sq[...] = ref_sq[...] + jnp.broadcast_to(cq, ref_sq.shape)


def _post_a_h_body(a0, a1, s0, s1, xin, w_ref, b_ref,
                   y_ref, sum_ref, sq_ref):
    col = lax.broadcasted_iota(_I32, (L, HALF), 1) // DH
    row = lax.broadcasted_iota(_I32, (L, HALF), 0)
    bmat = (col == row).astype(_F32)
    s0v = s0[:, :L]
    s1v = s1[:, :L]
    r0 = jnp.where(s0v > 0, 1.0 / jnp.where(s0v > 0, s0v, 1.0), 0.0)
    r1 = jnp.where(s1v > 0, 1.0 / jnp.where(s1v > 0, s1v, 1.0), 0.0)
    att0 = a0[...] * jnp.dot(r0, bmat, preferred_element_type=_F32)
    att1 = a1[...] * jnp.dot(r1, bmat, preferred_element_type=_F32)
    att = jnp.concatenate([att0, att1], axis=1)
    y = jnp.dot(att, w_ref[...], preferred_element_type=_F32)
    y = y + b_ref[...] + xin[...]
    y_ref[...] = y
    _stats_update(sum_ref, sq_ref, y, pl.program_id(0) == 0)


def _post_a_e_body(a0, a1, xin, w_ref, b_ref, y_ref, sum_ref, sq_ref):
    att = jnp.concatenate([a0[...], a1[...]], axis=1)
    y = jnp.dot(att, w_ref[...], preferred_element_type=_F32)
    y = y + b_ref[...] + xin[...]
    y_ref[...] = y.astype(y_ref.dtype)
    _stats_update(sum_ref, sq_ref, y, pl.program_id(0) == 0)


def _bn(y, sum_ref, sq_ref, g_ref, b_ref, rows):
    mean = sum_ref[0:1, :] * (1.0 / rows)
    var = sq_ref[0:1, :] * (1.0 / rows) - mean * mean
    inv = lax.rsqrt(var + 1e-5)
    return (y - mean) * inv * g_ref[...] + b_ref[...]


def _post_b_body(y_in, sum_ref, sq_ref, g_ref, b_ref, w1_ref, b1_ref,
                 w2_ref, b2_ref, f_ref, sum2_ref, sq2_ref, rows):
    z = _bn(y_in[...].astype(_F32), sum_ref, sq_ref, g_ref, b_ref, rows)
    u = jnp.dot(z, w1_ref[...], preferred_element_type=_F32) + b1_ref[...]
    u = jnp.maximum(u, 0.0)
    f = jnp.dot(u, w2_ref[...], preferred_element_type=_F32) + b2_ref[...] + z
    f_ref[...] = f.astype(f_ref.dtype)
    _stats_update(sum2_ref, sq2_ref, f, pl.program_id(0) == 0)


def _post_c_body(f_in, sum_ref, sq_ref, g_ref, b_ref, o_ref, rows):
    o_ref[...] = _bn(f_in[...].astype(_F32), sum_ref, sq_ref, g_ref, b_ref,
                     rows)


def _full_spec(shape):
    return pl.BlockSpec(shape, lambda i: tuple(0 for _ in shape))


def _post_a_h(hatt2, ssum2, h_in, wo, bo, bn):
    grid = N // bn
    blk = lambda r0: pl.BlockSpec((bn, HALF), lambda i, r0=r0: (r0 + i, 0))
    blks = blk
    return pl.pallas_call(
        _post_a_h_body,
        grid=(grid,),
        in_specs=[
            blk(0), blk(N // bn), blks(0), blks(N // bn),
            pl.BlockSpec((bn, D), lambda i: (i, 0)),
            _full_spec((D, D)), _full_spec((1, D)),
        ],
        out_specs=[
            pl.BlockSpec((bn, D), lambda i: (i, 0)),
            _full_spec((8, D)), _full_spec((8, D)),
        ],
        out_shape=[
            jax.ShapeDtypeStruct((N, D), _F32),
            jax.ShapeDtypeStruct((8, D), _F32),
            jax.ShapeDtypeStruct((8, D), _F32),
        ],
    )(hatt2, hatt2, ssum2, ssum2, h_in, wo, bo)


def _post_a_e(eout2, e_in, wo, bo, bn, ydt=_F32):
    grid = E // bn
    blk = lambda r0: pl.BlockSpec((bn, HALF), lambda i, r0=r0: (r0 + i, 0))
    return pl.pallas_call(
        _post_a_e_body,
        grid=(grid,),
        in_specs=[
            blk(0), blk(E // bn),
            pl.BlockSpec((bn, D), lambda i: (i, 0)),
            _full_spec((D, D)), _full_spec((1, D)),
        ],
        out_specs=[
            pl.BlockSpec((bn, D), lambda i: (i, 0)),
            _full_spec((8, D)), _full_spec((8, D)),
        ],
        out_shape=[
            jax.ShapeDtypeStruct((E, D), ydt),
            jax.ShapeDtypeStruct((8, D), _F32),
            jax.ShapeDtypeStruct((8, D), _F32),
        ],
    )(eout2, eout2, e_in, wo, bo)


def _post_b(y, sums, sqs, g, b, w1, b1, w2, b2, bn, fdt=_F32):
    rows = y.shape[0]
    grid = rows // bn
    return pl.pallas_call(
        functools.partial(_post_b_body, rows=float(rows)),
        grid=(grid,),
        in_specs=[
            pl.BlockSpec((bn, D), lambda i: (i, 0)),
            _full_spec((8, D)), _full_spec((8, D)),
            _full_spec((1, D)), _full_spec((1, D)),
            _full_spec((D, 2 * D)), _full_spec((1, 2 * D)),
            _full_spec((2 * D, D)), _full_spec((1, D)),
        ],
        out_specs=[
            pl.BlockSpec((bn, D), lambda i: (i, 0)),
            _full_spec((8, D)), _full_spec((8, D)),
        ],
        out_shape=[
            jax.ShapeDtypeStruct((rows, D), fdt),
            jax.ShapeDtypeStruct((8, D), _F32),
            jax.ShapeDtypeStruct((8, D), _F32),
        ],
    )(y, sums, sqs, g, b, w1, b1, w2, b2)


def _post_c(f, sums, sqs, g, b, bn):
    rows = f.shape[0]
    grid = rows // bn
    return pl.pallas_call(
        functools.partial(_post_c_body, rows=float(rows)),
        grid=(grid,),
        in_specs=[
            pl.BlockSpec((bn, D), lambda i: (i, 0)),
            _full_spec((8, D)), _full_spec((8, D)),
            _full_spec((1, D)), _full_spec((1, D)),
        ],
        out_specs=pl.BlockSpec((bn, D), lambda i: (i, 0)),
        out_shape=jax.ShapeDtypeStruct((rows, D), _F32),
    )(f, sums, sqs, g, b)



def kernel(h, e, edge_index, WQ, WK, WV, WE, WOh, bOh, WOe, bOe,
           bn1h_g, bn1h_b, bn1e_g, bn1e_b, W1h, b1h, W2h, b2h,
           W1e, b1e, W2e, b2e, bn2h_g, bn2h_b, bn2e_g, bn2e_b):
    src = edge_index[0].astype(_I32)
    dst = edge_index[1].astype(_I32)
    scale = 1.0 / math.sqrt(DH)

    wq = WQ.T
    wk = WK.T * scale
    wv = WV.T
    wkqv = jnp.concatenate([wk, wq, wv], axis=1)

    kqv = _proj(h, wkqv, 1000)
    k2 = kqv[0:2].reshape(NC * N, HALF)
    q2 = kqv[2:4].reshape(NC * N, HALF)
    v2 = kqv[4:6].reshape(NC * N, HALF)
    ee2 = _proj(e, WE.T, 2000).reshape(NC * E * HALF)

    eout2, hatt2, w2 = _sc_edge(k2, q2, v2, ee2, src, dst)
    eout2 = eout2.reshape(NC * E, HALF)
    ssum2 = _sc_ssum(w2, src)

    y_h, s1h, q1h = _post_a_h(hatt2, ssum2, h, WOh.T,
                              bOh.reshape(1, D), 1000)
    f_h, s2h, q2h = _post_b(y_h, s1h, q1h, bn1h_g.reshape(1, D),
                            bn1h_b.reshape(1, D), W1h.T, b1h.reshape(1, 2 * D),
                            W2h.T, b2h.reshape(1, D), 1000)
    h_out = _post_c(f_h, s2h, q2h, bn2h_g.reshape(1, D),
                    bn2h_b.reshape(1, D), 1000)

    y_e, s1e, q1e = _post_a_e(eout2, e, WOe.T, bOe.reshape(1, D), 2000,
                              ydt=jnp.bfloat16)
    f_e, s2e, q2e = _post_b(y_e, s1e, q1e, bn1e_g.reshape(1, D),
                            bn1e_b.reshape(1, D), W1e.T, b1e.reshape(1, 2 * D),
                            W2e.T, b2e.reshape(1, D), 2000, fdt=jnp.bfloat16)
    e_out = _post_c(f_e, s2e, q2e, bn2e_g.reshape(1, D),
                    bn2e_b.reshape(1, D), 2000)

    return (h_out, e_out)

# --- scband reference (transcript-rebuilt; emitter-appended) ---
"""Pipeline reference for scband-graph-transformer-layer-61598420959243 (READ-ONLY COPY).

The authoritative reference and input builder live on the scoring server;
editing this copy changes nothing except your own understanding.
"""

import jax, jax.numpy as jnp
import numpy as np

N_NODES = 10000
N_EDGES = 160000
D = 256
H = 8
DH = D // H


def _linear(x, W, b=None):
    y = x @ W.T
    if b is not None:
        y = y + b
    return y


def _batch_norm(x, gamma, beta, eps=1e-5):
    mean = jnp.mean(x, axis=0)
    var = jnp.var(x, axis=0)
    return (x - mean) / jnp.sqrt(var + eps) * gamma + beta


def _scatter_softmax(scores, seg, num_segments):
    m = jax.ops.segment_max(scores, seg, num_segments=num_segments)
    ex = jnp.exp(scores - m[seg])
    s = jax.ops.segment_sum(ex, seg, num_segments=num_segments)
    return ex / s[seg]


def setup_inputs(seed: int = 0) -> dict:
    key = jax.random.key(seed)
    ks = jax.random.split(key, 32)
    sc = 0.05
    inp = {}
    inp['h'] = jax.random.normal(ks[0], (N_NODES, D), dtype=jnp.float32)
    inp['e'] = jax.random.normal(ks[1], (N_EDGES, D), dtype=jnp.float32)
    inp['edge_index'] = jax.random.randint(ks[2], (2, N_EDGES), 0, N_NODES, dtype=jnp.int64) if jax.config.jax_enable_x64 else jax.random.randint(ks[2], (2, N_EDGES), 0, N_NODES).astype(jnp.int32)
    inp['WQ'] = jax.random.normal(ks[3], (D, D), dtype=jnp.float32) * sc
    inp['WK'] = jax.random.normal(ks[4], (D, D), dtype=jnp.float32) * sc
    inp['WV'] = jax.random.normal(ks[5], (D, D), dtype=jnp.float32) * sc
    inp['WE'] = jax.random.normal(ks[6], (D, D), dtype=jnp.float32) * sc
    inp['WOh'] = jax.random.normal(ks[7], (D, D), dtype=jnp.float32) * sc
    inp['bOh'] = jnp.zeros((D,), dtype=jnp.float32)
    inp['WOe'] = jax.random.normal(ks[8], (D, D), dtype=jnp.float32) * sc
    inp['bOe'] = jnp.zeros((D,), dtype=jnp.float32)
    inp['bn1h_g'] = jnp.ones((D,), dtype=jnp.float32)
    inp['bn1h_b'] = jnp.zeros((D,), dtype=jnp.float32)
    inp['bn1e_g'] = jnp.ones((D,), dtype=jnp.float32)
    inp['bn1e_b'] = jnp.zeros((D,), dtype=jnp.float32)
    inp['W1h'] = jax.random.normal(ks[9], (2 * D, D), dtype=jnp.float32) * sc
    inp['b1h'] = jnp.zeros((2 * D,), dtype=jnp.float32)
    inp['W2h'] = jax.random.normal(ks[10], (D, 2 * D), dtype=jnp.float32) * sc
    inp['b2h'] = jnp.zeros((D,), dtype=jnp.float32)
    inp['W1e'] = jax.random.normal(ks[11], (2 * D, D), dtype=jnp.float32) * sc
    inp['b1e'] = jnp.zeros((2 * D,), dtype=jnp.float32)
    inp['W2e'] = jax.random.normal(ks[12], (D, 2 * D), dtype=jnp.float32) * sc
    inp['b2e'] = jnp.zeros((D,), dtype=jnp.float32)
    inp['bn2h_g'] = jnp.ones((D,), dtype=jnp.float32)
    inp['bn2h_b'] = jnp.zeros((D,), dtype=jnp.float32)
    inp['bn2e_g'] = jnp.ones((D,), dtype=jnp.float32)
    inp['bn2e_b'] = jnp.zeros((D,), dtype=jnp.float32)
    return inp


def reference(h, e, edge_index, WQ, WK, WV, WE, WOh, bOh, WOe, bOe, bn1h_g, bn1h_b, bn1e_g, bn1e_b, W1h, b1h, W2h, b2h, W1e, b1e, W2e, b2e, bn2h_g, bn2h_b, bn2e_g, bn2e_b):
    N = h.shape[0]
    h_in1, e_in1 = h, e
    # multi-head attention
    Qh = _linear(h, WQ).reshape(-1, H, DH)
    Kh = _linear(h, WK).reshape(-1, H, DH)
    Vh = _linear(h, WV).reshape(-1, H, DH)
    Ee = _linear(e, WE).reshape(-1, H, DH)
    src = edge_index[0]
    dst = edge_index[1]
    e_out = Kh[src] * Qh[dst] * Ee / np.sqrt(DH)
    score_sum = e_out.sum(axis=-1, keepdims=True)
    score_sm = _scatter_softmax(score_sum, src, N)
    attn = score_sm * Vh[dst]
    attn = attn.reshape(-1, H * DH)
    h_att = jax.ops.segment_sum(attn, src, num_segments=N)
    e_att = e_out.reshape(-1, H * DH)
    h2 = _linear(h_att, WOh, bOh)
    e2 = _linear(e_att, WOe, bOe)
    # residual + batch norm (train-mode batch statistics)
    h = h_in1 + h2
    e = e_in1 + e2
    h = _batch_norm(h, bn1h_g, bn1h_b)
    e = _batch_norm(e, bn1e_g, bn1e_b)
    h_in2, e_in2 = h, e
    # FFN
    h = _linear(h, W1h, b1h)
    h = jax.nn.relu(h)
    h = _linear(h, W2h, b2h)
    e = _linear(e, W1e, b1e)
    e = jax.nn.relu(e)
    e = _linear(e, W2e, b2e)
    h = h_in2 + h
    e = e_in2 + e
    h = _batch_norm(h, bn2h_g, bn2h_b)
    e = _batch_norm(e, bn2e_g, bn2e_b)
    return (h, e)

if __name__ == "__main__":
    import jax
    _d = setup_inputs()
    print(jax.jit(kernel)(*tuple(_d.values())))

</pallas_src>

<mosaic_0001>
#map = affine_map<(d0, d1) -> (0, 0)>
#map1 = affine_map<(d0, d1) -> (0)>
module attributes {stable_mosaic.version = 14 : i64} {
  func.func @_sc_ssum_body(%arg0: i32, %arg1: i32, %arg2: memref<320000x16xf32, #tpu.memory_space<hbm>>, %arg3: memref<160000xi32, #tpu.memory_space<hbm>>, %arg4: memref<10000x128xf32, #tpu.memory_space<hbm>>, %arg5: memref<20000x128xf32, #tpu.memory_space<hbm>>, %arg6: memref<2x80xi32, #tpu.memory_space<vmem>>, %arg7: memref<2x80x16xf32, #tpu.memory_space<vmem>>, %arg8: memref<2x80x128xf32, #tpu.memory_space<vmem>>, %arg9: memref<10000x128xf32, #tpu.memory_space<vmem_shared>>, %arg10: memref<!tpu.dma_semaphore, #tpu.memory_space<semaphore_mem>>, %arg11: memref<!tpu.dma_semaphore, #tpu.memory_space<semaphore_mem>>) attributes {dimension_semantics = [#tpu.dimension_semantics<core_parallel>, #tpu.dimension_semantics<subcore_parallel>], iteration_bounds = array<i64: 2, 16>, scalar_prefetch = 0 : i64, scratch_operands = 6 : i64, tpu.core_type = #tpu.core_type<sc_vector_subcore>, window_params = [{transform_indices = #map}, {transform_indices = #map1}, {transform_indices = #map}, {transform_indices = #map}]} {
    %mul3A = arith.constant 624 : i32
    %mul3A_0 = arith.muli %arg1, %mul3A : i32
    "tpu.region"() ({
      %run_scoped3A_57 = tpu.sem_alloc : memref<!tpu.dma_semaphore, #tpu.memory_space<semaphore_mem>>
      %dma_start3A = arith.constant 0 : i32
      %dma_start3A_58 = tpu.memref_slice %arg9[%mul3A_0, %dma_start3A] : memref<10000x128xf32, #tpu.memory_space<vmem_shared>> -> memref<624x128xf32, #tpu.memory_space<vmem_shared>>
      %dma_start3A_59 = arith.constant 0 : i32
      %dma_start3A_60 = tpu.memref_slice %arg4[%mul3A_0, %dma_start3A_59] : memref<10000x128xf32, #tpu.memory_space<hbm>> -> memref<624x128xf32, #tpu.memory_space<hbm>>
      tpu.enqueue_dma source(%dma_start3A_60 : memref<624x128xf32, #tpu.memory_space<hbm>>) target(%dma_start3A_58 : memref<624x128xf32, #tpu.memory_space<vmem_shared>>) target_semaphore(%run_scoped3A_57 : memref<!tpu.dma_semaphore, #tpu.memory_space<semaphore_mem>>)
      %dma_wait3A_61 = arith.constant 0 : i32
      %dma_wait3A_62 = tpu.memref_slice %arg9[%mul3A_0, %dma_wait3A_61] : memref<10000x128xf32, #tpu.memory_space<vmem_shared>> -> memref<624x128xf32, #tpu.memory_space<vmem_shared>>
      %dma_wait3A_63 = arith.constant 0 : i32
      %dma_wait3A_64 = tpu.memref_slice %arg4[%mul3A_0, %dma_wait3A_63] : memref<10000x128xf32, #tpu.memory_space<hbm>> -> memref<624x128xf32, #tpu.memory_space<hbm>>
      tpu.wait_dma2 semaphore(%run_scoped3A_57 : memref<!tpu.dma_semaphore, #tpu.memory_space<semaphore_mem>>) src(%dma_wait3A_64 : memref<624x128xf32, #tpu.memory_space<hbm>>) dst(%dma_wait3A_62 : memref<624x128xf32, #tpu.memory_space<vmem_shared>>)
      tpu.yield
    }) : () -> ()
    %lt3A = arith.constant 2 : i32
    %lt3A_1 = arith.cmpi slt, %arg1, %lt3A : i32
    %convert_element_type3A = arith.extui %lt3A_1 : i1 to i32
    %cond3A = arith.constant 0 : i32
    %cond3A_2 = arith.cmpi ne, %convert_element_type3A, %cond3A : i32
    scf.if %cond3A_2 {
      %mul3A_57 = arith.constant 8 : i32
      %mul3A_58 = arith.muli %arg1, %mul3A_57 : i32
      %add3A_59 = arith.constant 9984 : i32
      %add3A_60 = arith.addi %add3A_59, %mul3A_58 : i32
      "tpu.region"() ({
        %run_scoped3A_61 = tpu.sem_alloc : memref<!tpu.dma_semaphore, #tpu.memory_space<semaphore_mem>>
        %dma_start3A = arith.constant 0 : i32
        %dma_start3A_62 = tpu.memref_slice %arg9[%add3A_60, %dma_start3A] : memref<10000x128xf32, #tpu.memory_space<vmem_shared>> -> memref<8x128xf32, #tpu.memory_space<vmem_shared>>
        %dma_start3A_63 = arith.constant 0 : i32
        %dma_start3A_64 = tpu.memref_slice %arg4[%add3A_60, %dma_start3A_63] : memref<10000x128xf32, #tpu.memory_space<hbm>> -> memref<8x128xf32, #tpu.memory_space<hbm>>
        tpu.enqueue_dma source(%dma_start3A_64 : memref<8x128xf32, #tpu.memory_space<hbm>>) target(%dma_start3A_62 : memref<8x128xf32, #tpu.memory_space<vmem_shared>>) target_semaphore(%run_scoped3A_61 : memref<!tpu.dma_semaphore, #tpu.memory_space<semaphore_mem>>)
        %dma_wait3A_65 = arith.constant 0 : i32
        %dma_wait3A_66 = tpu.memref_slice %arg9[%add3A_60, %dma_wait3A_65] : memref<10000x128xf32, #tpu.memory_space<vmem_shared>> -> memref<8x128xf32, #tpu.memory_space<vmem_shared>>
        %dma_wait3A_67 = arith.constant 0 : i32
        %dma_wait3A_68 = tpu.memref_slice %arg4[%add3A_60, %dma_wait3A_67] : memref<10000x128xf32, #tpu.memory_space<hbm>> -> memref<8x128xf32, #tpu.memory_space<hbm>>
        tpu.wait_dma2 semaphore(%run_scoped3A_61 : memref<!tpu.dma_semaphore, #tpu.memory_space<semaphore_mem>>) src(%dma_wait3A_68 : memref<8x128xf32, #tpu.memory_space<hbm>>) dst(%dma_wait3A_66 : memref<8x128xf32, #tpu.memory_space<vmem_shared>>)
        tpu.yield
      }) : () -> ()
    } else {
    }
    %scan3A = arith.constant 0 : i32
    %scan3A_3 = arith.constant 80 : i32
    %scan3A_4 = arith.addi %scan3A, %scan3A_3 : i32
    %scan3A_5 = arith.constant 1 : i32
    scf.for %scan3A_57 = %scan3A to %scan3A_4 step %scan3A_5  : i32 {
      %mul3A_58 = arith.constant 1 : i32
      %mul3A_59 = arith.muli %scan3A_57, %mul3A_58 : i32
      %add3A_60 = arith.constant 0 : i32
      %add3A_61 = arith.addi %add3A_60, %mul3A_59 : i32
      %broadcast_in_dim3A = arith.constant 0.000000e+00 : f32
      %broadcast_in_dim3A_62 = vector.broadcast %broadcast_in_dim3A : f32 to vector<16xf32>
      %swap3A = arith.constant 0 : i32
      %swap3A_63 = arith.index_cast %swap3A : i32 to index
      %swap3A_64 = arith.index_cast %add3A_61 : i32 to index
      %swap3A_65 = arith.constant 0 : index
      %swap3A_66 = tpu.vector_load %arg8[%swap3A_63, %swap3A_64, %swap3A_65] {strides = array<i32>} : memref<2x80x128xf32, #tpu.memory_space<vmem>>, vector<1x1x16xf32>,
      %swap3A_67 = vector.shape_cast %swap3A_66 : vector<1x1x16xf32> to vector<16xf32>
      %swap3A_68 = vector.shape_cast %broadcast_in_dim3A_62 : vector<16xf32> to vector<1x1x16xf32>
      tpu.vector_store %arg8[%swap3A_63, %swap3A_64, %swap3A_65], %swap3A_68 {strides = array<i32>} : memref<2x80x128xf32, #tpu.memory_space<vmem>>, vector<1x1x16xf32>,
      %broadcast_in_dim3A_69 = arith.constant 0.000000e+00 : f32
      %broadcast_in_dim3A_70 = vector.broadcast %broadcast_in_dim3A_69 : f32 to vector<16xf32>
      %swap3A_71 = arith.constant 0 : i32
      %swap3A_72 = arith.index_cast %swap3A_71 : i32 to index
      %swap3A_73 = arith.index_cast %add3A_61 : i32 to index
      %swap3A_74 = arith.constant 16 : index
      %swap3A_75 = tpu.vector_load %arg8[%swap3A_72, %swap3A_73, %swap3A_74] {strides = array<i32>} : memref<2x80x128xf32, #tpu.memory_space<vmem>>, vector<1x1x16xf32>,
      %swap3A_76 = vector.shape_cast %swap3A_75 : vector<1x1x16xf32> to vector<16xf32>
      %swap3A_77 = vector.shape_cast %broadcast_in_dim3A_70 : vector<16xf32> to vector<1x1x16xf32>
      tpu.vector_store %arg8[%swap3A_72, %swap3A_73, %swap3A_74], %swap3A_77 {strides = array<i32>} : memref<2x80x128xf32, #tpu.memory_space<vmem>>, vector<1x1x16xf32>,
      %broadcast_in_dim3A_78 = arith.constant 0.000000e+00 : f32
      %broadcast_in_dim3A_79 = vector.broadcast %broadcast_in_dim3A_78 : f32 to vector<16xf32>
      %swap3A_80 = arith.constant 0 : i32
      %swap3A_81 = arith.index_cast %swap3A_80 : i32 to index
      %swap3A_82 = arith.index_cast %add3A_61 : i32 to index
      %swap3A_83 = arith.constant 32 : index
      %swap3A_84 = tpu.vector_load %arg8[%swap3A_81, %swap3A_82, %swap3A_83] {strides = array<i32>} : memref<2x80x128xf32, #tpu.memory_space<vmem>>, vector<1x1x16xf32>,
      %swap3A_85 = vector.shape_cast %swap3A_84 : vector<1x1x16xf32> to vector<16xf32>
      %swap3A_86 = vector.shape_cast %broadcast_in_dim3A_79 : vector<16xf32> to vector<1x1x16xf32>
      tpu.vector_store %arg8[%swap3A_81, %swap3A_82, %swap3A_83], %swap3A_86 {strides = array<i32>} : memref<2x80x128xf32, #tpu.memory_space<vmem>>, vector<1x1x16xf32>,
      %broadcast_in_dim3A_87 = arith.constant 0.000000e+00 : f32
      %broadcast_in_dim3A_88 = vector.broadcast %broadcast_in_dim3A_87 : f32 to vector<16xf32>
      %swap3A_89 = arith.constant 0 : i32
      %swap3A_90 = arith.index_cast %swap3A_89 : i32 to index
      %swap3A_91 = arith.index_cast %add3A_61 : i32 to index
      %swap3A_92 = arith.constant 48 : index
      %swap3A_93 = tpu.vector_load %arg8[%swap3A_90, %swap3A_91, %swap3A_92] {strides = array<i32>} : memref<2x80x128xf32, #tpu.memory_space<vmem>>, vector<1x1x16xf32>,
      %swap3A_94 = vector.shape_cast %swap3A_93 : vector<1x1x16xf32> to vector<16xf32>
      %swap3A_95 = vector.shape_cast %broadcast_in_dim3A_88 : vector<16xf32> to vector<1x1x16xf32>
      tpu.vector_store %arg8[%swap3A_90, %swap3A_91, %swap3A_92], %swap3A_95 {strides = array<i32>} : memref<2x80x128xf32, #tpu.memory_space<vmem>>, vector<1x1x16xf32>,
      %broadcast_in_dim3A_96 = arith.constant 0.000000e+00 : f32
      %broadcast_in_dim3A_97 = vector.broadcast %broadcast_in_dim3A_96 : f32 to vector<16xf32>
      %swap3A_98 = arith.constant 0 : i32
      %swap3A_99 = arith.index_cast %swap3A_98 : i32 to index
      %swap3A_100 = arith.index_cast %add3A_61 : i32 to index
      %swap3A_101 = arith.constant 64 : index
      %swap3A_102 = tpu.vector_load %arg8[%swap3A_99, %swap3A_100, %swap3A_101] {strides = array<i32>} : memref<2x80x128xf32, #tpu.memory_space<vmem>>, vector<1x1x16xf32>,
      %swap3A_103 = vector.shape_cast %swap3A_102 : vector<1x1x16xf32> to vector<16xf32>
      %swap3A_104 = vector.shape_cast %broadcast_in_dim3A_97 : vector<16xf32> to vector<1x1x16xf32>
      tpu.vector_store %arg8[%swap3A_99, %swap3A_100, %swap3A_101], %swap3A_104 {strides = array<i32>} : memref<2x80x128xf32, #tpu.memory_space<vmem>>, vector<1x1x16xf32>,
      %broadcast_in_dim3A_105 = arith.constant 0.000000e+00 : f32
      %broadcast_in_dim3A_106 = vector.broadcast %broadcast_in_dim3A_105 : f32 to vector<16xf32>
      %swap3A_107 = arith.constant 0 : i32
      %swap3A_108 = arith.index_cast %swap3A_107 : i32 to index
      %swap3A_109 = arith.index_cast %add3A_61 : i32 to index
      %swap3A_110 = arith.constant 80 : index
      %swap3A_111 = tpu.vector_load %arg8[%swap3A_108, %swap3A_109, %swap3A_110] {strides = array<i32>} : memref<2x80x128xf32, #tpu.memory_space<vmem>>, vector<1x1x16xf32>,
      %swap3A_112 = vector.shape_cast %swap3A_111 : vector<1x1x16xf32> to vector<16xf32>
      %swap3A_113 = vector.shape_cast %broadcast_in_dim3A_106 : vector<16xf32> to vector<1x1x16xf32>
      tpu.vector_store %arg8[%swap3A_108, %swap3A_109, %swap3A_110], %swap3A_113 {strides = array<i32>} : memref<2x80x128xf32, #tpu.memory_space<vmem>>, vector<1x1x16xf32>,
      %broadcast_in_dim3A_114 = arith.constant 0.000000e+00 : f32
      %broadcast_in_dim3A_115 = vector.broadcast %broadcast_in_dim3A_114 : f32 to vector<16xf32>
      %swap3A_116 = arith.constant 0 : i32
      %swap3A_117 = arith.index_cast %swap3A_116 : i32 to index
      %swap3A_118 = arith.index_cast %add3A_61 : i32 to index
      %swap3A_119 = arith.constant 96 : index
      %swap3A_120 = tpu.vector_load %arg8[%swap3A_117, %swap3A_118, %swap3A_119] {strides = array<i32>} : memref<2x80x128xf32, #tpu.memory_space<vmem>>, vector<1x1x16xf32>,
      %swap3A_121 = vector.shape_cast %swap3A_120 : vector<1x1x16xf32> to vector<16xf32>
      %swap3A_122 = vector.shape_cast %broadcast_in_dim3A_115 : vector<16xf32> to vector<1x1x16xf32>
      tpu.vector_store %arg8[%swap3A_117, %swap3A_118, %swap3A_119], %swap3A_122 {strides = array<i32>} : memref<2x80x128xf32, #tpu.memory_space<vmem>>, vector<1x1x16xf32>,
      %broadcast_in_dim3A_123 = arith.constant 0.000000e+00 : f32
      %broadcast_in_dim3A_124 = vector.broadcast %broadcast_in_dim3A_123 : f32 to vector<16xf32>
      %swap3A_125 = arith.constant 0 : i32
      %swap3A_126 = arith.index_cast %swap3A_125 : i32 to index
      %swap3A_127 = arith.index_cast %add3A_61 : i32 to index
      %swap3A_128 = arith.constant 112 : index
      %swap3A_129 = tpu.vector_load %arg8[%swap3A_126, %swap3A_127, %swap3A_128] {strides = array<i32>} : memref<2x80x128xf32, #tpu.memory_space<vmem>>, vector<1x1x16xf32>,
      %swap3A_130 = vector.shape_cast %swap3A_129 : vector<1x1x16xf32> to vector<16xf32>
      %swap3A_131 = vector.shape_cast %broadcast_in_dim3A_124 : vector<16xf32> to vector<1x1x16xf32>
      tpu.vector_store %arg8[%swap3A_126, %swap3A_127, %swap3A_128], %swap3A_131 {strides = array<i32>} : memref<2x80x128xf32, #tpu.memory_space<vmem>>, vector<1x1x16xf32>,
      %broadcast_in_dim3A_132 = arith.constant 0.000000e+00 : f32
      %broadcast_in_dim3A_133 = vector.broadcast %broadcast_in_dim3A_132 : f32 to vector<16xf32>
      %swap3A_134 = arith.constant 1 : i32
      %swap3A_135 = arith.index_cast %swap3A_134 : i32 to index
      %swap3A_136 = arith.index_cast %add3A_61 : i32 to index
      %swap3A_137 = arith.constant 0 : index
      %swap3A_138 = tpu.vector_load %arg8[%swap3A_135, %swap3A_136, %swap3A_137] {strides = array<i32>} : memref<2x80x128xf32, #tpu.memory_space<vmem>>, vector<1x1x16xf32>,
      %swap3A_139 = vector.shape_cast %swap3A_138 : vector<1x1x16xf32> to vector<16xf32>
      %swap3A_140 = vector.shape_cast %broadcast_in_dim3A_133 : vector<16xf32> to vector<1x1x16xf32>
      tpu.vector_store %arg8[%swap3A_135, %swap3A_136, %swap3A_137], %swap3A_140 {strides = array<i32>} : memref<2x80x128xf32, #tpu.memory_space<vmem>>, vector<1x1x16xf32>,
      %broadcast_in_dim3A_141 = arith.constant 0.000000e+00 : f32
      %broadcast_in_dim3A_142 = vector.broadcast %broadcast_in_dim3A_141 : f32 to vector<16xf32>
      %swap3A_143 = arith.constant 1 : i32
      %swap3A_144 = arith.index_cast %swap3A_143 : i32 to index
      %swap3A_145 = arith.index_cast %add3A_61 : i32 to index
      %swap3A_146 = arith.constant 16 : index
      %swap3A_147 = tpu.vector_load %arg8[%swap3A_144, %swap3A_145, %swap3A_146] {strides = array<i32>} : memref<2x80x128xf32, #tpu.memory_space<vmem>>, vector<1x1x16xf32>,
      %swap3A_148 = vector.shape_cast %swap3A_147 : vector<1x1x16xf32> to vector<16xf32>
      %swap3A_149 = vector.shape_cast %broadcast_in_dim3A_142 : vector<16xf32> to vector<1x1x16xf32>
      tpu.vector_store %arg8[%swap3A_144, %swap3A_145, %swap3A_146], %swap3A_149 {strides = array<i32>} : memref<2x80x128xf32, #tpu.memory_space<vmem>>, vector<1x1x16xf32>,
      %broadcast_in_dim3A_150 = arith.constant 0.000000e+00 : f32
      %broadcast_in_dim3A_151 = vector.broadcast %broadcast_in_dim3A_150 : f32 to vector<16xf32>
      %swap3A_152 = arith.constant 1 : i32
      %swap3A_153 = arith.index_cast %swap3A_152 : i32 to index
      %swap3A_154 = arith.index_cast %add3A_61 : i32 to index
      %swap3A_155 = arith.constant 32 : index
      %swap3A_156 = tpu.vector_load %arg8[%swap3A_153, %swap3A_154, %swap3A_155] {strides = array<i32>} : memref<2x80x128xf32, #tpu.memory_space<vmem>>, vector<1x1x16xf32>,
      %swap3A_157 = vector.shape_cast %swap3A_156 : vector<1x1x16xf32> to vector<16xf32>
      %swap3A_158 = vector.shape_cast %broadcast_in_dim3A_151 : vector<16xf32> to vector<1x1x16xf32>
      tpu.vector_store %arg8[%swap3A_153, %swap3A_154, %swap3A_155], %swap3A_158 {strides = array<i32>} : memref<2x80x128xf32, #tpu.memory_space<vmem>>, vector<1x1x16xf32>,
      %broadcast_in_dim3A_159 = arith.constant 0.000000e+00 : f32
      %broadcast_in_dim3A_160 = vector.broadcast %broadcast_in_dim3A_159 : f32 to vector<16xf32>
      %swap3A_161 = arith.constant 1 : i32
      %swap3A_162 = arith.index_cast %swap3A_161 : i32 to index
      %swap3A_163 = arith.index_cast %add3A_61 : i32 to index
      %swap3A_164 = arith.constant 48 : index
      %swap3A_165 = tpu.vector_load %arg8[%swap3A_162, %swap3A_163, %swap3A_164] {strides = array<i32>} : memref<2x80x128xf32, #tpu.memory_space<vmem>>, vector<1x1x16xf32>,
      %swap3A_166 = vector.shape_cast %swap3A_165 : vector<1x1x16xf32> to vector<16xf32>
      %swap3A_167 = vector.shape_cast %broadcast_in_dim3A_160 : vector<16xf32> to vector<1x1x16xf32>
      tpu.vector_store %arg8[%swap3A_162, %swap3A_163, %swap3A_164], %swap3A_167 {strides = array<i32>} : memref<2x80x128xf32, #tpu.memory_space<vmem>>, vector<1x1x16xf32>,
      %broadcast_in_dim3A_168 = arith.constant 0.000000e+00 : f32
      %broadcast_in_dim3A_169 = vector.broadcast %broadcast_in_dim3A_168 : f32 to vector<16xf32>
      %swap3A_170 = arith.constant 1 : i32
      %swap3A_171 = arith.index_cast %swap3A_170 : i32 to index
      %swap3A_172 = arith.index_cast %add3A_61 : i32 to index
      %swap3A_173 = arith.constant 64 : index
      %swap3A_174 = tpu.vector_load %arg8[%swap3A_171, %swap3A_172, %swap3A_173] {strides = array<i32>} : memref<2x80x128xf32, #tpu.memory_space<vmem>>, vector<1x1x16xf32>,
      %swap3A_175 = vector.shape_cast %swap3A_174 : vector<1x1x16xf32> to vector<16xf32>
      %swap3A_176 = vector.shape_cast %broadcast_in_dim3A_169 : vector<16xf32> to vector<1x1x16xf32>
      tpu.vector_store %arg8[%swap3A_171, %swap3A_172, %swap3A_173], %swap3A_176 {strides = array<i32>} : memref<2x80x128xf32, #tpu.memory_space<vmem>>, vector<1x1x16xf32>,
      %broadcast_in_dim3A_177 = arith.constant 0.000000e+00 : f32
      %broadcast_in_dim3A_178 = vector.broadcast %broadcast_in_dim3A_177 : f32 to vector<16xf32>
      %swap3A_179 = arith.constant 1 : i32
      %swap3A_180 = arith.index_cast %swap3A_179 : i32 to index
      %swap3A_181 = arith.index_cast %add3A_61 : i32 to index
      %swap3A_182 = arith.constant 80 : index
      %swap3A_183 = tpu.vector_load %arg8[%swap3A_180, %swap3A_181, %swap3A_182] {strides = array<i32>} : memref<2x80x128xf32, #tpu.memory_space<vmem>>, vector<1x1x16xf32>,
      %swap3A_184 = vector.shape_cast %swap3A_183 : vector<1x1x16xf32> to vector<16xf32>
      %swap3A_185 = vector.shape_cast %broadcast_in_dim3A_178 : vector<16xf32> to vector<1x1x16xf32>
      tpu.vector_store %arg8[%swap3A_180, %swap3A_181, %swap3A_182], %swap3A_185 {strides = array<i32>} : memref<2x80x128xf32, #tpu.memory_space<vmem>>, vector<1x1x16xf32>,
      %broadcast_in_dim3A_186 = arith.constant 0.000000e+00 : f32
      %broadcast_in_dim3A_187 = vector.broadcast %broadcast_in_dim3A_186 : f32 to vector<16xf32>
      %swap3A_188 = arith.constant 1 : i32
      %swap3A_189 = arith.index_cast %swap3A_188 : i32 to index
      %swap3A_190 = arith.index_cast %add3A_61 : i32 to index
      %swap3A_191 = arith.constant 96 : index
      %swap3A_192 = tpu.vector_load %arg8[%swap3A_189, %swap3A_190, %swap3A_191] {strides = array<i32>} : memref<2x80x128xf32, #tpu.memory_space<vmem>>, vector<1x1x16xf32>,
      %swap3A_193 = vector.shape_cast %swap3A_192 : vector<1x1x16xf32> to vector<16xf32>
      %swap3A_194 = vector.shape_cast %broadcast_in_dim3A_187 : vector<16xf32> to vector<1x1x16xf32>
      tpu.vector_store %arg8[%swap3A_189, %swap3A_190, %swap3A_191], %swap3A_194 {strides = array<i32>} : memref<2x80x128xf32, #tpu.memory_space<vmem>>, vector<1x1x16xf32>,
      %broadcast_in_dim3A_195 = arith.constant 0.000000e+00 : f32
      %broadcast_in_dim3A_196 = vector.broadcast %broadcast_in_dim3A_195 : f32 to vector<16xf32>
      %swap3A_197 = arith.constant 1 : i32
      %swap3A_198 = arith.index_cast %swap3A_197 : i32 to index
      %swap3A_199 = arith.index_cast %add3A_61 : i32 to index
      %swap3A_200 = arith.constant 112 : index
      %swap3A_201 = tpu.vector_load %arg8[%swap3A_198, %swap3A_199, %swap3A_200] {strides = array<i32>} : memref<2x80x128xf32, #tpu.memory_space<vmem>>, vector<1x1x16xf32>,
      %swap3A_202 = vector.shape_cast %swap3A_201 : vector<1x1x16xf32> to vector<16xf32>
      %swap3A_203 = vector.shape_cast %broadcast_in_dim3A_196 : vector<16xf32> to vector<1x1x16xf32>
      tpu.vector_store %arg8[%swap3A_198, %swap3A_199, %swap3A_200], %swap3A_203 {strides = array<i32>} : memref<2x80x128xf32, #tpu.memory_space<vmem>>, vector<1x1x16xf32>,
    }
    %scan3A_6 = arith.constant 80 : i32
    %barrier3A = arith.constant 0 : index
    tpu.barrier barrier_id(%barrier3A)
    %mul3A_7 = arith.constant 10000 : i32
    %mul3A_8 = arith.muli %arg1, %mul3A_7 : i32
    %run_scoped3A = arith.constant 0 : i32
    "tpu.region"() ({
      %run_scoped3A_57 = tpu.sem_alloc : memref<!tpu.dma_semaphore, #tpu.memory_space<semaphore_mem>>
      %dma_start3A = arith.constant 0 : i32
      %dma_start3A_58 = tpu.memref_slice %arg6[%run_scoped3A, %dma_start3A] : memref<2x80xi32, #tpu.memory_space<vmem>> -> memref<1x80xi32, #tpu.memory_space<vmem>>
      %dma_start3A_59 = tpu.memref_squeeze %dma_start3A_58 : memref<1x80xi32, #tpu.memory_space<vmem>> -> memref<80xi32, #tpu.memory_space<vmem>>
      %dma_start3A_60 = tpu.memref_slice %arg3[%mul3A_8] : memref<160000xi32, #tpu.memory_space<hbm>> -> memref<80xi32, #tpu.memory_space<hbm>>
      %dma_start3A_61 = arith.constant 0 : i32
      %dma_start3A_62 = tpu.memref_slice %arg6[%run_scoped3A, %dma_start3A_61] : memref<2x80xi32, #tpu.memory_space<vmem>> -> memref<1x80xi32, #tpu.memory_space<vmem>>
      %dma_start3A_63 = tpu.memref_squeeze %dma_start3A_62 : memref<1x80xi32, #tpu.memory_space<vmem>> -> memref<80xi32, #tpu.memory_space<vmem>>
      %dma_start3A_64 = tpu.memref_slice %arg3[%mul3A_8] : memref<160000xi32, #tpu.memory_space<hbm>> -> memref<80xi32, #tpu.memory_space<hbm>>
      tpu.enqueue_dma source(%dma_start3A_64 : memref<80xi32, #tpu.memory_space<hbm>>) target(%dma_start3A_63 : memref<80xi32, #tpu.memory_space<vmem>>) target_semaphore(%run_scoped3A_57 : memref<!tpu.dma_semaphore, #tpu.memory_space<semaphore_mem>>)
      %dma_wait3A_65 = arith.constant 0 : i32
      %dma_wait3A_66 = tpu.memref_slice %arg6[%run_scoped3A, %dma_wait3A_65] : memref<2x80xi32, #tpu.memory_space<vmem>> -> memref<1x80xi32, #tpu.memory_space<vmem>>
      %dma_wait3A_67 = tpu.memref_squeeze %dma_wait3A_66 : memref<1x80xi32, #tpu.memory_space<vmem>> -> memref<80xi32, #tpu.memory_space<vmem>>
      %dma_wait3A_68 = tpu.memref_slice %arg3[%mul3A_8] : memref<160000xi32, #tpu.memory_space<hbm>> -> memref<80xi32, #tpu.memory_space<hbm>>
      %dma_wait3A_69 = arith.constant 0 : i32
      %dma_wait3A_70 = tpu.memref_slice %arg6[%run_scoped3A, %dma_wait3A_69] : memref<2x80xi32, #tpu.memory_space<vmem>> -> memref<1x80xi32, #tpu.memory_space<vmem>>
      %dma_wait3A_71 = tpu.memref_squeeze %dma_wait3A_70 : memref<1x80xi32, #tpu.memory_space<vmem>> -> memref<80xi32, #tpu.memory_space<vmem>>
      %dma_wait3A_72 = tpu.memref_slice %arg3[%mul3A_8] : memref<160000xi32, #tpu.memory_space<hbm>> -> memref<80xi32, #tpu.memory_space<hbm>>
      tpu.wait_dma2 semaphore(%run_scoped3A_57 : memref<!tpu.dma_semaphore, #tpu.memory_space<semaphore_mem>>) src(%dma_wait3A_72 : memref<80xi32, #tpu.memory_space<hbm>>) dst(%dma_wait3A_71 : memref<80xi32, #tpu.memory_space<vmem>>)
      tpu.yield
    }) : () -> ()
    %mul3A_9 = arith.constant 160000 : i32
    %mul3A_10 = arith.muli %arg0, %mul3A_9 : i32
    %mul3A_11 = arith.constant 10000 : i32
    %mul3A_12 = arith.muli %arg1, %mul3A_11 : i32
    %add3A = arith.addi %mul3A_10, %mul3A_12 : i32
    %run_scoped3A_13 = arith.constant 0 : i32
    "tpu.region"() ({
      %run_scoped3A_57 = tpu.sem_alloc : memref<!tpu.dma_semaphore, #tpu.memory_space<semaphore_mem>>
      %dma_start3A = arith.constant 0 : i32
      %dma_start3A_58 = arith.constant 0 : i32
      %dma_start3A_59 = tpu.memref_slice %arg7[%run_scoped3A_13, %dma_start3A, %dma_start3A_58] : memref<2x80x16xf32, #tpu.memory_space<vmem>> -> memref<1x80x16xf32, #tpu.memory_space<vmem>>
      %dma_start3A_60 = tpu.memref_squeeze %dma_start3A_59 : memref<1x80x16xf32, #tpu.memory_space<vmem>> -> memref<80x16xf32, #tpu.memory_space<vmem>>
      %dma_start3A_61 = arith.constant 0 : i32
      %dma_start3A_62 = tpu.memref_slice %arg2[%add3A, %dma_start3A_61] : memref<320000x16xf32, #tpu.memory_space<hbm>> -> memref<80x16xf32, #tpu.memory_space<hbm>>
      %dma_start3A_63 = arith.constant 0 : i32
      %dma_start3A_64 = arith.constant 0 : i32
      %dma_start3A_65 = tpu.memref_slice %arg7[%run_scoped3A_13, %dma_start3A_63, %dma_start3A_64] : memref<2x80x16xf32, #tpu.memory_space<vmem>> -> memref<1x80x16xf32, #tpu.memory_space<vmem>>
      %dma_start3A_66 = tpu.memref_squeeze %dma_start3A_65 : memref<1x80x16xf32, #tpu.memory_space<vmem>> -> memref<80x16xf32, #tpu.memory_space<vmem>>
      %dma_start3A_67 = arith.constant 0 : i32
      %dma_start3A_68 = tpu.memref_slice %arg2[%add3A, %dma_start3A_67] : memref<320000x16xf32, #tpu.memory_space<hbm>> -> memref<80x16xf32, #tpu.memory_space<hbm>>
      tpu.enqueue_dma source(%dma_start3A_68 : memref<80x16xf32, #tpu.memory_space<hbm>>) target(%dma_start3A_66 : memref<80x16xf32, #tpu.memory_space<vmem>>) target_semaphore(%run_scoped3A_57 : memref<!tpu.dma_semaphore, #tpu.memory_space<semaphore_mem>>)
      %dma_wait3A_69 = arith.constant 0 : i32
      %dma_wait3A_70 = arith.constant 0 : i32
      %dma_wait3A_71 = tpu.memref_slice %arg7[%run_scoped3A_13, %dma_wait3A_69, %dma_wait3A_70] : memref<2x80x16xf32, #tpu.memory_space<vmem>> -> memref<1x80x16xf32, #tpu.memory_space<vmem>>
      %dma_wait3A_72 = tpu.memref_squeeze %dma_wait3A_71 : memref<1x80x16xf32, #tpu.memory_space<vmem>> -> memref<80x16xf32, #tpu.memory_space<vmem>>
      %dma_wait3A_73 = arith.constant 0 : i32
      %dma_wait3A_74 = tpu.memref_slice %arg2[%add3A, %dma_wait3A_73] : memref<320000x16xf32, #tpu.memory_space<hbm>> -> memref<80x16xf32, #tpu.memory_space<hbm>>
      %dma_wait3A_75 = arith.constant 0 : i32
      %dma_wait3A_76 = arith.constant 0 : i32
      %dma_wait3A_77 = tpu.memref_slice %arg7[%run_scoped3A_13, %dma_wait3A_75, %dma_wait3A_76] : memref<2x80x16xf32, #tpu.memory_space<vmem>> -> memref<1x80x16xf32, #tpu.memory_space<vmem>>
      %dma_wait3A_78 = tpu.memref_squeeze %dma_wait3A_77 : memref<1x80x16xf32, #tpu.memory_space<vmem>> -> memref<80x16xf32, #tpu.memory_space<vmem>>
      %dma_wait3A_79 = arith.constant 0 : i32
      %dma_wait3A_80 = tpu.memref_slice %arg2[%add3A, %dma_wait3A_79] : memref<320000x16xf32, #tpu.memory_space<hbm>> -> memref<80x16xf32, #tpu.memory_space<hbm>>
      tpu.wait_dma2 semaphore(%run_scoped3A_57 : memref<!tpu.dma_semaphore, #tpu.memory_space<semaphore_mem>>) src(%dma_wait3A_80 : memref<80x16xf32, #tpu.memory_space<hbm>>) dst(%dma_wait3A_78 : memref<80x16xf32, #tpu.memory_space<vmem>>)
      tpu.yield
    }) : () -> ()
    %scan3A_14 = arith.constant 0 : i32
    %scan3A_15 = arith.constant 125 : i32
    %scan3A_16 = arith.addi %scan3A_14, %scan3A_15 : i32
    %scan3A_17 = arith.constant 1 : i32
    scf.for %scan3A_57 = %scan3A_14 to %scan3A_16 step %scan3A_17  : i32 {
      %mul3A_58 = arith.constant 1 : i32
      %mul3A_59 = arith.muli %scan3A_57, %mul3A_58 : i32
      %add3A_60 = arith.constant 0 : i32
      %add3A_61 = arith.addi %add3A_60, %mul3A_59 : i32
      %rem3A = arith.constant 2 : i32
      %rem3A_62 = arith.remsi %add3A_61, %rem3A : i32
      %sub3A = arith.constant 1 : i32
      %sub3A_63 = arith.subi %sub3A, %rem3A_62 : i32
      %mul3A_64 = arith.constant 10000 : i32
      %mul3A_65 = arith.muli %arg1, %mul3A_64 : i32
      %add3A_66 = arith.constant 1 : i32
      %add3A_67 = arith.addi %add3A_61, %add3A_66 : i32
      %min3A = arith.constant 124 : i32
      %min3A_68 = arith.minsi %add3A_67, %min3A : i32
      %mul3A_69 = arith.constant 80 : i32
      %mul3A_70 = arith.muli %min3A_68, %mul3A_69 : i32
      %add3A_71 = arith.addi %mul3A_65, %mul3A_70 : i32
      %dma_start3A = arith.constant 0 : i32
      %dma_start3A_72 = tpu.memref_slice %arg6[%sub3A_63, %dma_start3A] : memref<2x80xi32, #tpu.memory_space<vmem>> -> memref<1x80xi32, #tpu.memory_space<vmem>>
      %dma_start3A_73 = tpu.memref_squeeze %dma_start3A_72 : memref<1x80xi32, #tpu.memory_space<vmem>> -> memref<80xi32, #tpu.memory_space<vmem>>
      %dma_start3A_74 = tpu.memref_slice %arg3[%add3A_71] : memref<160000xi32, #tpu.memory_space<hbm>> -> memref<80xi32, #tpu.memory_space<hbm>>
      %dma_start3A_75 = arith.constant 0 : i32
      %dma_start3A_76 = tpu.memref_slice %arg6[%sub3A_63, %dma_start3A_75] : memref<2x80xi32, #tpu.memory_space<vmem>> -> memref<1x80xi32, #tpu.memory_space<vmem>>
      %dma_start3A_77 = tpu.memref_squeeze %dma_start3A_76 : memref<1x80xi32, #tpu.memory_space<vmem>> -> memref<80xi32, #tpu.memory_space<vmem>>
      %dma_start3A_78 = tpu.memref_slice %arg3[%add3A_71] : memref<160000xi32, #tpu.memory_space<hbm>> -> memref<80xi32, #tpu.memory_space<hbm>>
      tpu.enqueue_dma source(%dma_start3A_78 : memref<80xi32, #tpu.memory_space<hbm>>) target(%dma_start3A_77 : memref<80xi32, #tpu.memory_space<vmem>>) target_semaphore(%arg10 : memref<!tpu.dma_semaphore, #tpu.memory_space<semaphore_mem>>)
      %mul3A_79 = arith.constant 160000 : i32
      %mul3A_80 = arith.muli %arg0, %mul3A_79 : i32
      %add3A_81 = arith.addi %mul3A_80, %add3A_71 : i32
      %dma_start3A_82 = arith.constant 0 : i32
      %dma_start3A_83 = arith.constant 0 : i32
      %dma_start3A_84 = tpu.memref_slice %arg7[%sub3A_63, %dma_start3A_82, %dma_start3A_83] : memref<2x80x16xf32, #tpu.memory_space<vmem>> -> memref<1x80x16xf32, #tpu.memory_space<vmem>>
      %dma_start3A_85 = tpu.memref_squeeze %dma_start3A_84 : memref<1x80x16xf32, #tpu.memory_space<vmem>> -> memref<80x16xf32, #tpu.memory_space<vmem>>
      %dma_start3A_86 = arith.constant 0 : i32
      %dma_start3A_87 = tpu.memref_slice %arg2[%add3A_81, %dma_start3A_86] : memref<320000x16xf32, #tpu.memory_space<hbm>> -> memref<80x16xf32, #tpu.memory_space<hbm>>
      %dma_start3A_88 = arith.constant 0 : i32
      %dma_start3A_89 = arith.constant 0 : i32
      %dma_start3A_90 = tpu.memref_slice %arg7[%sub3A_63, %dma_start3A_88, %dma_start3A_89] : memref<2x80x16xf32, #tpu.memory_space<vmem>> -> memref<1x80x16xf32, #tpu.memory_space<vmem>>
      %dma_start3A_91 = tpu.memref_squeeze %dma_start3A_90 : memref<1x80x16xf32, #tpu.memory_space<vmem>> -> memref<80x16xf32, #tpu.memory_space<vmem>>
      %dma_start3A_92 = arith.constant 0 : i32
      %dma_start3A_93 = tpu.memref_slice %arg2[%add3A_81, %dma_start3A_92] : memref<320000x16xf32, #tpu.memory_space<hbm>> -> memref<80x16xf32, #tpu.memory_space<hbm>>
      tpu.enqueue_dma source(%dma_start3A_93 : memref<80x16xf32, #tpu.memory_space<hbm>>) target(%dma_start3A_91 : memref<80x16xf32, #tpu.memory_space<vmem>>) target_semaphore(%arg10 : memref<!tpu.dma_semaphore, #tpu.memory_space<semaphore_mem>>)
      %ge3A = arith.constant 2 : i32
      %ge3A_94 = arith.cmpi sge, %add3A_61, %ge3A : i32
      %convert_element_type3A_95 = arith.extui %ge3A_94 : i1 to i32
      %cond3A_96 = arith.constant 0 : i32
      %cond3A_97 = arith.cmpi ne, %convert_element_type3A_95, %cond3A_96 : i32
      scf.if %cond3A_97 {
        %dma_wait3A_133 = arith.constant 0 : i32
        %dma_wait3A_134 = arith.constant 0 : i32
        %dma_wait3A_135 = tpu.memref_slice %arg8[%rem3A_62, %dma_wait3A_133, %dma_wait3A_134] : memref<2x80x128xf32, #tpu.memory_space<vmem>> -> memref<1x80x128xf32, #tpu.memory_space<vmem>>
        %dma_wait3A_136 = tpu.memref_squeeze %dma_wait3A_135 : memref<1x80x128xf32, #tpu.memory_space<vmem>> -> memref<80x128xf32, #tpu.memory_space<vmem>>
        %dma_wait3A_137 = arith.constant 0 : i32
        %dma_wait3A_138 = arith.constant 0 : i32
        %dma_wait3A_139 = tpu.memref_slice %arg4[%dma_wait3A_137, %dma_wait3A_138] : memref<10000x128xf32, #tpu.memory_space<hbm>> -> memref<80x128xf32, #tpu.memory_space<hbm>>
        %dma_wait3A_140 = arith.constant 0 : i32
        %dma_wait3A_141 = arith.constant 0 : i32
        %dma_wait3A_142 = tpu.memref_slice %arg8[%rem3A_62, %dma_wait3A_140, %dma_wait3A_141] : memref<2x80x128xf32, #tpu.memory_space<vmem>> -> memref<1x80x128xf32, #tpu.memory_space<vmem>>
        %dma_wait3A_143 = tpu.memref_squeeze %dma_wait3A_142 : memref<1x80x128xf32, #tpu.memory_space<vmem>> -> memref<80x128xf32, #tpu.memory_space<vmem>>
        %dma_wait3A_144 = arith.constant 0 : i32
        %dma_wait3A_145 = arith.constant 0 : i32
        %dma_wait3A_146 = tpu.memref_slice %arg4[%dma_wait3A_144, %dma_wait3A_145] : memref<10000x128xf32, #tpu.memory_space<hbm>> -> memref<80x128xf32, #tpu.memory_space<hbm>>
        tpu.wait_dma2 semaphore(%arg11 : memref<!tpu.dma_semaphore, #tpu.memory_space<semaphore_mem>>) src(%dma_wait3A_146 : memref<80x128xf32, #tpu.memory_space<hbm>>) dst(%dma_wait3A_143 : memref<80x128xf32, #tpu.memory_space<vmem>>)
      } else {
      }
      %scan3A_98 = arith.constant 0 : i32
      %scan3A_99 = arith.constant 80 : i32
      %scan3A_100 = arith.addi %scan3A_98, %scan3A_99 : i32
      %scan3A_101 = arith.constant 1 : i32
      scf.for %scan3A_133 = %scan3A_98 to %scan3A_100 step %scan3A_101  : i32 {
        %mul3A_134 = arith.constant 1 : i32
        %mul3A_135 = arith.muli %scan3A_133, %mul3A_134 : i32
        %add3A_136 = arith.constant 0 : i32
        %add3A_137 = arith.addi %add3A_136, %mul3A_135 : i32
        %get3A = arith.index_cast %rem3A_62 : i32 to index
        %get3A_138 = arith.index_cast %add3A_137 : i32 to index
        %get3A_139 = arith.constant 0 : index
        %get3A_140 = tpu.vector_load %arg7[%get3A, %get3A_138, %get3A_139] {strides = array<i32>} : memref<2x80x16xf32, #tpu.memory_space<vmem>>, vector<1x1x16xf32>,
        %get3A_141 = vector.shape_cast %get3A_140 : vector<1x1x16xf32> to vector<16xf32>
        %swap3A = arith.index_cast %rem3A_62 : i32 to index
        %swap3A_142 = arith.index_cast %add3A_137 : i32 to index
        %swap3A_143 = arith.constant 0 : index
        %swap3A_144 = tpu.vector_load %arg8[%swap3A, %swap3A_142, %swap3A_143] {strides = array<i32>} : memref<2x80x128xf32, #tpu.memory_space<vmem>>, vector<1x1x16xf32>,
        %swap3A_145 = vector.shape_cast %swap3A_144 : vector<1x1x16xf32> to vector<16xf32>
        %swap3A_146 = vector.shape_cast %get3A_141 : vector<16xf32> to vector<1x1x16xf32>
        tpu.vector_store %arg8[%swap3A, %swap3A_142, %swap3A_143], %swap3A_146 {strides = array<i32>} : memref<2x80x128xf32, #tpu.memory_space<vmem>>, vector<1x1x16xf32>,
      }
      %scan3A_102 = arith.constant 80 : i32
      %dma_start3A_103 = arith.constant 0 : i32
      %dma_start3A_104 = arith.constant 0 : i32
      %dma_start3A_105 = tpu.memref_slice %arg8[%rem3A_62, %dma_start3A_103, %dma_start3A_104] : memref<2x80x128xf32, #tpu.memory_space<vmem>> -> memref<1x80x128xf32, #tpu.memory_space<vmem>>
      %dma_start3A_106 = tpu.memref_squeeze %dma_start3A_105 : memref<1x80x128xf32, #tpu.memory_space<vmem>> -> memref<80x128xf32, #tpu.memory_space<vmem>>
      %dma_start3A_107 = arith.constant 0 : i32
      %dma_start3A_108 = tpu.memref_slice %arg6[%rem3A_62, %dma_start3A_107] : memref<2x80xi32, #tpu.memory_space<vmem>> -> memref<1x80xi32, #tpu.memory_space<vmem>>
      %dma_start3A_109 = tpu.memref_squeeze %dma_start3A_108 : memref<1x80xi32, #tpu.memory_space<vmem>> -> memref<80xi32, #tpu.memory_space<vmem>>
      %dma_start3A_110 = arith.constant 0 : i32
      %dma_start3A_111 = arith.constant 0 : i32
      %dma_start3A_112 = tpu.memref_slice %arg9[%dma_start3A_110, %dma_start3A_111] : memref<10000x128xf32, #tpu.memory_space<vmem_shared>> -> memref<10000x128xf32, #tpu.memory_space<vmem_shared>>
      tpu.enqueue_indirect_dma source(%dma_start3A_106 : memref<80x128xf32, #tpu.memory_space<vmem>>) target(%dma_start3A_112 : memref<10000x128xf32, #tpu.memory_space<vmem_shared>>) offsets(%dma_start3A_109 : memref<80xi32, #tpu.memory_space<vmem>>) semaphore(%arg11 : memref<!tpu.dma_semaphore, #tpu.memory_space<semaphore_mem>>) {add = true}
      %dma_wait3A_113 = arith.constant 0 : i32
      %dma_wait3A_114 = tpu.memref_slice %arg6[%sub3A_63, %dma_wait3A_113] : memref<2x80xi32, #tpu.memory_space<vmem>> -> memref<1x80xi32, #tpu.memory_space<vmem>>
      %dma_wait3A_115 = tpu.memref_squeeze %dma_wait3A_114 : memref<1x80xi32, #tpu.memory_space<vmem>> -> memref<80xi32, #tpu.memory_space<vmem>>
      %dma_wait3A_116 = tpu.memref_slice %arg3[%add3A_71] : memref<160000xi32, #tpu.memory_space<hbm>> -> memref<80xi32, #tpu.memory_space<hbm>>
      %dma_wait3A_117 = arith.constant 0 : i32
      %dma_wait3A_118 = tpu.memref_slice %arg6[%sub3A_63, %dma_wait3A_117] : memref<2x80xi32, #tpu.memory_space<vmem>> -> memref<1x80xi32, #tpu.memory_space<vmem>>
      %dma_wait3A_119 = tpu.memref_squeeze %dma_wait3A_118 : memref<1x80xi32, #tpu.memory_space<vmem>> -> memref<80xi32, #tpu.memory_space<vmem>>
      %dma_wait3A_120 = tpu.memref_slice %arg3[%add3A_71] : memref<160000xi32, #tpu.memory_space<hbm>> -> memref<80xi32, #tpu.memory_space<hbm>>
      tpu.wait_dma2 semaphore(%arg10 : memref<!tpu.dma_semaphore, #tpu.memory_space<semaphore_mem>>) src(%dma_wait3A_120 : memref<80xi32, #tpu.memory_space<hbm>>) dst(%dma_wait3A_119 : memref<80xi32, #tpu.memory_space<vmem>>)
      %dma_wait3A_121 = arith.constant 0 : i32
      %dma_wait3A_122 = arith.constant 0 : i32
      %dma_wait3A_123 = tpu.memref_slice %arg7[%sub3A_63, %dma_wait3A_121, %dma_wait3A_122] : memref<2x80x16xf32, #tpu.memory_space<vmem>> -> memref<1x80x16xf32, #tpu.memory_space<vmem>>
      %dma_wait3A_124 = tpu.memref_squeeze %dma_wait3A_123 : memref<1x80x16xf32, #tpu.memory_space<vmem>> -> memref<80x16xf32, #tpu.memory_space<vmem>>
      %dma_wait3A_125 = arith.constant 0 : i32
      %dma_wait3A_126 = tpu.memref_slice %arg2[%add3A_81, %dma_wait3A_125] : memref<320000x16xf32, #tpu.memory_space<hbm>> -> memref<80x16xf32, #tpu.memory_space<hbm>>
      %dma_wait3A_127 = arith.constant 0 : i32
      %dma_wait3A_128 = arith.constant 0 : i32
      %dma_wait3A_129 = tpu.memref_slice %arg7[%sub3A_63, %dma_wait3A_127, %dma_wait3A_128] : memref<2x80x16xf32, #tpu.memory_space<vmem>> -> memref<1x80x16xf32, #tpu.memory_space<vmem>>
      %dma_wait3A_130 = tpu.memref_squeeze %dma_wait3A_129 : memref<1x80x16xf32, #tpu.memory_space<vmem>> -> memref<80x16xf32, #tpu.memory_space<vmem>>
      %dma_wait3A_131 = arith.constant 0 : i32
      %dma_wait3A_132 = tpu.memref_slice %arg2[%add3A_81, %dma_wait3A_131] : memref<320000x16xf32, #tpu.memory_space<hbm>> -> memref<80x16xf32, #tpu.memory_space<hbm>>
      tpu.wait_dma2 semaphore(%arg10 : memref<!tpu.dma_semaphore, #tpu.memory_space<semaphore_mem>>) src(%dma_wait3A_132 : memref<80x16xf32, #tpu.memory_space<hbm>>) dst(%dma_wait3A_130 : memref<80x16xf32, #tpu.memory_space<vmem>>)
    }
    %scan3A_18 = arith.constant 125 : i32
    %dma_wait3A = arith.constant 0 : i32
    %dma_wait3A_19 = arith.constant 0 : i32
    %dma_wait3A_20 = arith.constant 0 : i32
    %dma_wait3A_21 = tpu.memref_slice %arg8[%dma_wait3A, %dma_wait3A_19, %dma_wait3A_20] : memref<2x80x128xf32, #tpu.memory_space<vmem>> -> memref<1x80x128xf32, #tpu.memory_space<vmem>>
    %dma_wait3A_22 = tpu.memref_squeeze %dma_wait3A_21 : memref<1x80x128xf32, #tpu.memory_space<vmem>> -> memref<80x128xf32, #tpu.memory_space<vmem>>
    %dma_wait3A_23 = arith.constant 0 : i32
    %dma_wait3A_24 = arith.constant 0 : i32
    %dma_wait3A_25 = tpu.memref_slice %arg4[%dma_wait3A_23, %dma_wait3A_24] : memref<10000x128xf32, #tpu.memory_space<hbm>> -> memref<80x128xf32, #tpu.memory_space<hbm>>
    %dma_wait3A_26 = arith.constant 0 : i32
    %dma_wait3A_27 = arith.constant 0 : i32
    %dma_wait3A_28 = tpu.memref_slice %arg8[%dma_wait3A, %dma_wait3A_26, %dma_wait3A_27] : memref<2x80x128xf32, #tpu.memory_space<vmem>> -> memref<1x80x128xf32, #tpu.memory_space<vmem>>
    %dma_wait3A_29 = tpu.memref_squeeze %dma_wait3A_28 : memref<1x80x128xf32, #tpu.memory_space<vmem>> -> memref<80x128xf32, #tpu.memory_space<vmem>>
    %dma_wait3A_30 = arith.constant 0 : i32
    %dma_wait3A_31 = arith.constant 0 : i32
    %dma_wait3A_32 = tpu.memref_slice %arg4[%dma_wait3A_30, %dma_wait3A_31] : memref<10000x128xf32, #tpu.memory_space<hbm>> -> memref<80x128xf32, #tpu.memory_space<hbm>>
    tpu.wait_dma2 semaphore(%arg11 : memref<!tpu.dma_semaphore, #tpu.memory_space<semaphore_mem>>) src(%dma_wait3A_32 : memref<80x128xf32, #tpu.memory_space<hbm>>) dst(%dma_wait3A_29 : memref<80x128xf32, #tpu.memory_space<vmem>>)
    %dma_wait3A_33 = arith.constant 1 : i32
    %dma_wait3A_34 = arith.constant 0 : i32
    %dma_wait3A_35 = arith.constant 0 : i32
    %dma_wait3A_36 = tpu.memref_slice %arg8[%dma_wait3A_33, %dma_wait3A_34, %dma_wait3A_35] : memref<2x80x128xf32, #tpu.memory_space<vmem>> -> memref<1x80x128xf32, #tpu.memory_space<vmem>>
    %dma_wait3A_37 = tpu.memref_squeeze %dma_wait3A_36 : memref<1x80x128xf32, #tpu.memory_space<vmem>> -> memref<80x128xf32, #tpu.memory_space<vmem>>
    %dma_wait3A_38 = arith.constant 0 : i32
    %dma_wait3A_39 = arith.constant 0 : i32
    %dma_wait3A_40 = tpu.memref_slice %arg4[%dma_wait3A_38, %dma_wait3A_39] : memref<10000x128xf32, #tpu.memory_space<hbm>> -> memref<80x128xf32, #tpu.memory_space<hbm>>
    %dma_wait3A_41 = arith.constant 0 : i32
    %dma_wait3A_42 = arith.constant 0 : i32
    %dma_wait3A_43 = tpu.memref_slice %arg8[%dma_wait3A_33, %dma_wait3A_41, %dma_wait3A_42] : memref<2x80x128xf32, #tpu.memory_space<vmem>> -> memref<1x80x128xf32, #tpu.memory_space<vmem>>
    %dma_wait3A_44 = tpu.memref_squeeze %dma_wait3A_43 : memref<1x80x128xf32, #tpu.memory_space<vmem>> -> memref<80x128xf32, #tpu.memory_space<vmem>>
    %dma_wait3A_45 = arith.constant 0 : i32
    %dma_wait3A_46 = arith.constant 0 : i32
    %dma_wait3A_47 = tpu.memref_slice %arg4[%dma_wait3A_45, %dma_wait3A_46] : memref<10000x128xf32, #tpu.memory_space<hbm>> -> memref<80x128xf32, #tpu.memory_space<hbm>>
    tpu.wait_dma2 semaphore(%arg11 : memref<!tpu.dma_semaphore, #tpu.memory_space<semaphore_mem>>) src(%dma_wait3A_47 : memref<80x128xf32, #tpu.memory_space<hbm>>) dst(%dma_wait3A_44 : memref<80x128xf32, #tpu.memory_space<vmem>>)
    %barrier3A_48 = arith.constant 0 : index
    tpu.barrier barrier_id(%barrier3A_48)
    %mul3A_49 = arith.constant 10000 : i32
    %mul3A_50 = arith.muli %arg0, %mul3A_49 : i32
    %add3A_51 = arith.addi %mul3A_50, %mul3A_0 : i32
    "tpu.region"() ({
      %run_scoped3A_57 = tpu.sem_alloc : memref<!tpu.dma_semaphore, #tpu.memory_space<semaphore_mem>>
      %dma_start3A = arith.constant 0 : i32
      %dma_start3A_58 = tpu.memref_slice %arg5[%add3A_51, %dma_start3A] : memref<20000x128xf32, #tpu.memory_space<hbm>> -> memref<624x128xf32, #tpu.memory_space<hbm>>
      %dma_start3A_59 = arith.constant 0 : i32
      %dma_start3A_60 = tpu.memref_slice %arg9[%mul3A_0, %dma_start3A_59] : memref<10000x128xf32, #tpu.memory_space<vmem_shared>> -> memref<624x128xf32, #tpu.memory_space<vmem_shared>>
      tpu.enqueue_dma source(%dma_start3A_60 : memref<624x128xf32, #tpu.memory_space<vmem_shared>>) target(%dma_start3A_58 : memref<624x128xf32, #tpu.memory_space<hbm>>) target_semaphore(%run_scoped3A_57 : memref<!tpu.dma_semaphore, #tpu.memory_space<semaphore_mem>>)
      %dma_wait3A_61 = arith.constant 0 : i32
      %dma_wait3A_62 = tpu.memref_slice %arg5[%add3A_51, %dma_wait3A_61] : memref<20000x128xf32, #tpu.memory_space<hbm>> -> memref<624x128xf32, #tpu.memory_space<hbm>>
      %dma_wait3A_63 = arith.constant 0 : i32
      %dma_wait3A_64 = tpu.memref_slice %arg9[%mul3A_0, %dma_wait3A_63] : memref<10000x128xf32, #tpu.memory_space<vmem_shared>> -> memref<624x128xf32, #tpu.memory_space<vmem_shared>>
      tpu.wait_dma2 semaphore(%run_scoped3A_57 : memref<!tpu.dma_semaphore, #tpu.memory_space<semaphore_mem>>) src(%dma_wait3A_64 : memref<624x128xf32, #tpu.memory_space<vmem_shared>>) dst(%dma_wait3A_62 : memref<624x128xf32, #tpu.memory_space<hbm>>)
      tpu.yield
    }) : () -> ()
    %lt3A_52 = arith.constant 2 : i32
    %lt3A_53 = arith.cmpi slt, %arg1, %lt3A_52 : i32
    %convert_element_type3A_54 = arith.extui %lt3A_53 : i1 to i32
    %cond3A_55 = arith.constant 0 : i32
    %cond3A_56 = arith.cmpi ne, %convert_element_type3A_54, %cond3A_55 : i32
    scf.if %cond3A_56 {
      %mul3A_57 = arith.constant 8 : i32
      %mul3A_58 = arith.muli %arg1, %mul3A_57 : i32
      %add3A_59 = arith.constant 9984 : i32
      %add3A_60 = arith.addi %add3A_59, %mul3A_58 : i32
      %mul3A_61 = arith.constant 10000 : i32
      %mul3A_62 = arith.muli %arg0, %mul3A_61 : i32
      %add3A_63 = arith.addi %mul3A_62, %add3A_60 : i32
      "tpu.region"() ({
        %run_scoped3A_64 = tpu.sem_alloc : memref<!tpu.dma_semaphore, #tpu.memory_space<semaphore_mem>>
        %dma_start3A = arith.constant 0 : i32
        %dma_start3A_65 = tpu.memref_slice %arg5[%add3A_63, %dma_start3A] : memref<20000x128xf32, #tpu.memory_space<hbm>> -> memref<8x128xf32, #tpu.memory_space<hbm>>
        %dma_start3A_66 = arith.constant 0 : i32
        %dma_start3A_67 = tpu.memref_slice %arg9[%add3A_60, %dma_start3A_66] : memref<10000x128xf32, #tpu.memory_space<vmem_shared>> -> memref<8x128xf32, #tpu.memory_space<vmem_shared>>
        tpu.enqueue_dma source(%dma_start3A_67 : memref<8x128xf32, #tpu.memory_space<vmem_shared>>) target(%dma_start3A_65 : memref<8x128xf32, #tpu.memory_space<hbm>>) target_semaphore(%run_scoped3A_64 : memref<!tpu.dma_semaphore, #tpu.memory_space<semaphore_mem>>)
        %dma_wait3A_68 = arith.constant 0 : i32
        %dma_wait3A_69 = tpu.memref_slice %arg5[%add3A_63, %dma_wait3A_68] : memref<20000x128xf32, #tpu.memory_space<hbm>> -> memref<8x128xf32, #tpu.memory_space<hbm>>
        %dma_wait3A_70 = arith.constant 0 : i32
        %dma_wait3A_71 = tpu.memref_slice %arg9[%add3A_60, %dma_wait3A_70] : memref<10000x128xf32, #tpu.memory_space<vmem_shared>> -> memref<8x128xf32, #tpu.memory_space<vmem_shared>>
        tpu.wait_dma2 semaphore(%run_scoped3A_64 : memref<!tpu.dma_semaphore, #tpu.memory_space<semaphore_mem>>) src(%dma_wait3A_71 : memref<8x128xf32, #tpu.memory_space<vmem_shared>>) dst(%dma_wait3A_69 : memref<8x128xf32, #tpu.memory_space<hbm>>)
        tpu.yield
      }) : () -> ()
    } else {
    }
    return
  }
}

#map = affine_map<(d0, d1) -> (0, 0)>
#map1 = affine_map<(d0, d1) -> (0)>
module attributes {stable_mosaic.version = 14 : i64} {
  func.func @_sc_edge_body(%arg0: i32, %arg1: i32, %arg2: memref<20000x128xf32, #tpu.memory_space<hbm>>, %arg3: memref<20000x128xf32, #tpu.memory_space<hbm>>, %arg4: memref<20000x128xf32, #tpu.memory_space<hbm>>, %arg5: memref<40960000xf32, #tpu.memory_space<hbm>>, %arg6: memref<160000xi32, #tpu.memory_space<hbm>>, %arg7: memref<160000xi32, #tpu.memory_space<hbm>>, %arg8: memref<10000x128xf32, #tpu.memory_space<hbm>>, %arg9: memref<40960000xf32, #tpu.memory_space<hbm>>, %arg10: memref<20000x128xf32, #tpu.memory_space<hbm>>, %arg11: memref<320000x16xf32, #tpu.memory_space<hbm>>, %arg12: memref<3x2x80xi32, #tpu.memory_space<vmem>>, %arg13: memref<80xi32, #tpu.memory_space<vmem>>, %arg14: memref<80x128xf32, #tpu.memory_space<vmem>>, %arg15: memref<80x128xf32, #tpu.memory_space<vmem>>, %arg16: memref<10240xf32, #tpu.memory_space<vmem>>, %arg17: memref<80x16xf32, #tpu.memory_space<vmem>>, %arg18: memref<10000x128xf32, #tpu.memory_space<vmem_shared>>, %arg19: memref<!tpu.dma_semaphore, #tpu.memory_space<semaphore_mem>>, %arg20: memref<!tpu.dma_semaphore, #tpu.memory_space<semaphore_mem>>, %arg21: memref<!tpu.dma_semaphore, #tpu.memory_space<semaphore_mem>>, %arg22: memref<!tpu.dma_semaphore, #tpu.memory_space<semaphore_mem>>) attributes {dimension_semantics = [#tpu.dimension_semantics<core_parallel>, #tpu.dimension_semantics<subcore_parallel>], iteration_bounds = array<i64: 2, 16>, scalar_prefetch = 0 : i64, scratch_operands = 11 : i64, tpu.core_type = #tpu.core_type<sc_vector_subcore>, window_params = [{transform_indices = #map}, {transform_indices = #map}, {transform_indices = #map}, {transform_indices = #map1}, {transform_indices = #map1}, {transform_indices = #map1}, {transform_indices = #map}, {transform_indices = #map1}, {transform_indices = #map}, {transform_indices = #map}]} {
    %mul3A = arith.constant 624 : i32
    %mul3A_0 = arith.muli %arg1, %mul3A : i32
    "tpu.region"() ({
      %run_scoped3A_27 = tpu.sem_alloc : memref<!tpu.dma_semaphore, #tpu.memory_space<semaphore_mem>>
      %dma_start3A = arith.constant 0 : i32
      %dma_start3A_28 = tpu.memref_slice %arg18[%mul3A_0, %dma_start3A] : memref<10000x128xf32, #tpu.memory_space<vmem_shared>> -> memref<624x128xf32, #tpu.memory_space<vmem_shared>>
      %dma_start3A_29 = arith.constant 0 : i32
      %dma_start3A_30 = tpu.memref_slice %arg8[%mul3A_0, %dma_start3A_29] : memref<10000x128xf32, #tpu.memory_space<hbm>> -> memref<624x128xf32, #tpu.memory_space<hbm>>
      tpu.enqueue_dma source(%dma_start3A_30 : memref<624x128xf32, #tpu.memory_space<hbm>>) target(%dma_start3A_28 : memref<624x128xf32, #tpu.memory_space<vmem_shared>>) target_semaphore(%run_scoped3A_27 : memref<!tpu.dma_semaphore, #tpu.memory_space<semaphore_mem>>)
      %dma_wait3A_31 = arith.constant 0 : i32
      %dma_wait3A_32 = tpu.memref_slice %arg18[%mul3A_0, %dma_wait3A_31] : memref<10000x128xf32, #tpu.memory_space<vmem_shared>> -> memref<624x128xf32, #tpu.memory_space<vmem_shared>>
      %dma_wait3A_33 = arith.constant 0 : i32
      %dma_wait3A_34 = tpu.memref_slice %arg8[%mul3A_0, %dma_wait3A_33] : memref<10000x128xf32, #tpu.memory_space<hbm>> -> memref<624x128xf32, #tpu.memory_space<hbm>>
      tpu.wait_dma2 semaphore(%run_scoped3A_27 : memref<!tpu.dma_semaphore, #tpu.memory_space<semaphore_mem>>) src(%dma_wait3A_34 : memref<624x128xf32, #tpu.memory_space<hbm>>) dst(%dma_wait3A_32 : memref<624x128xf32, #tpu.memory_space<vmem_shared>>)
      tpu.yield
    }) : () -> ()
    %lt3A = arith.constant 2 : i32
    %lt3A_1 = arith.cmpi slt, %arg1, %lt3A : i32
    %convert_element_type3A = arith.extui %lt3A_1 : i1 to i32
    %cond3A = arith.constant 0 : i32
    %cond3A_2 = arith.cmpi ne, %convert_element_type3A, %cond3A : i32
    scf.if %cond3A_2 {
      %mul3A_27 = arith.constant 8 : i32
      %mul3A_28 = arith.muli %arg1, %mul3A_27 : i32
      %add3A_29 = arith.constant 9984 : i32
      %add3A_30 = arith.addi %add3A_29, %mul3A_28 : i32
      "tpu.region"() ({
        %run_scoped3A_31 = tpu.sem_alloc : memref<!tpu.dma_semaphore, #tpu.memory_space<semaphore_mem>>
        %dma_start3A = arith.constant 0 : i32
        %dma_start3A_32 = tpu.memref_slice %arg18[%add3A_30, %dma_start3A] : memref<10000x128xf32, #tpu.memory_space<vmem_shared>> -> memref<8x128xf32, #tpu.memory_space<vmem_shared>>
        %dma_start3A_33 = arith.constant 0 : i32
        %dma_start3A_34 = tpu.memref_slice %arg8[%add3A_30, %dma_start3A_33] : memref<10000x128xf32, #tpu.memory_space<hbm>> -> memref<8x128xf32, #tpu.memory_space<hbm>>
        tpu.enqueue_dma source(%dma_start3A_34 : memref<8x128xf32, #tpu.memory_space<hbm>>) target(%dma_start3A_32 : memref<8x128xf32, #tpu.memory_space<vmem_shared>>) target_semaphore(%run_scoped3A_31 : memref<!tpu.dma_semaphore, #tpu.memory_space<semaphore_mem>>)
        %dma_wait3A_35 = arith.constant 0 : i32
        %dma_wait3A_36 = tpu.memref_slice %arg18[%add3A_30, %dma_wait3A_35] : memref<10000x128xf32, #tpu.memory_space<vmem_shared>> -> memref<8x128xf32, #tpu.memory_space<vmem_shared>>
        %dma_wait3A_37 = arith.constant 0 : i32
        %dma_wait3A_38 = tpu.memref_slice %arg8[%add3A_30, %dma_wait3A_37] : memref<10000x128xf32, #tpu.memory_space<hbm>> -> memref<8x128xf32, #tpu.memory_space<hbm>>
        tpu.wait_dma2 semaphore(%run_scoped3A_31 : memref<!tpu.dma_semaphore, #tpu.memory_space<semaphore_mem>>) src(%dma_wait3A_38 : memref<8x128xf32, #tpu.memory_space<hbm>>) dst(%dma_wait3A_36 : memref<8x128xf32, #tpu.memory_space<vmem_shared>>)
        tpu.yield
      }) : () -> ()
    } else {
    }
    %barrier3A = arith.constant 0 : index
    tpu.barrier barrier_id(%barrier3A)
    %iota3A = tpu.iota {dimensions = array<i32: 0>} : vector<16xi32>
    %mul3A_3 = arith.constant 10000 : i32
    %mul3A_4 = arith.muli %arg1, %mul3A_3 : i32
    %run_scoped3A = arith.constant 0 : i32
    %run_scoped3A_5 = arith.constant 0 : i32
    "tpu.region"() ({
      %run_scoped3A_27 = tpu.sem_alloc : memref<!tpu.dma_semaphore, #tpu.memory_space<semaphore_mem>>
      %dma_start3A = arith.constant 0 : i32
      %dma_start3A_28 = tpu.memref_slice %arg12[%run_scoped3A, %run_scoped3A_5, %dma_start3A] : memref<3x2x80xi32, #tpu.memory_space<vmem>> -> memref<1x1x80xi32, #tpu.memory_space<vmem>>
      %dma_start3A_29 = tpu.memref_squeeze %dma_start3A_28 : memref<1x1x80xi32, #tpu.memory_space<vmem>> -> memref<80xi32, #tpu.memory_space<vmem>>
      %dma_start3A_30 = tpu.memref_slice %arg6[%mul3A_4] : memref<160000xi32, #tpu.memory_space<hbm>> -> memref<80xi32, #tpu.memory_space<hbm>>
      %dma_start3A_31 = arith.constant 0 : i32
      %dma_start3A_32 = tpu.memref_slice %arg12[%run_scoped3A, %run_scoped3A_5, %dma_start3A_31] : memref<3x2x80xi32, #tpu.memory_space<vmem>> -> memref<1x1x80xi32, #tpu.memory_space<vmem>>
      %dma_start3A_33 = tpu.memref_squeeze %dma_start3A_32 : memref<1x1x80xi32, #tpu.memory_space<vmem>> -> memref<80xi32, #tpu.memory_space<vmem>>
      %dma_start3A_34 = tpu.memref_slice %arg6[%mul3A_4] : memref<160000xi32, #tpu.memory_space<hbm>> -> memref<80xi32, #tpu.memory_space<hbm>>
      tpu.enqueue_dma source(%dma_start3A_34 : memref<80xi32, #tpu.memory_space<hbm>>) target(%dma_start3A_33 : memref<80xi32, #tpu.memory_space<vmem>>) target_semaphore(%run_scoped3A_27 : memref<!tpu.dma_semaphore, #tpu.memory_space<semaphore_mem>>)
      %dma_wait3A_35 = arith.constant 0 : i32
      %dma_wait3A_36 = tpu.memref_slice %arg12[%run_scoped3A, %run_scoped3A_5, %dma_wait3A_35] : memref<3x2x80xi32, #tpu.memory_space<vmem>> -> memref<1x1x80xi32, #tpu.memory_space<vmem>>
      %dma_wait3A_37 = tpu.memref_squeeze %dma_wait3A_36 : memref<1x1x80xi32, #tpu.memory_space<vmem>> -> memref<80xi32, #tpu.memory_space<vmem>>
      %dma_wait3A_38 = tpu.memref_slice %arg6[%mul3A_4] : memref<160000xi32, #tpu.memory_space<hbm>> -> memref<80xi32, #tpu.memory_space<hbm>>
      %dma_wait3A_39 = arith.constant 0 : i32
      %dma_wait3A_40 = tpu.memref_slice %arg12[%run_scoped3A, %run_scoped3A_5, %dma_wait3A_39] : memref<3x2x80xi32, #tpu.memory_space<vmem>> -> memref<1x1x80xi32, #tpu.memory_space<vmem>>
      %dma_wait3A_41 = tpu.memref_squeeze %dma_wait3A_40 : memref<1x1x80xi32, #tpu.memory_space<vmem>> -> memref<80xi32, #tpu.memory_space<vmem>>
      %dma_wait3A_42 = tpu.memref_slice %arg6[%mul3A_4] : memref<160000xi32, #tpu.memory_space<hbm>> -> memref<80xi32, #tpu.memory_space<hbm>>
      tpu.wait_dma2 semaphore(%run_scoped3A_27 : memref<!tpu.dma_semaphore, #tpu.memory_space<semaphore_mem>>) src(%dma_wait3A_42 : memref<80xi32, #tpu.memory_space<hbm>>) dst(%dma_wait3A_41 : memref<80xi32, #tpu.memory_space<vmem>>)
      tpu.yield
    }) : () -> ()
    %mul3A_6 = arith.constant 10000 : i32
    %mul3A_7 = arith.muli %arg1, %mul3A_6 : i32
    %run_scoped3A_8 = arith.constant 0 : i32
    %run_scoped3A_9 = arith.constant 1 : i32
    "tpu.region"() ({
      %run_scoped3A_27 = tpu.sem_alloc : memref<!tpu.dma_semaphore, #tpu.memory_space<semaphore_mem>>
      %dma_start3A = arith.constant 0 : i32
      %dma_start3A_28 = tpu.memref_slice %arg12[%run_scoped3A_8, %run_scoped3A_9, %dma_start3A] : memref<3x2x80xi32, #tpu.memory_space<vmem>> -> memref<1x1x80xi32, #tpu.memory_space<vmem>>
      %dma_start3A_29 = tpu.memref_squeeze %dma_start3A_28 : memref<1x1x80xi32, #tpu.memory_space<vmem>> -> memref<80xi32, #tpu.memory_space<vmem>>
      %dma_start3A_30 = tpu.memref_slice %arg7[%mul3A_7] : memref<160000xi32, #tpu.memory_space<hbm>> -> memref<80xi32, #tpu.memory_space<hbm>>
      %dma_start3A_31 = arith.constant 0 : i32
      %dma_start3A_32 = tpu.memref_slice %arg12[%run_scoped3A_8, %run_scoped3A_9, %dma_start3A_31] : memref<3x2x80xi32, #tpu.memory_space<vmem>> -> memref<1x1x80xi32, #tpu.memory_space<vmem>>
      %dma_start3A_33 = tpu.memref_squeeze %dma_start3A_32 : memref<1x1x80xi32, #tpu.memory_space<vmem>> -> memref<80xi32, #tpu.memory_space<vmem>>
      %dma_start3A_34 = tpu.memref_slice %arg7[%mul3A_7] : memref<160000xi32, #tpu.memory_space<hbm>> -> memref<80xi32, #tpu.memory_space<hbm>>
      tpu.enqueue_dma source(%dma_start3A_34 : memref<80xi32, #tpu.memory_space<hbm>>) target(%dma_start3A_33 : memref<80xi32, #tpu.memory_space<vmem>>) target_semaphore(%run_scoped3A_27 : memref<!tpu.dma_semaphore, #tpu.memory_space<semaphore_mem>>)
      %dma_wait3A_35 = arith.constant 0 : i32
      %dma_wait3A_36 = tpu.memref_slice %arg12[%run_scoped3A_8, %run_scoped3A_9, %dma_wait3A_35] : memref<3x2x80xi32, #tpu.memory_space<vmem>> -> memref<1x1x80xi32, #tpu.memory_space<vmem>>
      %dma_wait3A_37 = tpu.memref_squeeze %dma_wait3A_36 : memref<1x1x80xi32, #tpu.memory_space<vmem>> -> memref<80xi32, #tpu.memory_space<vmem>>
      %dma_wait3A_38 = tpu.memref_slice %arg7[%mul3A_7] : memref<160000xi32, #tpu.memory_space<hbm>> -> memref<80xi32, #tpu.memory_space<hbm>>
      %dma_wait3A_39 = arith.constant 0 : i32
      %dma_wait3A_40 = tpu.memref_slice %arg12[%run_scoped3A_8, %run_scoped3A_9, %dma_wait3A_39] : memref<3x2x80xi32, #tpu.memory_space<vmem>> -> memref<1x1x80xi32, #tpu.memory_space<vmem>>
      %dma_wait3A_41 = tpu.memref_squeeze %dma_wait3A_40 : memref<1x1x80xi32, #tpu.memory_space<vmem>> -> memref<80xi32, #tpu.memory_space<vmem>>
      %dma_wait3A_42 = tpu.memref_slice %arg7[%mul3A_7] : memref<160000xi32, #tpu.memory_space<hbm>> -> memref<80xi32, #tpu.memory_space<hbm>>
      tpu.wait_dma2 semaphore(%run_scoped3A_27 : memref<!tpu.dma_semaphore, #tpu.memory_space<semaphore_mem>>) src(%dma_wait3A_42 : memref<80xi32, #tpu.memory_space<hbm>>) dst(%dma_wait3A_41 : memref<80xi32, #tpu.memory_space<vmem>>)
      tpu.yield
    }) : () -> ()
    %scan3A = arith.constant 0 : i32
    %scan3A_10 = arith.constant 125 : i32
    %scan3A_11 = arith.addi %scan3A, %scan3A_10 : i32
    %scan3A_12 = arith.constant 1 : i32
    scf.for %scan3A_27 = %scan3A to %scan3A_11 step %scan3A_12  : i32 {
      %mul3A_28 = arith.constant 1 : i32
      %mul3A_29 = arith.muli %scan3A_27, %mul3A_28 : i32
      %add3A_30 = arith.constant 0 : i32
      %add3A_31 = arith.addi %add3A_30, %mul3A_29 : i32
      %rem3A = arith.constant 3 : i32
      %rem3A_32 = arith.remsi %add3A_31, %rem3A : i32
      %add3A_33 = arith.constant 1 : i32
      %add3A_34 = arith.addi %add3A_31, %add3A_33 : i32
      %rem3A_35 = arith.constant 3 : i32
      %rem3A_36 = arith.remsi %add3A_34, %rem3A_35 : i32
      %mul3A_37 = arith.constant 10000 : i32
      %mul3A_38 = arith.muli %arg1, %mul3A_37 : i32
      %mul3A_39 = arith.constant 80 : i32
      %mul3A_40 = arith.muli %add3A_31, %mul3A_39 : i32
      %add3A_41 = arith.addi %mul3A_38, %mul3A_40 : i32
      %mul3A_42 = arith.constant 10000 : i32
      %mul3A_43 = arith.muli %arg1, %mul3A_42 : i32
      %add3A_44 = arith.constant 1 : i32
      %add3A_45 = arith.addi %add3A_31, %add3A_44 : i32
      %min3A = arith.constant 124 : i32
      %min3A_46 = arith.minsi %add3A_45, %min3A : i32
      %mul3A_47 = arith.constant 80 : i32
      %mul3A_48 = arith.muli %min3A_46, %mul3A_47 : i32
      %add3A_49 = arith.addi %mul3A_43, %mul3A_48 : i32
      %dma_start3A = arith.constant 0 : i32
      %dma_start3A_50 = arith.constant 0 : i32
      %dma_start3A_51 = tpu.memref_slice %arg12[%rem3A_36, %dma_start3A, %dma_start3A_50] : memref<3x2x80xi32, #tpu.memory_space<vmem>> -> memref<1x1x80xi32, #tpu.memory_space<vmem>>
      %dma_start3A_52 = tpu.memref_squeeze %dma_start3A_51 : memref<1x1x80xi32, #tpu.memory_space<vmem>> -> memref<80xi32, #tpu.memory_space<vmem>>
      %dma_start3A_53 = tpu.memref_slice %arg6[%add3A_49] : memref<160000xi32, #tpu.memory_space<hbm>> -> memref<80xi32, #tpu.memory_space<hbm>>
      %dma_start3A_54 = arith.constant 0 : i32
      %dma_start3A_55 = tpu.memref_slice %arg12[%rem3A_36, %dma_start3A, %dma_start3A_54] : memref<3x2x80xi32, #tpu.memory_space<vmem>> -> memref<1x1x80xi32, #tpu.memory_space<vmem>>
      %dma_start3A_56 = tpu.memref_squeeze %dma_start3A_55 : memref<1x1x80xi32, #tpu.memory_space<vmem>> -> memref<80xi32, #tpu.memory_space<vmem>>
      %dma_start3A_57 = tpu.memref_slice %arg6[%add3A_49] : memref<160000xi32, #tpu.memory_space<hbm>> -> memref<80xi32, #tpu.memory_space<hbm>>
      tpu.enqueue_dma source(%dma_start3A_57 : memref<80xi32, #tpu.memory_space<hbm>>) target(%dma_start3A_56 : memref<80xi32, #tpu.memory_space<vmem>>) target_semaphore(%arg19 : memref<!tpu.dma_semaphore, #tpu.memory_space<semaphore_mem>>)
      %dma_start3A_58 = arith.constant 1 : i32
      %dma_start3A_59 = arith.constant 0 : i32
      %dma_start3A_60 = tpu.memref_slice %arg12[%rem3A_36, %dma_start3A_58, %dma_start3A_59] : memref<3x2x80xi32, #tpu.memory_space<vmem>> -> memref<1x1x80xi32, #tpu.memory_space<vmem>>
      %dma_start3A_61 = tpu.memref_squeeze %dma_start3A_60 : memref<1x1x80xi32, #tpu.memory_space<vmem>> -> memref<80xi32, #tpu.memory_space<vmem>>
      %dma_start3A_62 = tpu.memref_slice %arg7[%add3A_49] : memref<160000xi32, #tpu.memory_space<hbm>> -> memref<80xi32, #tpu.memory_space<hbm>>
      %dma_start3A_63 = arith.constant 0 : i32
      %dma_start3A_64 = tpu.memref_slice %arg12[%rem3A_36, %dma_start3A_58, %dma_start3A_63] : memref<3x2x80xi32, #tpu.memory_space<vmem>> -> memref<1x1x80xi32, #tpu.memory_space<vmem>>
      %dma_start3A_65 = tpu.memref_squeeze %dma_start3A_64 : memref<1x1x80xi32, #tpu.memory_space<vmem>> -> memref<80xi32, #tpu.memory_space<vmem>>
      %dma_start3A_66 = tpu.memref_slice %arg7[%add3A_49] : memref<160000xi32, #tpu.memory_space<hbm>> -> memref<80xi32, #tpu.memory_space<hbm>>
      tpu.enqueue_dma source(%dma_start3A_66 : memref<80xi32, #tpu.memory_space<hbm>>) target(%dma_start3A_65 : memref<80xi32, #tpu.memory_space<vmem>>) target_semaphore(%arg19 : memref<!tpu.dma_semaphore, #tpu.memory_space<semaphore_mem>>)
      %mul3A_67 = arith.constant 10000 : i32
      %mul3A_68 = arith.muli %arg0, %mul3A_67 : i32
      %get3A = arith.constant 0 : i32
      %get3A_69 = arith.index_cast %rem3A_32 : i32 to index
      %get3A_70 = arith.index_cast %get3A : i32 to index
      %get3A_71 = arith.constant 0 : index
      %get3A_72 = tpu.vector_load %arg12[%get3A_69, %get3A_70, %get3A_71] {strides = array<i32>} : memref<3x2x80xi32, #tpu.memory_space<vmem>>, vector<1x1x16xi32>,
      %get3A_73 = vector.shape_cast %get3A_72 : vector<1x1x16xi32> to vector<16xi32>
      %add3A_74 = vector.broadcast %mul3A_68 : i32 to vector<16xi32>
      %add3A_75 = arith.addi %get3A_73, %add3A_74 : vector<16xi32>
      %swap3A = arith.constant 0 : index
      %swap3A_76 = tpu.vector_load %arg13[%swap3A] {strides = array<i32>} : memref<80xi32, #tpu.memory_space<vmem>>, vector<16xi32>,
      %swap3A_77 = vector.shape_cast %swap3A_76 : vector<16xi32> to vector<16xi32>
      %swap3A_78 = vector.shape_cast %add3A_75 : vector<16xi32> to vector<16xi32>
      tpu.vector_store %arg13[%swap3A], %swap3A_78 {strides = array<i32>} : memref<80xi32, #tpu.memory_space<vmem>>, vector<16xi32>,
      %get3A_79 = arith.constant 1 : i32
      %get3A_80 = arith.index_cast %rem3A_32 : i32 to index
      %get3A_81 = arith.index_cast %get3A_79 : i32 to index
      %get3A_82 = arith.constant 0 : index
      %get3A_83 = tpu.vector_load %arg12[%get3A_80, %get3A_81, %get3A_82] {strides = array<i32>} : memref<3x2x80xi32, #tpu.memory_space<vmem>>, vector<1x1x16xi32>,
      %get3A_84 = vector.shape_cast %get3A_83 : vector<1x1x16xi32> to vector<16xi32>
      %add3A_85 = vector.broadcast %mul3A_68 : i32 to vector<16xi32>
      %add3A_86 = arith.addi %get3A_84, %add3A_85 : vector<16xi32>
      %swap3A_87 = arith.constant 1 : i32
      %swap3A_88 = arith.index_cast %rem3A_32 : i32 to index
      %swap3A_89 = arith.index_cast %swap3A_87 : i32 to index
      %swap3A_90 = arith.constant 0 : index
      %swap3A_91 = tpu.vector_load %arg12[%swap3A_88, %swap3A_89, %swap3A_90] {strides = array<i32>} : memref<3x2x80xi32, #tpu.memory_space<vmem>>, vector<1x1x16xi32>,
      %swap3A_92 = vector.shape_cast %swap3A_91 : vector<1x1x16xi32> to vector<16xi32>
      %swap3A_93 = vector.shape_cast %add3A_86 : vector<16xi32> to vector<1x1x16xi32>
      tpu.vector_store %arg12[%swap3A_88, %swap3A_89, %swap3A_90], %swap3A_93 {strides = array<i32>} : memref<3x2x80xi32, #tpu.memory_space<vmem>>, vector<1x1x16xi32>,
      %get3A_94 = arith.constant 0 : i32
      %get3A_95 = arith.index_cast %rem3A_32 : i32 to index
      %get3A_96 = arith.index_cast %get3A_94 : i32 to index
      %get3A_97 = arith.constant 16 : index
      %get3A_98 = tpu.vector_load %arg12[%get3A_95, %get3A_96, %get3A_97] {strides = array<i32>} : memref<3x2x80xi32, #tpu.memory_space<vmem>>, vector<1x1x16xi32>,
      %get3A_99 = vector.shape_cast %get3A_98 : vector<1x1x16xi32> to vector<16xi32>
      %add3A_100 = vector.broadcast %mul3A_68 : i32 to vector<16xi32>
      %add3A_101 = arith.addi %get3A_99, %add3A_100 : vector<16xi32>
      %swap3A_102 = arith.constant 16 : index
      %swap3A_103 = tpu.vector_load %arg13[%swap3A_102] {strides = array<i32>} : memref<80xi32, #tpu.memory_space<vmem>>, vector<16xi32>,
      %swap3A_104 = vector.shape_cast %swap3A_103 : vector<16xi32> to vector<16xi32>
      %swap3A_105 = vector.shape_cast %add3A_101 : vector<16xi32> to vector<16xi32>
      tpu.vector_store %arg13[%swap3A_102], %swap3A_105 {strides = array<i32>} : memref<80xi32, #tpu.memory_space<vmem>>, vector<16xi32>,
      %get3A_106 = arith.constant 1 : i32
      %get3A_107 = arith.index_cast %rem3A_32 : i32 to index
      %get3A_108 = arith.index_cast %get3A_106 : i32 to index
      %get3A_109 = arith.constant 16 : index
      %get3A_110 = tpu.vector_load %arg12[%get3A_107, %get3A_108, %get3A_109] {strides = array<i32>} : memref<3x2x80xi32, #tpu.memory_space<vmem>>, vector<1x1x16xi32>,
      %get3A_111 = vector.shape_cast %get3A_110 : vector<1x1x16xi32> to vector<16xi32>
      %add3A_112 = vector.broadcast %mul3A_68 : i32 to vector<16xi32>
      %add3A_113 = arith.addi %get3A_111, %add3A_112 : vector<16xi32>
      %swap3A_114 = arith.constant 1 : i32
      %swap3A_115 = arith.index_cast %rem3A_32 : i32 to index
      %swap3A_116 = arith.index_cast %swap3A_114 : i32 to index
      %swap3A_117 = arith.constant 16 : index
      %swap3A_118 = tpu.vector_load %arg12[%swap3A_115, %swap3A_116, %swap3A_117] {strides = array<i32>} : memref<3x2x80xi32, #tpu.memory_space<vmem>>, vector<1x1x16xi32>,
      %swap3A_119 = vector.shape_cast %swap3A_118 : vector<1x1x16xi32> to vector<16xi32>
      %swap3A_120 = vector.shape_cast %add3A_113 : vector<16xi32> to vector<1x1x16xi32>
      tpu.vector_store %arg12[%swap3A_115, %swap3A_116, %swap3A_117], %swap3A_120 {strides = array<i32>} : memref<3x2x80xi32, #tpu.memory_space<vmem>>, vector<1x1x16xi32>,
      %get3A_121 = arith.constant 0 : i32
      %get3A_122 = arith.index_cast %rem3A_32 : i32 to index
      %get3A_123 = arith.index_cast %get3A_121 : i32 to index
      %get3A_124 = arith.constant 32 : index
      %get3A_125 = tpu.vector_load %arg12[%get3A_122, %get3A_123, %get3A_124] {strides = array<i32>} : memref<3x2x80xi32, #tpu.memory_space<vmem>>, vector<1x1x16xi32>,
      %get3A_126 = vector.shape_cast %get3A_125 : vector<1x1x16xi32> to vector<16xi32>
      %add3A_127 = vector.broadcast %mul3A_68 : i32 to vector<16xi32>
      %add3A_128 = arith.addi %get3A_126, %add3A_127 : vector<16xi32>
      %swap3A_129 = arith.constant 32 : index
      %swap3A_130 = tpu.vector_load %arg13[%swap3A_129] {strides = array<i32>} : memref<80xi32, #tpu.memory_space<vmem>>, vector<16xi32>,
      %swap3A_131 = vector.shape_cast %swap3A_130 : vector<16xi32> to vector<16xi32>
      %swap3A_132 = vector.shape_cast %add3A_128 : vector<16xi32> to vector<16xi32>
      tpu.vector_store %arg13[%swap3A_129], %swap3A_132 {strides = array<i32>} : memref<80xi32, #tpu.memory_space<vmem>>, vector<16xi32>,
      %get3A_133 = arith.constant 1 : i32
      %get3A_134 = arith.index_cast %rem3A_32 : i32 to index
      %get3A_135 = arith.index_cast %get3A_133 : i32 to index
      %get3A_136 = arith.constant 32 : index
      %get3A_137 = tpu.vector_load %arg12[%get3A_134, %get3A_135, %get3A_136] {strides = array<i32>} : memref<3x2x80xi32, #tpu.memory_space<vmem>>, vector<1x1x16xi32>,
      %get3A_138 = vector.shape_cast %get3A_137 : vector<1x1x16xi32> to vector<16xi32>
      %add3A_139 = vector.broadcast %mul3A_68 : i32 to vector<16xi32>
      %add3A_140 = arith.addi %get3A_138, %add3A_139 : vector<16xi32>
      %swap3A_141 = arith.constant 1 : i32
      %swap3A_142 = arith.index_cast %rem3A_32 : i32 to index
      %swap3A_143 = arith.index_cast %swap3A_141 : i32 to index
      %swap3A_144 = arith.constant 32 : index
      %swap3A_145 = tpu.vector_load %arg12[%swap3A_142, %swap3A_143, %swap3A_144] {strides = array<i32>} : memref<3x2x80xi32, #tpu.memory_space<vmem>>, vector<1x1x16xi32>,
      %swap3A_146 = vector.shape_cast %swap3A_145 : vector<1x1x16xi32> to vector<16xi32>
      %swap3A_147 = vector.shape_cast %add3A_140 : vector<16xi32> to vector<1x1x16xi32>
      tpu.vector_store %arg12[%swap3A_142, %swap3A_143, %swap3A_144], %swap3A_147 {strides = array<i32>} : memref<3x2x80xi32, #tpu.memory_space<vmem>>, vector<1x1x16xi32>,
      %get3A_148 = arith.constant 0 : i32
      %get3A_149 = arith.index_cast %rem3A_32 : i32 to index
      %get3A_150 = arith.index_cast %get3A_148 : i32 to index
      %get3A_151 = arith.constant 48 : index
      %get3A_152 = tpu.vector_load %arg12[%get3A_149, %get3A_150, %get3A_151] {strides = array<i32>} : memref<3x2x80xi32, #tpu.memory_space<vmem>>, vector<1x1x16xi32>,
      %get3A_153 = vector.shape_cast %get3A_152 : vector<1x1x16xi32> to vector<16xi32>
      %add3A_154 = vector.broadcast %mul3A_68 : i32 to vector<16xi32>
      %add3A_155 = arith.addi %get3A_153, %add3A_154 : vector<16xi32>
      %swap3A_156 = arith.constant 48 : index
      %swap3A_157 = tpu.vector_load %arg13[%swap3A_156] {strides = array<i32>} : memref<80xi32, #tpu.memory_space<vmem>>, vector<16xi32>,
      %swap3A_158 = vector.shape_cast %swap3A_157 : vector<16xi32> to vector<16xi32>
      %swap3A_159 = vector.shape_cast %add3A_155 : vector<16xi32> to vector<16xi32>
      tpu.vector_store %arg13[%swap3A_156], %swap3A_159 {strides = array<i32>} : memref<80xi32, #tpu.memory_space<vmem>>, vector<16xi32>,
      %get3A_160 = arith.constant 1 : i32
      %get3A_161 = arith.index_cast %rem3A_32 : i32 to index
      %get3A_162 = arith.index_cast %get3A_160 : i32 to index
      %get3A_163 = arith.constant 48 : index
      %get3A_164 = tpu.vector_load %arg12[%get3A_161, %get3A_162, %get3A_163] {strides = array<i32>} : memref<3x2x80xi32, #tpu.memory_space<vmem>>, vector<1x1x16xi32>,
      %get3A_165 = vector.shape_cast %get3A_164 : vector<1x1x16xi32> to vector<16xi32>
      %add3A_166 = vector.broadcast %mul3A_68 : i32 to vector<16xi32>
      %add3A_167 = arith.addi %get3A_165, %add3A_166 : vector<16xi32>
      %swap3A_168 = arith.constant 1 : i32
      %swap3A_169 = arith.index_cast %rem3A_32 : i32 to index
      %swap3A_170 = arith.index_cast %swap3A_168 : i32 to index
      %swap3A_171 = arith.constant 48 : index
      %swap3A_172 = tpu.vector_load %arg12[%swap3A_169, %swap3A_170, %swap3A_171] {strides = array<i32>} : memref<3x2x80xi32, #tpu.memory_space<vmem>>, vector<1x1x16xi32>,
      %swap3A_173 = vector.shape_cast %swap3A_172 : vector<1x1x16xi32> to vector<16xi32>
      %swap3A_174 = vector.shape_cast %add3A_167 : vector<16xi32> to vector<1x1x16xi32>
      tpu.vector_store %arg12[%swap3A_169, %swap3A_170, %swap3A_171], %swap3A_174 {strides = array<i32>} : memref<3x2x80xi32, #tpu.memory_space<vmem>>, vector<1x1x16xi32>,
      %get3A_175 = arith.constant 0 : i32
      %get3A_176 = arith.index_cast %rem3A_32 : i32 to index
      %get3A_177 = arith.index_cast %get3A_175 : i32 to index
      %get3A_178 = arith.constant 64 : index
      %get3A_179 = tpu.vector_load %arg12[%get3A_176, %get3A_177, %get3A_178] {strides = array<i32>} : memref<3x2x80xi32, #tpu.memory_space<vmem>>, vector<1x1x16xi32>,
      %get3A_180 = vector.shape_cast %get3A_179 : vector<1x1x16xi32> to vector<16xi32>
      %add3A_181 = vector.broadcast %mul3A_68 : i32 to vector<16xi32>
      %add3A_182 = arith.addi %get3A_180, %add3A_181 : vector<16xi32>
      %swap3A_183 = arith.constant 64 : index
      %swap3A_184 = tpu.vector_load %arg13[%swap3A_183] {strides = array<i32>} : memref<80xi32, #tpu.memory_space<vmem>>, vector<16xi32>,
      %swap3A_185 = vector.shape_cast %swap3A_184 : vector<16xi32> to vector<16xi32>
      %swap3A_186 = vector.shape_cast %add3A_182 : vector<16xi32> to vector<16xi32>
      tpu.vector_store %arg13[%swap3A_183], %swap3A_186 {strides = array<i32>} : memref<80xi32, #tpu.memory_space<vmem>>, vector<16xi32>,
      %get3A_187 = arith.constant 1 : i32
      %get3A_188 = arith.index_cast %rem3A_32 : i32 to index
      %get3A_189 = arith.index_cast %get3A_187 : i32 to index
      %get3A_190 = arith.constant 64 : index
      %get3A_191 = tpu.vector_load %arg12[%get3A_188, %get3A_189, %get3A_190] {strides = array<i32>} : memref<3x2x80xi32, #tpu.memory_space<vmem>>, vector<1x1x16xi32>,
      %get3A_192 = vector.shape_cast %get3A_191 : vector<1x1x16xi32> to vector<16xi32>
      %add3A_193 = vector.broadcast %mul3A_68 : i32 to vector<16xi32>
      %add3A_194 = arith.addi %get3A_192, %add3A_193 : vector<16xi32>
      %swap3A_195 = arith.constant 1 : i32
      %swap3A_196 = arith.index_cast %rem3A_32 : i32 to index
      %swap3A_197 = arith.index_cast %swap3A_195 : i32 to index
      %swap3A_198 = arith.constant 64 : index
      %swap3A_199 = tpu.vector_load %arg12[%swap3A_196, %swap3A_197, %swap3A_198] {strides = array<i32>} : memref<3x2x80xi32, #tpu.memory_space<vmem>>, vector<1x1x16xi32>,
      %swap3A_200 = vector.shape_cast %swap3A_199 : vector<1x1x16xi32> to vector<16xi32>
      %swap3A_201 = vector.shape_cast %add3A_194 : vector<16xi32> to vector<1x1x16xi32>
      tpu.vector_store %arg12[%swap3A_196, %swap3A_197, %swap3A_198], %swap3A_201 {strides = array<i32>} : memref<3x2x80xi32, #tpu.memory_space<vmem>>, vector<1x1x16xi32>,
      %dma_start3A_202 = arith.constant 1 : i32
      %dma_start3A_203 = arith.constant 0 : i32
      %dma_start3A_204 = tpu.memref_slice %arg12[%rem3A_32, %dma_start3A_202, %dma_start3A_203] : memref<3x2x80xi32, #tpu.memory_space<vmem>> -> memref<1x1x80xi32, #tpu.memory_space<vmem>>
      %dma_start3A_205 = tpu.memref_squeeze %dma_start3A_204 : memref<1x1x80xi32, #tpu.memory_space<vmem>> -> memref<80xi32, #tpu.memory_space<vmem>>
      %dma_start3A_206 = arith.constant 0 : i32
      %dma_start3A_207 = arith.constant 0 : i32
      %dma_start3A_208 = tpu.memref_slice %arg3[%dma_start3A_206, %dma_start3A_207] : memref<20000x128xf32, #tpu.memory_space<hbm>> -> memref<20000x128xf32, #tpu.memory_space<hbm>>
      tpu.enqueue_indirect_dma source(%dma_start3A_208 : memref<20000x128xf32, #tpu.memory_space<hbm>>) target(%arg15 : memref<80x128xf32, #tpu.memory_space<vmem>>) offsets(%dma_start3A_205 : memref<80xi32, #tpu.memory_space<vmem>>) semaphore(%arg20 : memref<!tpu.dma_semaphore, #tpu.memory_space<semaphore_mem>>)
      %mul3A_209 = arith.constant 160000 : i32
      %mul3A_210 = arith.muli %arg0, %mul3A_209 : i32
      %add3A_211 = arith.addi %mul3A_210, %add3A_41 : i32
      %mul3A_212 = arith.constant 128 : i32
      %mul3A_213 = arith.muli %add3A_211, %mul3A_212 : i32
      %dma_start3A_214 = tpu.memref_slice %arg5[%mul3A_213] : memref<40960000xf32, #tpu.memory_space<hbm>> -> memref<10240xf32, #tpu.memory_space<hbm>>
      %dma_start3A_215 = tpu.memref_slice %arg5[%mul3A_213] : memref<40960000xf32, #tpu.memory_space<hbm>> -> memref<10240xf32, #tpu.memory_space<hbm>>
      tpu.enqueue_dma source(%dma_start3A_215 : memref<10240xf32, #tpu.memory_space<hbm>>) target(%arg16 : memref<10240xf32, #tpu.memory_space<vmem>>) target_semaphore(%arg20 : memref<!tpu.dma_semaphore, #tpu.memory_space<semaphore_mem>>)
      %ge3A = arith.constant 1 : i32
      %ge3A_216 = arith.cmpi sge, %add3A_31, %ge3A : i32
      %convert_element_type3A_217 = arith.extui %ge3A_216 : i1 to i32
      %cond3A_218 = arith.constant 0 : i32
      %cond3A_219 = arith.cmpi ne, %convert_element_type3A_217, %cond3A_218 : i32
      scf.if %cond3A_219 {
        %dma_wait3A_322 = arith.constant 0 : i32
        %dma_wait3A_323 = arith.constant 0 : i32
        %dma_wait3A_324 = tpu.memref_slice %arg8[%dma_wait3A_322, %dma_wait3A_323] : memref<10000x128xf32, #tpu.memory_space<hbm>> -> memref<80x128xf32, #tpu.memory_space<hbm>>
        %dma_wait3A_325 = arith.constant 0 : i32
        %dma_wait3A_326 = arith.constant 0 : i32
        %dma_wait3A_327 = tpu.memref_slice %arg8[%dma_wait3A_325, %dma_wait3A_326] : memref<10000x128xf32, #tpu.memory_space<hbm>> -> memref<80x128xf32, #tpu.memory_space<hbm>>
        tpu.wait_dma2 semaphore(%arg22 : memref<!tpu.dma_semaphore, #tpu.memory_space<semaphore_mem>>) src(%dma_wait3A_327 : memref<80x128xf32, #tpu.memory_space<hbm>>) dst(%arg14 : memref<80x128xf32, #tpu.memory_space<vmem>>)
      } else {
      }
      %dma_start3A_220 = arith.constant 0 : i32
      %dma_start3A_221 = arith.constant 0 : i32
      %dma_start3A_222 = tpu.memref_slice %arg2[%dma_start3A_220, %dma_start3A_221] : memref<20000x128xf32, #tpu.memory_space<hbm>> -> memref<20000x128xf32, #tpu.memory_space<hbm>>
      tpu.enqueue_indirect_dma source(%dma_start3A_222 : memref<20000x128xf32, #tpu.memory_space<hbm>>) target(%arg14 : memref<80x128xf32, #tpu.memory_space<vmem>>) offsets(%arg13 : memref<80xi32, #tpu.memory_space<vmem>>) semaphore(%arg20 : memref<!tpu.dma_semaphore, #tpu.memory_space<semaphore_mem>>)
      %dma_wait3A_223 = arith.constant 0 : i32
      %dma_wait3A_224 = arith.constant 0 : i32
      %dma_wait3A_225 = tpu.memref_slice %arg2[%dma_wait3A_223, %dma_wait3A_224] : memref<20000x128xf32, #tpu.memory_space<hbm>> -> memref<20000x128xf32, #tpu.memory_space<hbm>>
      tpu.wait_indirect_dma semaphore(%arg20 : memref<!tpu.dma_semaphore, #tpu.memory_space<semaphore_mem>>) src(%dma_wait3A_225 : memref<20000x128xf32, #tpu.memory_space<hbm>>) dst(%arg14 : memref<80x128xf32, #tpu.memory_space<vmem>>)
      %dma_wait3A_226 = arith.constant 1 : i32
      %dma_wait3A_227 = arith.constant 0 : i32
      %dma_wait3A_228 = tpu.memref_slice %arg12[%rem3A_32, %dma_wait3A_226, %dma_wait3A_227] : memref<3x2x80xi32, #tpu.memory_space<vmem>> -> memref<1x1x80xi32, #tpu.memory_space<vmem>>
      %dma_wait3A_229 = tpu.memref_squeeze %dma_wait3A_228 : memref<1x1x80xi32, #tpu.memory_space<vmem>> -> memref<80xi32, #tpu.memory_space<vmem>>
      %dma_wait3A_230 = arith.constant 0 : i32
      %dma_wait3A_231 = arith.constant 0 : i32
      %dma_wait3A_232 = tpu.memref_slice %arg3[%dma_wait3A_230, %dma_wait3A_231] : memref<20000x128xf32, #tpu.memory_space<hbm>> -> memref<20000x128xf32, #tpu.memory_space<hbm>>
      tpu.wait_indirect_dma semaphore(%arg20 : memref<!tpu.dma_semaphore, #tpu.memory_space<semaphore_mem>>) src(%dma_wait3A_232 : memref<20000x128xf32, #tpu.memory_space<hbm>>) dst(%arg15 : memref<80x128xf32, #tpu.memory_space<vmem>>)
      %dma_wait3A_233 = tpu.memref_slice %arg5[%mul3A_213] : memref<40960000xf32, #tpu.memory_space<hbm>> -> memref<10240xf32, #tpu.memory_space<hbm>>
      %dma_wait3A_234 = tpu.memref_slice %arg5[%mul3A_213] : memref<40960000xf32, #tpu.memory_space<hbm>> -> memref<10240xf32, #tpu.memory_space<hbm>>
      tpu.wait_dma2 semaphore(%arg20 : memref<!tpu.dma_semaphore, #tpu.memory_space<semaphore_mem>>) src(%dma_wait3A_234 : memref<10240xf32, #tpu.memory_space<hbm>>) dst(%arg16 : memref<10240xf32, #tpu.memory_space<vmem>>)
      %scan3A_235 = arith.constant 0 : i32
      %scan3A_236 = arith.constant 80 : i32
      %scan3A_237 = arith.addi %scan3A_235, %scan3A_236 : i32
      %scan3A_238 = arith.constant 1 : i32
      scf.for %scan3A_322 = %scan3A_235 to %scan3A_237 step %scan3A_238  : i32 {
        %mul3A_323 = arith.constant 1 : i32
        %mul3A_324 = arith.muli %scan3A_322, %mul3A_323 : i32
        %add3A_325 = arith.constant 0 : i32
        %add3A_326 = arith.addi %add3A_325, %mul3A_324 : i32
        %mul3A_327 = arith.constant 128 : i32
        %mul3A_328 = arith.muli %add3A_326, %mul3A_327 : i32
        %add3A_329 = arith.constant 0 : i32
        %add3A_330 = arith.addi %mul3A_328, %add3A_329 : i32
        %get3A_331 = arith.index_cast %add3A_326 : i32 to index
        %get3A_332 = arith.constant 0 : index
        %get3A_333 = tpu.vector_load %arg14[%get3A_331, %get3A_332] {strides = array<i32>} : memref<80x128xf32, #tpu.memory_space<vmem>>, vector<1x16xf32>,
        %get3A_334 = vector.shape_cast %get3A_333 : vector<1x16xf32> to vector<16xf32>
        %get3A_335 = arith.index_cast %add3A_326 : i32 to index
        %get3A_336 = arith.constant 0 : index
        %get3A_337 = tpu.vector_load %arg15[%get3A_335, %get3A_336] {strides = array<i32>} : memref<80x128xf32, #tpu.memory_space<vmem>>, vector<1x16xf32>,
        %get3A_338 = vector.shape_cast %get3A_337 : vector<1x16xf32> to vector<16xf32>
        %mul3A_339 = arith.mulf %get3A_334, %get3A_338 : vector<16xf32>
        %get3A_340 = arith.index_cast %add3A_330 : i32 to index
        %get3A_341 = tpu.vector_load %arg16[%get3A_340] {strides = array<i32>} : memref<10240xf32, #tpu.memory_space<vmem>>, vector<16xf32>,
        %get3A_342 = vector.shape_cast %get3A_341 : vector<16xf32> to vector<16xf32>
        %mul3A_343 = arith.mulf %mul3A_339, %get3A_342 : vector<16xf32>
        %swap3A_344 = arith.index_cast %add3A_330 : i32 to index
        %swap3A_345 = tpu.vector_load %arg16[%swap3A_344] {strides = array<i32>} : memref<10240xf32, #tpu.memory_space<vmem>>, vector<16xf32>,
        %swap3A_346 = vector.shape_cast %swap3A_345 : vector<16xf32> to vector<16xf32>
        %swap3A_347 = vector.shape_cast %mul3A_343 : vector<16xf32> to vector<16xf32>
        tpu.vector_store %arg16[%swap3A_344], %swap3A_347 {strides = array<i32>} : memref<10240xf32, #tpu.memory_space<vmem>>, vector<16xf32>,
        %add3A_348 = arith.constant 16 : i32
        %add3A_349 = arith.addi %mul3A_328, %add3A_348 : i32
        %get3A_350 = arith.index_cast %add3A_326 : i32 to index
        %get3A_351 = arith.constant 16 : index
        %get3A_352 = tpu.vector_load %arg14[%get3A_350, %get3A_351] {strides = array<i32>} : memref<80x128xf32, #tpu.memory_space<vmem>>, vector<1x16xf32>,
        %get3A_353 = vector.shape_cast %get3A_352 : vector<1x16xf32> to vector<16xf32>
        %get3A_354 = arith.index_cast %add3A_326 : i32 to index
        %get3A_355 = arith.constant 16 : index
        %get3A_356 = tpu.vector_load %arg15[%get3A_354, %get3A_355] {strides = array<i32>} : memref<80x128xf32, #tpu.memory_space<vmem>>, vector<1x16xf32>,
        %get3A_357 = vector.shape_cast %get3A_356 : vector<1x16xf32> to vector<16xf32>
        %mul3A_358 = arith.mulf %get3A_353, %get3A_357 : vector<16xf32>
        %get3A_359 = arith.index_cast %add3A_349 : i32 to index
        %get3A_360 = tpu.vector_load %arg16[%get3A_359] {strides = array<i32>} : memref<10240xf32, #tpu.memory_space<vmem>>, vector<16xf32>,
        %get3A_361 = vector.shape_cast %get3A_360 : vector<16xf32> to vector<16xf32>
        %mul3A_362 = arith.mulf %mul3A_358, %get3A_361 : vector<16xf32>
        %swap3A_363 = arith.index_cast %add3A_349 : i32 to index
        %swap3A_364 = tpu.vector_load %arg16[%swap3A_363] {strides = array<i32>} : memref<10240xf32, #tpu.memory_space<vmem>>, vector<16xf32>,
        %swap3A_365 = vector.shape_cast %swap3A_364 : vector<16xf32> to vector<16xf32>
        %swap3A_366 = vector.shape_cast %mul3A_362 : vector<16xf32> to vector<16xf32>
        tpu.vector_store %arg16[%swap3A_363], %swap3A_366 {strides = array<i32>} : memref<10240xf32, #tpu.memory_space<vmem>>, vector<16xf32>,
        %add3A_367 = arith.constant 32 : i32
        %add3A_368 = arith.addi %mul3A_328, %add3A_367 : i32
        %get3A_369 = arith.index_cast %add3A_326 : i32 to index
        %get3A_370 = arith.constant 32 : index
        %get3A_371 = tpu.vector_load %arg14[%get3A_369, %get3A_370] {strides = array<i32>} : memref<80x128xf32, #tpu.memory_space<vmem>>, vector<1x16xf32>,
        %get3A_372 = vector.shape_cast %get3A_371 : vector<1x16xf32> to vector<16xf32>
        %get3A_373 = arith.index_cast %add3A_326 : i32 to index
        %get3A_374 = arith.constant 32 : index
        %get3A_375 = tpu.vector_load %arg15[%get3A_373, %get3A_374] {strides = array<i32>} : memref<80x128xf32, #tpu.memory_space<vmem>>, vector<1x16xf32>,
        %get3A_376 = vector.shape_cast %get3A_375 : vector<1x16xf32> to vector<16xf32>
        %mul3A_377 = arith.mulf %get3A_372, %get3A_376 : vector<16xf32>
        %get3A_378 = arith.index_cast %add3A_368 : i32 to index
        %get3A_379 = tpu.vector_load %arg16[%get3A_378] {strides = array<i32>} : memref<10240xf32, #tpu.memory_space<vmem>>, vector<16xf32>,
        %get3A_380 = vector.shape_cast %get3A_379 : vector<16xf32> to vector<16xf32>
        %mul3A_381 = arith.mulf %mul3A_377, %get3A_380 : vector<16xf32>
        %swap3A_382 = arith.index_cast %add3A_368 : i32 to index
        %swap3A_383 = tpu.vector_load %arg16[%swap3A_382] {strides = array<i32>} : memref<10240xf32, #tpu.memory_space<vmem>>, vector<16xf32>,
        %swap3A_384 = vector.shape_cast %swap3A_383 : vector<16xf32> to vector<16xf32>
        %swap3A_385 = vector.shape_cast %mul3A_381 : vector<16xf32> to vector<16xf32>
        tpu.vector_store %arg16[%swap3A_382], %swap3A_385 {strides = array<i32>} : memref<10240xf32, #tpu.memory_space<vmem>>, vector<16xf32>,
        %add3A_386 = arith.constant 48 : i32
        %add3A_387 = arith.addi %mul3A_328, %add3A_386 : i32
        %get3A_388 = arith.index_cast %add3A_326 : i32 to index
        %get3A_389 = arith.constant 48 : index
        %get3A_390 = tpu.vector_load %arg14[%get3A_388, %get3A_389] {strides = array<i32>} : memref<80x128xf32, #tpu.memory_space<vmem>>, vector<1x16xf32>,
        %get3A_391 = vector.shape_cast %get3A_390 : vector<1x16xf32> to vector<16xf32>
        %get3A_392 = arith.index_cast %add3A_326 : i32 to index
        %get3A_393 = arith.constant 48 : index
        %get3A_394 = tpu.vector_load %arg15[%get3A_392, %get3A_393] {strides = array<i32>} : memref<80x128xf32, #tpu.memory_space<vmem>>, vector<1x16xf32>,
        %get3A_395 = vector.shape_cast %get3A_394 : vector<1x16xf32> to vector<16xf32>
        %mul3A_396 = arith.mulf %get3A_391, %get3A_395 : vector<16xf32>
        %get3A_397 = arith.index_cast %add3A_387 : i32 to index
        %get3A_398 = tpu.vector_load %arg16[%get3A_397] {strides = array<i32>} : memref<10240xf32, #tpu.memory_space<vmem>>, vector<16xf32>,
        %get3A_399 = vector.shape_cast %get3A_398 : vector<16xf32> to vector<16xf32>
        %mul3A_400 = arith.mulf %mul3A_396, %get3A_399 : vector<16xf32>
        %swap3A_401 = arith.index_cast %add3A_387 : i32 to index
        %swap3A_402 = tpu.vector_load %arg16[%swap3A_401] {strides = array<i32>} : memref<10240xf32, #tpu.memory_space<vmem>>, vector<16xf32>,
        %swap3A_403 = vector.shape_cast %swap3A_402 : vector<16xf32> to vector<16xf32>
        %swap3A_404 = vector.shape_cast %mul3A_400 : vector<16xf32> to vector<16xf32>
        tpu.vector_store %arg16[%swap3A_401], %swap3A_404 {strides = array<i32>} : memref<10240xf32, #tpu.memory_space<vmem>>, vector<16xf32>,
        %add3A_405 = arith.constant 64 : i32
        %add3A_406 = arith.addi %mul3A_328, %add3A_405 : i32
        %get3A_407 = arith.index_cast %add3A_326 : i32 to index
        %get3A_408 = arith.constant 64 : index
        %get3A_409 = tpu.vector_load %arg14[%get3A_407, %get3A_408] {strides = array<i32>} : memref<80x128xf32, #tpu.memory_space<vmem>>, vector<1x16xf32>,
        %get3A_410 = vector.shape_cast %get3A_409 : vector<1x16xf32> to vector<16xf32>
        %get3A_411 = arith.index_cast %add3A_326 : i32 to index
        %get3A_412 = arith.constant 64 : index
        %get3A_413 = tpu.vector_load %arg15[%get3A_411, %get3A_412] {strides = array<i32>} : memref<80x128xf32, #tpu.memory_space<vmem>>, vector<1x16xf32>,
        %get3A_414 = vector.shape_cast %get3A_413 : vector<1x16xf32> to vector<16xf32>
        %mul3A_415 = arith.mulf %get3A_410, %get3A_414 : vector<16xf32>
        %get3A_416 = arith.index_cast %add3A_406 : i32 to index
        %get3A_417 = tpu.vector_load %arg16[%get3A_416] {strides = array<i32>} : memref<10240xf32, #tpu.memory_space<vmem>>, vector<16xf32>,
        %get3A_418 = vector.shape_cast %get3A_417 : vector<16xf32> to vector<16xf32>
        %mul3A_419 = arith.mulf %mul3A_415, %get3A_418 : vector<16xf32>
        %swap3A_420 = arith.index_cast %add3A_406 : i32 to index
        %swap3A_421 = tpu.vector_load %arg16[%swap3A_420] {strides = array<i32>} : memref<10240xf32, #tpu.memory_space<vmem>>, vector<16xf32>,
        %swap3A_422 = vector.shape_cast %swap3A_421 : vector<16xf32> to vector<16xf32>
        %swap3A_423 = vector.shape_cast %mul3A_419 : vector<16xf32> to vector<16xf32>
        tpu.vector_store %arg16[%swap3A_420], %swap3A_423 {strides = array<i32>} : memref<10240xf32, #tpu.memory_space<vmem>>, vector<16xf32>,
        %add3A_424 = arith.constant 80 : i32
        %add3A_425 = arith.addi %mul3A_328, %add3A_424 : i32
        %get3A_426 = arith.index_cast %add3A_326 : i32 to index
        %get3A_427 = arith.constant 80 : index
        %get3A_428 = tpu.vector_load %arg14[%get3A_426, %get3A_427] {strides = array<i32>} : memref<80x128xf32, #tpu.memory_space<vmem>>, vector<1x16xf32>,
        %get3A_429 = vector.shape_cast %get3A_428 : vector<1x16xf32> to vector<16xf32>
        %get3A_430 = arith.index_cast %add3A_326 : i32 to index
        %get3A_431 = arith.constant 80 : index
        %get3A_432 = tpu.vector_load %arg15[%get3A_430, %get3A_431] {strides = array<i32>} : memref<80x128xf32, #tpu.memory_space<vmem>>, vector<1x16xf32>,
        %get3A_433 = vector.shape_cast %get3A_432 : vector<1x16xf32> to vector<16xf32>
        %mul3A_434 = arith.mulf %get3A_429, %get3A_433 : vector<16xf32>
        %get3A_435 = arith.index_cast %add3A_425 : i32 to index
        %get3A_436 = tpu.vector_load %arg16[%get3A_435] {strides = array<i32>} : memref<10240xf32, #tpu.memory_space<vmem>>, vector<16xf32>,
        %get3A_437 = vector.shape_cast %get3A_436 : vector<16xf32> to vector<16xf32>
        %mul3A_438 = arith.mulf %mul3A_434, %get3A_437 : vector<16xf32>
        %swap3A_439 = arith.index_cast %add3A_425 : i32 to index
        %swap3A_440 = tpu.vector_load %arg16[%swap3A_439] {strides = array<i32>} : memref<10240xf32, #tpu.memory_space<vmem>>, vector<16xf32>,
        %swap3A_441 = vector.shape_cast %swap3A_440 : vector<16xf32> to vector<16xf32>
        %swap3A_442 = vector.shape_cast %mul3A_438 : vector<16xf32> to vector<16xf32>
        tpu.vector_store %arg16[%swap3A_439], %swap3A_442 {strides = array<i32>} : memref<10240xf32, #tpu.memory_space<vmem>>, vector<16xf32>,
        %add3A_443 = arith.constant 96 : i32
        %add3A_444 = arith.addi %mul3A_328, %add3A_443 : i32
        %get3A_445 = arith.index_cast %add3A_326 : i32 to index
        %get3A_446 = arith.constant 96 : index
        %get3A_447 = tpu.vector_load %arg14[%get3A_445, %get3A_446] {strides = array<i32>} : memref<80x128xf32, #tpu.memory_space<vmem>>, vector<1x16xf32>,
        %get3A_448 = vector.shape_cast %get3A_447 : vector<1x16xf32> to vector<16xf32>
        %get3A_449 = arith.index_cast %add3A_326 : i32 to index
        %get3A_450 = arith.constant 96 : index
        %get3A_451 = tpu.vector_load %arg15[%get3A_449, %get3A_450] {strides = array<i32>} : memref<80x128xf32, #tpu.memory_space<vmem>>, vector<1x16xf32>,
        %get3A_452 = vector.shape_cast %get3A_451 : vector<1x16xf32> to vector<16xf32>
        %mul3A_453 = arith.mulf %get3A_448, %get3A_452 : vector<16xf32>
        %get3A_454 = arith.index_cast %add3A_444 : i32 to index
        %get3A_455 = tpu.vector_load %arg16[%get3A_454] {strides = array<i32>} : memref<10240xf32, #tpu.memory_space<vmem>>, vector<16xf32>,
        %get3A_456 = vector.shape_cast %get3A_455 : vector<16xf32> to vector<16xf32>
        %mul3A_457 = arith.mulf %mul3A_453, %get3A_456 : vector<16xf32>
        %swap3A_458 = arith.index_cast %add3A_444 : i32 to index
        %swap3A_459 = tpu.vector_load %arg16[%swap3A_458] {strides = array<i32>} : memref<10240xf32, #tpu.memory_space<vmem>>, vector<16xf32>,
        %swap3A_460 = vector.shape_cast %swap3A_459 : vector<16xf32> to vector<16xf32>
        %swap3A_461 = vector.shape_cast %mul3A_457 : vector<16xf32> to vector<16xf32>
        tpu.vector_store %arg16[%swap3A_458], %swap3A_461 {strides = array<i32>} : memref<10240xf32, #tpu.memory_space<vmem>>, vector<16xf32>,
        %add3A_462 = arith.constant 112 : i32
        %add3A_463 = arith.addi %mul3A_328, %add3A_462 : i32
        %get3A_464 = arith.index_cast %add3A_326 : i32 to index
        %get3A_465 = arith.constant 112 : index
        %get3A_466 = tpu.vector_load %arg14[%get3A_464, %get3A_465] {strides = array<i32>} : memref<80x128xf32, #tpu.memory_space<vmem>>, vector<1x16xf32>,
        %get3A_467 = vector.shape_cast %get3A_466 : vector<1x16xf32> to vector<16xf32>
        %get3A_468 = arith.index_cast %add3A_326 : i32 to index
        %get3A_469 = arith.constant 112 : index
        %get3A_470 = tpu.vector_load %arg15[%get3A_468, %get3A_469] {strides = array<i32>} : memref<80x128xf32, #tpu.memory_space<vmem>>, vector<1x16xf32>,
        %get3A_471 = vector.shape_cast %get3A_470 : vector<1x16xf32> to vector<16xf32>
        %mul3A_472 = arith.mulf %get3A_467, %get3A_471 : vector<16xf32>
        %get3A_473 = arith.index_cast %add3A_463 : i32 to index
        %get3A_474 = tpu.vector_load %arg16[%get3A_473] {strides = array<i32>} : memref<10240xf32, #tpu.memory_space<vmem>>, vector<16xf32>,
        %get3A_475 = vector.shape_cast %get3A_474 : vector<16xf32> to vector<16xf32>
        %mul3A_476 = arith.mulf %mul3A_472, %get3A_475 : vector<16xf32>
        %swap3A_477 = arith.index_cast %add3A_463 : i32 to index
        %swap3A_478 = tpu.vector_load %arg16[%swap3A_477] {strides = array<i32>} : memref<10240xf32, #tpu.memory_space<vmem>>, vector<16xf32>,
        %swap3A_479 = vector.shape_cast %swap3A_478 : vector<16xf32> to vector<16xf32>
        %swap3A_480 = vector.shape_cast %mul3A_476 : vector<16xf32> to vector<16xf32>
        tpu.vector_store %arg16[%swap3A_477], %swap3A_480 {strides = array<i32>} : memref<10240xf32, #tpu.memory_space<vmem>>, vector<16xf32>,
      }
      %scan3A_239 = arith.constant 80 : i32
      %dma_start3A_240 = arith.constant 1 : i32
      %dma_start3A_241 = arith.constant 0 : i32
      %dma_start3A_242 = tpu.memref_slice %arg12[%rem3A_32, %dma_start3A_240, %dma_start3A_241] : memref<3x2x80xi32, #tpu.memory_space<vmem>> -> memref<1x1x80xi32, #tpu.memory_space<vmem>>
      %dma_start3A_243 = tpu.memref_squeeze %dma_start3A_242 : memref<1x1x80xi32, #tpu.memory_space<vmem>> -> memref<80xi32, #tpu.memory_space<vmem>>
      %dma_start3A_244 = arith.constant 0 : i32
      %dma_start3A_245 = arith.constant 0 : i32
      %dma_start3A_246 = tpu.memref_slice %arg4[%dma_start3A_244, %dma_start3A_245] : memref<20000x128xf32, #tpu.memory_space<hbm>> -> memref<20000x128xf32, #tpu.memory_space<hbm>>
      tpu.enqueue_indirect_dma source(%dma_start3A_246 : memref<20000x128xf32, #tpu.memory_space<hbm>>) target(%arg14 : memref<80x128xf32, #tpu.memory_space<vmem>>) offsets(%dma_start3A_243 : memref<80xi32, #tpu.memory_space<vmem>>) semaphore(%arg20 : memref<!tpu.dma_semaphore, #tpu.memory_space<semaphore_mem>>)
      %mul3A_247 = arith.constant 160000 : i32
      %mul3A_248 = arith.muli %arg0, %mul3A_247 : i32
      %add3A_249 = arith.addi %mul3A_248, %add3A_41 : i32
      %mul3A_250 = arith.constant 128 : i32
      %mul3A_251 = arith.muli %add3A_249, %mul3A_250 : i32
      %dma_start3A_252 = tpu.memref_slice %arg9[%mul3A_251] : memref<40960000xf32, #tpu.memory_space<hbm>> -> memref<10240xf32, #tpu.memory_space<hbm>>
      %dma_start3A_253 = tpu.memref_slice %arg9[%mul3A_251] : memref<40960000xf32, #tpu.memory_space<hbm>> -> memref<10240xf32, #tpu.memory_space<hbm>>
      tpu.enqueue_dma source(%arg16 : memref<10240xf32, #tpu.memory_space<vmem>>) target(%dma_start3A_253 : memref<10240xf32, #tpu.memory_space<hbm>>) target_semaphore(%arg21 : memref<!tpu.dma_semaphore, #tpu.memory_space<semaphore_mem>>)
      %xor3A = arith.constant 1 : i32
      %xor3A_254 = vector.broadcast %xor3A : i32 to vector<16xi32>
      %xor3A_255 = arith.xori %iota3A, %xor3A_254 : vector<16xi32>
      %xor3A_256 = arith.constant 2 : i32
      %xor3A_257 = vector.broadcast %xor3A_256 : i32 to vector<16xi32>
      %xor3A_258 = arith.xori %iota3A, %xor3A_257 : vector<16xi32>
      %xor3A_259 = arith.constant 4 : i32
      %xor3A_260 = vector.broadcast %xor3A_259 : i32 to vector<16xi32>
      %xor3A_261 = arith.xori %iota3A, %xor3A_260 : vector<16xi32>
      %xor3A_262 = arith.constant 8 : i32
      %xor3A_263 = vector.broadcast %xor3A_262 : i32 to vector<16xi32>
      %xor3A_264 = arith.xori %iota3A, %xor3A_263 : vector<16xi32>
      %and3A = arith.constant 3 : i32
      %and3A_265 = vector.broadcast %and3A : i32 to vector<16xi32>
      %and3A_266 = arith.andi %iota3A, %and3A_265 : vector<16xi32>
      %scan3A_267 = arith.constant 0 : i32
      %scan3A_268 = arith.constant 80 : i32
      %scan3A_269 = arith.addi %scan3A_267, %scan3A_268 : i32
      %scan3A_270 = arith.constant 1 : i32
      scf.for %scan3A_322 = %scan3A_267 to %scan3A_269 step %scan3A_270  : i32 {
        %mul3A_323 = arith.constant 1 : i32
        %mul3A_324 = arith.muli %scan3A_322, %mul3A_323 : i32
        %add3A_325 = arith.constant 0 : i32
        %add3A_326 = arith.addi %add3A_325, %mul3A_324 : i32
        %mul3A_327 = arith.constant 128 : i32
        %mul3A_328 = arith.muli %add3A_326, %mul3A_327 : i32
        %add3A_329 = arith.constant 0 : i32
        %add3A_330 = arith.addi %mul3A_328, %add3A_329 : i32
        %get3A_331 = arith.index_cast %add3A_330 : i32 to index
        %get3A_332 = tpu.vector_load %arg16[%get3A_331] {strides = array<i32>} : memref<10240xf32, #tpu.memory_space<vmem>>, vector<16xf32>,
        %get3A_333 = vector.shape_cast %get3A_332 : vector<16xf32> to vector<16xf32>
        %add3A_334 = arith.constant 16 : i32
        %add3A_335 = arith.addi %mul3A_328, %add3A_334 : i32
        %get3A_336 = arith.index_cast %add3A_335 : i32 to index
        %get3A_337 = tpu.vector_load %arg16[%get3A_336] {strides = array<i32>} : memref<10240xf32, #tpu.memory_space<vmem>>, vector<16xf32>,
        %get3A_338 = vector.shape_cast %get3A_337 : vector<16xf32> to vector<16xf32>
        %add3A_339 = arith.addf %get3A_333, %get3A_338 : vector<16xf32>
        %lt3A_340 = arith.constant 0 : i32
        %lt3A_341 = vector.broadcast %lt3A_340 : i32 to vector<16xi32>
        %lt3A_342 = arith.cmpi slt, %xor3A_255, %lt3A_341 : vector<16xi32>
        %add3A_343 = arith.constant 16 : i32
        %add3A_344 = vector.broadcast %add3A_343 : i32 to vector<16xi32>
        %add3A_345 = arith.addi %xor3A_255, %add3A_344 : vector<16xi32>
        %select_n3A = arith.select %lt3A_342, %add3A_345, %xor3A_255 : vector<16xi1>, vector<16xi32>
        %broadcast_in_dim3A = vector.shape_cast %select_n3A : vector<16xi32> to vector<16x1xi32>
        %gather3A = vector.shape_cast %broadcast_in_dim3A : vector<16x1xi32> to vector<16xi32>
        %gather3A_346 = tpu.dynamic_gather %add3A_339[%gather3A] in [0] : vector<16xf32>, vector<16xi32> -> vector<16xf32>
        %add3A_347 = arith.addf %add3A_339, %gather3A_346 : vector<16xf32>
        %lt3A_348 = arith.constant 0 : i32
        %lt3A_349 = vector.broadcast %lt3A_348 : i32 to vector<16xi32>
        %lt3A_350 = arith.cmpi slt, %xor3A_258, %lt3A_349 : vector<16xi32>
        %add3A_351 = arith.constant 16 : i32
        %add3A_352 = vector.broadcast %add3A_351 : i32 to vector<16xi32>
        %add3A_353 = arith.addi %xor3A_258, %add3A_352 : vector<16xi32>
        %select_n3A_354 = arith.select %lt3A_350, %add3A_353, %xor3A_258 : vector<16xi1>, vector<16xi32>
        %broadcast_in_dim3A_355 = vector.shape_cast %select_n3A_354 : vector<16xi32> to vector<16x1xi32>
        %gather3A_356 = vector.shape_cast %broadcast_in_dim3A_355 : vector<16x1xi32> to vector<16xi32>
        %gather3A_357 = tpu.dynamic_gather %add3A_347[%gather3A_356] in [0] : vector<16xf32>, vector<16xi32> -> vector<16xf32>
        %add3A_358 = arith.addf %add3A_347, %gather3A_357 : vector<16xf32>
        %add3A_359 = arith.constant 32 : i32
        %add3A_360 = arith.addi %mul3A_328, %add3A_359 : i32
        %get3A_361 = arith.index_cast %add3A_360 : i32 to index
        %get3A_362 = tpu.vector_load %arg16[%get3A_361] {strides = array<i32>} : memref<10240xf32, #tpu.memory_space<vmem>>, vector<16xf32>,
        %get3A_363 = vector.shape_cast %get3A_362 : vector<16xf32> to vector<16xf32>
        %add3A_364 = arith.constant 48 : i32
        %add3A_365 = arith.addi %mul3A_328, %add3A_364 : i32
        %get3A_366 = arith.index_cast %add3A_365 : i32 to index
        %get3A_367 = tpu.vector_load %arg16[%get3A_366] {strides = array<i32>} : memref<10240xf32, #tpu.memory_space<vmem>>, vector<16xf32>,
        %get3A_368 = vector.shape_cast %get3A_367 : vector<16xf32> to vector<16xf32>
        %add3A_369 = arith.addf %get3A_363, %get3A_368 : vector<16xf32>
        %lt3A_370 = arith.constant 0 : i32
        %lt3A_371 = vector.broadcast %lt3A_370 : i32 to vector<16xi32>
        %lt3A_372 = arith.cmpi slt, %xor3A_255, %lt3A_371 : vector<16xi32>
        %add3A_373 = arith.constant 16 : i32
        %add3A_374 = vector.broadcast %add3A_373 : i32 to vector<16xi32>
        %add3A_375 = arith.addi %xor3A_255, %add3A_374 : vector<16xi32>
        %select_n3A_376 = arith.select %lt3A_372, %add3A_375, %xor3A_255 : vector<16xi1>, vector<16xi32>
        %broadcast_in_dim3A_377 = vector.shape_cast %select_n3A_376 : vector<16xi32> to vector<16x1xi32>
        %gather3A_378 = vector.shape_cast %broadcast_in_dim3A_377 : vector<16x1xi32> to vector<16xi32>
        %gather3A_379 = tpu.dynamic_gather %add3A_369[%gather3A_378] in [0] : vector<16xf32>, vector<16xi32> -> vector<16xf32>
        %add3A_380 = arith.addf %add3A_369, %gather3A_379 : vector<16xf32>
        %lt3A_381 = arith.constant 0 : i32
        %lt3A_382 = vector.broadcast %lt3A_381 : i32 to vector<16xi32>
        %lt3A_383 = arith.cmpi slt, %xor3A_258, %lt3A_382 : vector<16xi32>
        %add3A_384 = arith.constant 16 : i32
        %add3A_385 = vector.broadcast %add3A_384 : i32 to vector<16xi32>
        %add3A_386 = arith.addi %xor3A_258, %add3A_385 : vector<16xi32>
        %select_n3A_387 = arith.select %lt3A_383, %add3A_386, %xor3A_258 : vector<16xi1>, vector<16xi32>
        %broadcast_in_dim3A_388 = vector.shape_cast %select_n3A_387 : vector<16xi32> to vector<16x1xi32>
        %gather3A_389 = vector.shape_cast %broadcast_in_dim3A_388 : vector<16x1xi32> to vector<16xi32>
        %gather3A_390 = tpu.dynamic_gather %add3A_380[%gather3A_389] in [0] : vector<16xf32>, vector<16xi32> -> vector<16xf32>
        %add3A_391 = arith.addf %add3A_380, %gather3A_390 : vector<16xf32>
        %add3A_392 = arith.constant 64 : i32
        %add3A_393 = arith.addi %mul3A_328, %add3A_392 : i32
        %get3A_394 = arith.index_cast %add3A_393 : i32 to index
        %get3A_395 = tpu.vector_load %arg16[%get3A_394] {strides = array<i32>} : memref<10240xf32, #tpu.memory_space<vmem>>, vector<16xf32>,
        %get3A_396 = vector.shape_cast %get3A_395 : vector<16xf32> to vector<16xf32>
        %add3A_397 = arith.constant 80 : i32
        %add3A_398 = arith.addi %mul3A_328, %add3A_397 : i32
        %get3A_399 = arith.index_cast %add3A_398 : i32 to index
        %get3A_400 = tpu.vector_load %arg16[%get3A_399] {strides = array<i32>} : memref<10240xf32, #tpu.memory_space<vmem>>, vector<16xf32>,
        %get3A_401 = vector.shape_cast %get3A_400 : vector<16xf32> to vector<16xf32>
        %add3A_402 = arith.addf %get3A_396, %get3A_401 : vector<16xf32>
        %lt3A_403 = arith.constant 0 : i32
        %lt3A_404 = vector.broadcast %lt3A_403 : i32 to vector<16xi32>
        %lt3A_405 = arith.cmpi slt, %xor3A_255, %lt3A_404 : vector<16xi32>
        %add3A_406 = arith.constant 16 : i32
        %add3A_407 = vector.broadcast %add3A_406 : i32 to vector<16xi32>
        %add3A_408 = arith.addi %xor3A_255, %add3A_407 : vector<16xi32>
        %select_n3A_409 = arith.select %lt3A_405, %add3A_408, %xor3A_255 : vector<16xi1>, vector<16xi32>
        %broadcast_in_dim3A_410 = vector.shape_cast %select_n3A_409 : vector<16xi32> to vector<16x1xi32>
        %gather3A_411 = vector.shape_cast %broadcast_in_dim3A_410 : vector<16x1xi32> to vector<16xi32>
        %gather3A_412 = tpu.dynamic_gather %add3A_402[%gather3A_411] in [0] : vector<16xf32>, vector<16xi32> -> vector<16xf32>
        %add3A_413 = arith.addf %add3A_402, %gather3A_412 : vector<16xf32>
        %lt3A_414 = arith.constant 0 : i32
        %lt3A_415 = vector.broadcast %lt3A_414 : i32 to vector<16xi32>
        %lt3A_416 = arith.cmpi slt, %xor3A_258, %lt3A_415 : vector<16xi32>
        %add3A_417 = arith.constant 16 : i32
        %add3A_418 = vector.broadcast %add3A_417 : i32 to vector<16xi32>
        %add3A_419 = arith.addi %xor3A_258, %add3A_418 : vector<16xi32>
        %select_n3A_420 = arith.select %lt3A_416, %add3A_419, %xor3A_258 : vector<16xi1>, vector<16xi32>
        %broadcast_in_dim3A_421 = vector.shape_cast %select_n3A_420 : vector<16xi32> to vector<16x1xi32>
        %gather3A_422 = vector.shape_cast %broadcast_in_dim3A_421 : vector<16x1xi32> to vector<16xi32>
        %gather3A_423 = tpu.dynamic_gather %add3A_413[%gather3A_422] in [0] : vector<16xf32>, vector<16xi32> -> vector<16xf32>
        %add3A_424 = arith.addf %add3A_413, %gather3A_423 : vector<16xf32>
        %add3A_425 = arith.constant 96 : i32
        %add3A_426 = arith.addi %mul3A_328, %add3A_425 : i32
        %get3A_427 = arith.index_cast %add3A_426 : i32 to index
        %get3A_428 = tpu.vector_load %arg16[%get3A_427] {strides = array<i32>} : memref<10240xf32, #tpu.memory_space<vmem>>, vector<16xf32>,
        %get3A_429 = vector.shape_cast %get3A_428 : vector<16xf32> to vector<16xf32>
        %add3A_430 = arith.constant 112 : i32
        %add3A_431 = arith.addi %mul3A_328, %add3A_430 : i32
        %get3A_432 = arith.index_cast %add3A_431 : i32 to index
        %get3A_433 = tpu.vector_load %arg16[%get3A_432] {strides = array<i32>} : memref<10240xf32, #tpu.memory_space<vmem>>, vector<16xf32>,
        %get3A_434 = vector.shape_cast %get3A_433 : vector<16xf32> to vector<16xf32>
        %add3A_435 = arith.addf %get3A_429, %get3A_434 : vector<16xf32>
        %lt3A_436 = arith.constant 0 : i32
        %lt3A_437 = vector.broadcast %lt3A_436 : i32 to vector<16xi32>
        %lt3A_438 = arith.cmpi slt, %xor3A_255, %lt3A_437 : vector<16xi32>
        %add3A_439 = arith.constant 16 : i32
        %add3A_440 = vector.broadcast %add3A_439 : i32 to vector<16xi32>
        %add3A_441 = arith.addi %xor3A_255, %add3A_440 : vector<16xi32>
        %select_n3A_442 = arith.select %lt3A_438, %add3A_441, %xor3A_255 : vector<16xi1>, vector<16xi32>
        %broadcast_in_dim3A_443 = vector.shape_cast %select_n3A_442 : vector<16xi32> to vector<16x1xi32>
        %gather3A_444 = vector.shape_cast %broadcast_in_dim3A_443 : vector<16x1xi32> to vector<16xi32>
        %gather3A_445 = tpu.dynamic_gather %add3A_435[%gather3A_444] in [0] : vector<16xf32>, vector<16xi32> -> vector<16xf32>
        %add3A_446 = arith.addf %add3A_435, %gather3A_445 : vector<16xf32>
        %lt3A_447 = arith.constant 0 : i32
        %lt3A_448 = vector.broadcast %lt3A_447 : i32 to vector<16xi32>
        %lt3A_449 = arith.cmpi slt, %xor3A_258, %lt3A_448 : vector<16xi32>
        %add3A_450 = arith.constant 16 : i32
        %add3A_451 = vector.broadcast %add3A_450 : i32 to vector<16xi32>
        %add3A_452 = arith.addi %xor3A_258, %add3A_451 : vector<16xi32>
        %select_n3A_453 = arith.select %lt3A_449, %add3A_452, %xor3A_258 : vector<16xi1>, vector<16xi32>
        %broadcast_in_dim3A_454 = vector.shape_cast %select_n3A_453 : vector<16xi32> to vector<16x1xi32>
        %gather3A_455 = vector.shape_cast %broadcast_in_dim3A_454 : vector<16x1xi32> to vector<16xi32>
        %gather3A_456 = tpu.dynamic_gather %add3A_446[%gather3A_455] in [0] : vector<16xf32>, vector<16xi32> -> vector<16xf32>
        %add3A_457 = arith.addf %add3A_446, %gather3A_456 : vector<16xf32>
        %eq3A = arith.constant 0 : i32
        %eq3A_458 = vector.broadcast %eq3A : i32 to vector<16xi32>
        %eq3A_459 = arith.cmpi eq, %and3A_266, %eq3A_458 : vector<16xi32>
        %eq3A_460 = arith.constant 1 : i32
        %eq3A_461 = vector.broadcast %eq3A_460 : i32 to vector<16xi32>
        %eq3A_462 = arith.cmpi eq, %and3A_266, %eq3A_461 : vector<16xi32>
        %eq3A_463 = arith.constant 2 : i32
        %eq3A_464 = vector.broadcast %eq3A_463 : i32 to vector<16xi32>
        %eq3A_465 = arith.cmpi eq, %and3A_266, %eq3A_464 : vector<16xi32>
        %select_n3A_466 = arith.select %eq3A_465, %add3A_424, %add3A_457 : vector<16xi1>, vector<16xf32>
        %select_n3A_467 = arith.select %eq3A_462, %add3A_391, %select_n3A_466 : vector<16xi1>, vector<16xf32>
        %select_n3A_468 = arith.select %eq3A_459, %add3A_358, %select_n3A_467 : vector<16xi1>, vector<16xf32>
        %lt3A_469 = arith.constant 0 : i32
        %lt3A_470 = vector.broadcast %lt3A_469 : i32 to vector<16xi32>
        %lt3A_471 = arith.cmpi slt, %xor3A_261, %lt3A_470 : vector<16xi32>
        %add3A_472 = arith.constant 16 : i32
        %add3A_473 = vector.broadcast %add3A_472 : i32 to vector<16xi32>
        %add3A_474 = arith.addi %xor3A_261, %add3A_473 : vector<16xi32>
        %select_n3A_475 = arith.select %lt3A_471, %add3A_474, %xor3A_261 : vector<16xi1>, vector<16xi32>
        %broadcast_in_dim3A_476 = vector.shape_cast %select_n3A_475 : vector<16xi32> to vector<16x1xi32>
        %gather3A_477 = vector.shape_cast %broadcast_in_dim3A_476 : vector<16x1xi32> to vector<16xi32>
        %gather3A_478 = tpu.dynamic_gather %select_n3A_468[%gather3A_477] in [0] : vector<16xf32>, vector<16xi32> -> vector<16xf32>
        %add3A_479 = arith.addf %select_n3A_468, %gather3A_478 : vector<16xf32>
        %lt3A_480 = arith.constant 0 : i32
        %lt3A_481 = vector.broadcast %lt3A_480 : i32 to vector<16xi32>
        %lt3A_482 = arith.cmpi slt, %xor3A_264, %lt3A_481 : vector<16xi32>
        %add3A_483 = arith.constant 16 : i32
        %add3A_484 = vector.broadcast %add3A_483 : i32 to vector<16xi32>
        %add3A_485 = arith.addi %xor3A_264, %add3A_484 : vector<16xi32>
        %select_n3A_486 = arith.select %lt3A_482, %add3A_485, %xor3A_264 : vector<16xi1>, vector<16xi32>
        %broadcast_in_dim3A_487 = vector.shape_cast %select_n3A_486 : vector<16xi32> to vector<16x1xi32>
        %gather3A_488 = vector.shape_cast %broadcast_in_dim3A_487 : vector<16x1xi32> to vector<16xi32>
        %gather3A_489 = tpu.dynamic_gather %add3A_479[%gather3A_488] in [0] : vector<16xf32>, vector<16xi32> -> vector<16xf32>
        %add3A_490 = arith.addf %add3A_479, %gather3A_489 : vector<16xf32>
        %exp3A = math.exp %add3A_490 : vector<16xf32>
        %swap3A_491 = arith.index_cast %add3A_326 : i32 to index
        %swap3A_492 = arith.constant 0 : index
        %swap3A_493 = tpu.vector_load %arg17[%swap3A_491, %swap3A_492] {strides = array<i32>} : memref<80x16xf32, #tpu.memory_space<vmem>>, vector<1x16xf32>,
        %swap3A_494 = vector.shape_cast %swap3A_493 : vector<1x16xf32> to vector<16xf32>
        %swap3A_495 = vector.shape_cast %exp3A : vector<16xf32> to vector<1x16xf32>
        tpu.vector_store %arg17[%swap3A_491, %swap3A_492], %swap3A_495 {strides = array<i32>} : memref<80x16xf32, #tpu.memory_space<vmem>>, vector<1x16xf32>,
      }
      %scan3A_271 = arith.constant 80 : i32
      %mul3A_272 = arith.constant 160000 : i32
      %mul3A_273 = arith.muli %arg0, %mul3A_272 : i32
      %add3A_274 = arith.addi %mul3A_273, %add3A_41 : i32
      %dma_start3A_275 = arith.constant 0 : i32
      %dma_start3A_276 = tpu.memref_slice %arg11[%add3A_274, %dma_start3A_275] : memref<320000x16xf32, #tpu.memory_space<hbm>> -> memref<80x16xf32, #tpu.memory_space<hbm>>
      %dma_start3A_277 = arith.constant 0 : i32
      %dma_start3A_278 = tpu.memref_slice %arg11[%add3A_274, %dma_start3A_277] : memref<320000x16xf32, #tpu.memory_space<hbm>> -> memref<80x16xf32, #tpu.memory_space<hbm>>
      tpu.enqueue_dma source(%arg17 : memref<80x16xf32, #tpu.memory_space<vmem>>) target(%dma_start3A_278 : memref<80x16xf32, #tpu.memory_space<hbm>>) target_semaphore(%arg21 : memref<!tpu.dma_semaphore, #tpu.memory_space<semaphore_mem>>)
      %dma_wait3A_279 = arith.constant 1 : i32
      %dma_wait3A_280 = arith.constant 0 : i32
      %dma_wait3A_281 = tpu.memref_slice %arg12[%rem3A_32, %dma_wait3A_279, %dma_wait3A_280] : memref<3x2x80xi32, #tpu.memory_space<vmem>> -> memref<1x1x80xi32, #tpu.memory_space<vmem>>
      %dma_wait3A_282 = tpu.memref_squeeze %dma_wait3A_281 : memref<1x1x80xi32, #tpu.memory_space<vmem>> -> memref<80xi32, #tpu.memory_space<vmem>>
      %dma_wait3A_283 = arith.constant 0 : i32
      %dma_wait3A_284 = arith.constant 0 : i32
      %dma_wait3A_285 = tpu.memref_slice %arg4[%dma_wait3A_283, %dma_wait3A_284] : memref<20000x128xf32, #tpu.memory_space<hbm>> -> memref<20000x128xf32, #tpu.memory_space<hbm>>
      tpu.wait_indirect_dma semaphore(%arg20 : memref<!tpu.dma_semaphore, #tpu.memory_space<semaphore_mem>>) src(%dma_wait3A_285 : memref<20000x128xf32, #tpu.memory_space<hbm>>) dst(%arg14 : memref<80x128xf32, #tpu.memory_space<vmem>>)
      %scan3A_286 = arith.constant 0 : i32
      %scan3A_287 = arith.constant 80 : i32
      %scan3A_288 = arith.addi %scan3A_286, %scan3A_287 : i32
      %scan3A_289 = arith.constant 1 : i32
      scf.for %scan3A_322 = %scan3A_286 to %scan3A_288 step %scan3A_289  : i32 {
        %mul3A_323 = arith.constant 1 : i32
        %mul3A_324 = arith.muli %scan3A_322, %mul3A_323 : i32
        %add3A_325 = arith.constant 0 : i32
        %add3A_326 = arith.addi %add3A_325, %mul3A_324 : i32
        %get3A_327 = arith.index_cast %add3A_326 : i32 to index
        %get3A_328 = arith.constant 0 : index
        %get3A_329 = tpu.vector_load %arg17[%get3A_327, %get3A_328] {strides = array<i32>} : memref<80x16xf32, #tpu.memory_space<vmem>>, vector<1x16xf32>,
        %get3A_330 = vector.shape_cast %get3A_329 : vector<1x16xf32> to vector<16xf32>
        %slice3A = vector.extract_strided_slice %get3A_330 {offsets = [0], sizes = [1], strides = [1]} : vector<16xf32> to vector<1xf32>
        %squeeze3A = vector.extract %slice3A[0] : f32 from vector<1xf32>
        %broadcast_in_dim3A = vector.broadcast %squeeze3A : f32 to vector<16xf32>
        %get3A_331 = arith.index_cast %add3A_326 : i32 to index
        %get3A_332 = arith.constant 0 : index
        %get3A_333 = tpu.vector_load %arg14[%get3A_331, %get3A_332] {strides = array<i32>} : memref<80x128xf32, #tpu.memory_space<vmem>>, vector<1x16xf32>,
        %get3A_334 = vector.shape_cast %get3A_333 : vector<1x16xf32> to vector<16xf32>
        %mul3A_335 = arith.mulf %get3A_334, %broadcast_in_dim3A : vector<16xf32>
        %swap3A_336 = arith.index_cast %add3A_326 : i32 to index
        %swap3A_337 = arith.constant 0 : index
        %swap3A_338 = tpu.vector_load %arg14[%swap3A_336, %swap3A_337] {strides = array<i32>} : memref<80x128xf32, #tpu.memory_space<vmem>>, vector<1x16xf32>,
        %swap3A_339 = vector.shape_cast %swap3A_338 : vector<1x16xf32> to vector<16xf32>
        %swap3A_340 = vector.shape_cast %mul3A_335 : vector<16xf32> to vector<1x16xf32>
        tpu.vector_store %arg14[%swap3A_336, %swap3A_337], %swap3A_340 {strides = array<i32>} : memref<80x128xf32, #tpu.memory_space<vmem>>, vector<1x16xf32>,
        %get3A_341 = arith.index_cast %add3A_326 : i32 to index
        %get3A_342 = arith.constant 16 : index
        %get3A_343 = tpu.vector_load %arg14[%get3A_341, %get3A_342] {strides = array<i32>} : memref<80x128xf32, #tpu.memory_space<vmem>>, vector<1x16xf32>,
        %get3A_344 = vector.shape_cast %get3A_343 : vector<1x16xf32> to vector<16xf32>
        %mul3A_345 = arith.mulf %get3A_344, %broadcast_in_dim3A : vector<16xf32>
        %swap3A_346 = arith.index_cast %add3A_326 : i32 to index
        %swap3A_347 = arith.constant 16 : index
        %swap3A_348 = tpu.vector_load %arg14[%swap3A_346, %swap3A_347] {strides = array<i32>} : memref<80x128xf32, #tpu.memory_space<vmem>>, vector<1x16xf32>,
        %swap3A_349 = vector.shape_cast %swap3A_348 : vector<1x16xf32> to vector<16xf32>
        %swap3A_350 = vector.shape_cast %mul3A_345 : vector<16xf32> to vector<1x16xf32>
        tpu.vector_store %arg14[%swap3A_346, %swap3A_347], %swap3A_350 {strides = array<i32>} : memref<80x128xf32, #tpu.memory_space<vmem>>, vector<1x16xf32>,
        %slice3A_351 = vector.extract_strided_slice %get3A_330 {offsets = [1], sizes = [1], strides = [1]} : vector<16xf32> to vector<1xf32>
        %squeeze3A_352 = vector.extract %slice3A_351[0] : f32 from vector<1xf32>
        %broadcast_in_dim3A_353 = vector.broadcast %squeeze3A_352 : f32 to vector<16xf32>
        %get3A_354 = arith.index_cast %add3A_326 : i32 to index
        %get3A_355 = arith.constant 32 : index
        %get3A_356 = tpu.vector_load %arg14[%get3A_354, %get3A_355] {strides = array<i32>} : memref<80x128xf32, #tpu.memory_space<vmem>>, vector<1x16xf32>,
        %get3A_357 = vector.shape_cast %get3A_356 : vector<1x16xf32> to vector<16xf32>
        %mul3A_358 = arith.mulf %get3A_357, %broadcast_in_dim3A_353 : vector<16xf32>
        %swap3A_359 = arith.index_cast %add3A_326 : i32 to index
        %swap3A_360 = arith.constant 32 : index
        %swap3A_361 = tpu.vector_load %arg14[%swap3A_359, %swap3A_360] {strides = array<i32>} : memref<80x128xf32, #tpu.memory_space<vmem>>, vector<1x16xf32>,
        %swap3A_362 = vector.shape_cast %swap3A_361 : vector<1x16xf32> to vector<16xf32>
        %swap3A_363 = vector.shape_cast %mul3A_358 : vector<16xf32> to vector<1x16xf32>
        tpu.vector_store %arg14[%swap3A_359, %swap3A_360], %swap3A_363 {strides = array<i32>} : memref<80x128xf32, #tpu.memory_space<vmem>>, vector<1x16xf32>,
        %get3A_364 = arith.index_cast %add3A_326 : i32 to index
        %get3A_365 = arith.constant 48 : index
        %get3A_366 = tpu.vector_load %arg14[%get3A_364, %get3A_365] {strides = array<i32>} : memref<80x128xf32, #tpu.memory_space<vmem>>, vector<1x16xf32>,
        %get3A_367 = vector.shape_cast %get3A_366 : vector<1x16xf32> to vector<16xf32>
        %mul3A_368 = arith.mulf %get3A_367, %broadcast_in_dim3A_353 : vector<16xf32>
        %swap3A_369 = arith.index_cast %add3A_326 : i32 to index
        %swap3A_370 = arith.constant 48 : index
        %swap3A_371 = tpu.vector_load %arg14[%swap3A_369, %swap3A_370] {strides = array<i32>} : memref<80x128xf32, #tpu.memory_space<vmem>>, vector<1x16xf32>,
        %swap3A_372 = vector.shape_cast %swap3A_371 : vector<1x16xf32> to vector<16xf32>
        %swap3A_373 = vector.shape_cast %mul3A_368 : vector<16xf32> to vector<1x16xf32>
        tpu.vector_store %arg14[%swap3A_369, %swap3A_370], %swap3A_373 {strides = array<i32>} : memref<80x128xf32, #tpu.memory_space<vmem>>, vector<1x16xf32>,
        %slice3A_374 = vector.extract_strided_slice %get3A_330 {offsets = [2], sizes = [1], strides = [1]} : vector<16xf32> to vector<1xf32>
        %squeeze3A_375 = vector.extract %slice3A_374[0] : f32 from vector<1xf32>
        %broadcast_in_dim3A_376 = vector.broadcast %squeeze3A_375 : f32 to vector<16xf32>
        %get3A_377 = arith.index_cast %add3A_326 : i32 to index
        %get3A_378 = arith.constant 64 : index
        %get3A_379 = tpu.vector_load %arg14[%get3A_377, %get3A_378] {strides = array<i32>} : memref<80x128xf32, #tpu.memory_space<vmem>>, vector<1x16xf32>,
        %get3A_380 = vector.shape_cast %get3A_379 : vector<1x16xf32> to vector<16xf32>
        %mul3A_381 = arith.mulf %get3A_380, %broadcast_in_dim3A_376 : vector<16xf32>
        %swap3A_382 = arith.index_cast %add3A_326 : i32 to index
        %swap3A_383 = arith.constant 64 : index
        %swap3A_384 = tpu.vector_load %arg14[%swap3A_382, %swap3A_383] {strides = array<i32>} : memref<80x128xf32, #tpu.memory_space<vmem>>, vector<1x16xf32>,
        %swap3A_385 = vector.shape_cast %swap3A_384 : vector<1x16xf32> to vector<16xf32>
        %swap3A_386 = vector.shape_cast %mul3A_381 : vector<16xf32> to vector<1x16xf32>
        tpu.vector_store %arg14[%swap3A_382, %swap3A_383], %swap3A_386 {strides = array<i32>} : memref<80x128xf32, #tpu.memory_space<vmem>>, vector<1x16xf32>,
        %get3A_387 = arith.index_cast %add3A_326 : i32 to index
        %get3A_388 = arith.constant 80 : index
        %get3A_389 = tpu.vector_load %arg14[%get3A_387, %get3A_388] {strides = array<i32>} : memref<80x128xf32, #tpu.memory_space<vmem>>, vector<1x16xf32>,
        %get3A_390 = vector.shape_cast %get3A_389 : vector<1x16xf32> to vector<16xf32>
        %mul3A_391 = arith.mulf %get3A_390, %broadcast_in_dim3A_376 : vector<16xf32>
        %swap3A_392 = arith.index_cast %add3A_326 : i32 to index
        %swap3A_393 = arith.constant 80 : index
        %swap3A_394 = tpu.vector_load %arg14[%swap3A_392, %swap3A_393] {strides = array<i32>} : memref<80x128xf32, #tpu.memory_space<vmem>>, vector<1x16xf32>,
        %swap3A_395 = vector.shape_cast %swap3A_394 : vector<1x16xf32> to vector<16xf32>
        %swap3A_396 = vector.shape_cast %mul3A_391 : vector<16xf32> to vector<1x16xf32>
        tpu.vector_store %arg14[%swap3A_392, %swap3A_393], %swap3A_396 {strides = array<i32>} : memref<80x128xf32, #tpu.memory_space<vmem>>, vector<1x16xf32>,
        %slice3A_397 = vector.extract_strided_slice %get3A_330 {offsets = [3], sizes = [1], strides = [1]} : vector<16xf32> to vector<1xf32>
        %squeeze3A_398 = vector.extract %slice3A_397[0] : f32 from vector<1xf32>
        %broadcast_in_dim3A_399 = vector.broadcast %squeeze3A_398 : f32 to vector<16xf32>
        %get3A_400 = arith.index_cast %add3A_326 : i32 to index
        %get3A_401 = arith.constant 96 : index
        %get3A_402 = tpu.vector_load %arg14[%get3A_400, %get3A_401] {strides = array<i32>} : memref<80x128xf32, #tpu.memory_space<vmem>>, vector<1x16xf32>,
        %get3A_403 = vector.shape_cast %get3A_402 : vector<1x16xf32> to vector<16xf32>
        %mul3A_404 = arith.mulf %get3A_403, %broadcast_in_dim3A_399 : vector<16xf32>
        %swap3A_405 = arith.index_cast %add3A_326 : i32 to index
        %swap3A_406 = arith.constant 96 : index
        %swap3A_407 = tpu.vector_load %arg14[%swap3A_405, %swap3A_406] {strides = array<i32>} : memref<80x128xf32, #tpu.memory_space<vmem>>, vector<1x16xf32>,
        %swap3A_408 = vector.shape_cast %swap3A_407 : vector<1x16xf32> to vector<16xf32>
        %swap3A_409 = vector.shape_cast %mul3A_404 : vector<16xf32> to vector<1x16xf32>
        tpu.vector_store %arg14[%swap3A_405, %swap3A_406], %swap3A_409 {strides = array<i32>} : memref<80x128xf32, #tpu.memory_space<vmem>>, vector<1x16xf32>,
        %get3A_410 = arith.index_cast %add3A_326 : i32 to index
        %get3A_411 = arith.constant 112 : index
        %get3A_412 = tpu.vector_load %arg14[%get3A_410, %get3A_411] {strides = array<i32>} : memref<80x128xf32, #tpu.memory_space<vmem>>, vector<1x16xf32>,
        %get3A_413 = vector.shape_cast %get3A_412 : vector<1x16xf32> to vector<16xf32>
        %mul3A_414 = arith.mulf %get3A_413, %broadcast_in_dim3A_399 : vector<16xf32>
        %swap3A_415 = arith.index_cast %add3A_326 : i32 to index
        %swap3A_416 = arith.constant 112 : index
        %swap3A_417 = tpu.vector_load %arg14[%swap3A_415, %swap3A_416] {strides = array<i32>} : memref<80x128xf32, #tpu.memory_space<vmem>>, vector<1x16xf32>,
        %swap3A_418 = vector.shape_cast %swap3A_417 : vector<1x16xf32> to vector<16xf32>
        %swap3A_419 = vector.shape_cast %mul3A_414 : vector<16xf32> to vector<1x16xf32>
        tpu.vector_store %arg14[%swap3A_415, %swap3A_416], %swap3A_419 {strides = array<i32>} : memref<80x128xf32, #tpu.memory_space<vmem>>, vector<1x16xf32>,
      }
      %scan3A_290 = arith.constant 80 : i32
      %dma_start3A_291 = arith.constant 0 : i32
      %dma_start3A_292 = arith.constant 0 : i32
      %dma_start3A_293 = tpu.memref_slice %arg12[%rem3A_32, %dma_start3A_291, %dma_start3A_292] : memref<3x2x80xi32, #tpu.memory_space<vmem>> -> memref<1x1x80xi32, #tpu.memory_space<vmem>>
      %dma_start3A_294 = tpu.memref_squeeze %dma_start3A_293 : memref<1x1x80xi32, #tpu.memory_space<vmem>> -> memref<80xi32, #tpu.memory_space<vmem>>
      %dma_start3A_295 = arith.constant 0 : i32
      %dma_start3A_296 = arith.constant 0 : i32
      %dma_start3A_297 = tpu.memref_slice %arg18[%dma_start3A_295, %dma_start3A_296] : memref<10000x128xf32, #tpu.memory_space<vmem_shared>> -> memref<10000x128xf32, #tpu.memory_space<vmem_shared>>
      tpu.enqueue_indirect_dma source(%arg14 : memref<80x128xf32, #tpu.memory_space<vmem>>) target(%dma_start3A_297 : memref<10000x128xf32, #tpu.memory_space<vmem_shared>>) offsets(%dma_start3A_294 : memref<80xi32, #tpu.memory_space<vmem>>) semaphore(%arg22 : memref<!tpu.dma_semaphore, #tpu.memory_space<semaphore_mem>>) {add = true}
      %dma_wait3A_298 = tpu.memref_slice %arg9[%mul3A_251] : memref<40960000xf32, #tpu.memory_space<hbm>> -> memref<10240xf32, #tpu.memory_space<hbm>>
      %dma_wait3A_299 = tpu.memref_slice %arg9[%mul3A_251] : memref<40960000xf32, #tpu.memory_space<hbm>> -> memref<10240xf32, #tpu.memory_space<hbm>>
      tpu.wait_dma2 semaphore(%arg21 : memref<!tpu.dma_semaphore, #tpu.memory_space<semaphore_mem>>) src(%arg16 : memref<10240xf32, #tpu.memory_space<vmem>>) dst(%dma_wait3A_299 : memref<10240xf32, #tpu.memory_space<hbm>>)
      %dma_wait3A_300 = arith.constant 0 : i32
      %dma_wait3A_301 = tpu.memref_slice %arg11[%add3A_274, %dma_wait3A_300] : memref<320000x16xf32, #tpu.memory_space<hbm>> -> memref<80x16xf32, #tpu.memory_space<hbm>>
      %dma_wait3A_302 = arith.constant 0 : i32
      %dma_wait3A_303 = tpu.memref_slice %arg11[%add3A_274, %dma_wait3A_302] : memref<320000x16xf32, #tpu.memory_space<hbm>> -> memref<80x16xf32, #tpu.memory_space<hbm>>
      tpu.wait_dma2 semaphore(%arg21 : memref<!tpu.dma_semaphore, #tpu.memory_space<semaphore_mem>>) src(%arg17 : memref<80x16xf32, #tpu.memory_space<vmem>>) dst(%dma_wait3A_303 : memref<80x16xf32, #tpu.memory_space<hbm>>)
      %dma_wait3A_304 = arith.constant 0 : i32
      %dma_wait3A_305 = arith.constant 0 : i32
      %dma_wait3A_306 = tpu.memref_slice %arg12[%rem3A_36, %dma_wait3A_304, %dma_wait3A_305] : memref<3x2x80xi32, #tpu.memory_space<vmem>> -> memref<1x1x80xi32, #tpu.memory_space<vmem>>
      %dma_wait3A_307 = tpu.memref_squeeze %dma_wait3A_306 : memref<1x1x80xi32, #tpu.memory_space<vmem>> -> memref<80xi32, #tpu.memory_space<vmem>>
      %dma_wait3A_308 = tpu.memref_slice %arg6[%add3A_49] : memref<160000xi32, #tpu.memory_space<hbm>> -> memref<80xi32, #tpu.memory_space<hbm>>
      %dma_wait3A_309 = arith.constant 0 : i32
      %dma_wait3A_310 = tpu.memref_slice %arg12[%rem3A_36, %dma_wait3A_304, %dma_wait3A_309] : memref<3x2x80xi32, #tpu.memory_space<vmem>> -> memref<1x1x80xi32, #tpu.memory_space<vmem>>
      %dma_wait3A_311 = tpu.memref_squeeze %dma_wait3A_310 : memref<1x1x80xi32, #tpu.memory_space<vmem>> -> memref<80xi32, #tpu.memory_space<vmem>>
      %dma_wait3A_312 = tpu.memref_slice %arg6[%add3A_49] : memref<160000xi32, #tpu.memory_space<hbm>> -> memref<80xi32, #tpu.memory_space<hbm>>
      tpu.wait_dma2 semaphore(%arg19 : memref<!tpu.dma_semaphore, #tpu.memory_space<semaphore_mem>>) src(%dma_wait3A_312 : memref<80xi32, #tpu.memory_space<hbm>>) dst(%dma_wait3A_311 : memref<80xi32, #tpu.memory_space<vmem>>)
      %dma_wait3A_313 = arith.constant 1 : i32
      %dma_wait3A_314 = arith.constant 0 : i32
      %dma_wait3A_315 = tpu.memref_slice %arg12[%rem3A_36, %dma_wait3A_313, %dma_wait3A_314] : memref<3x2x80xi32, #tpu.memory_space<vmem>> -> memref<1x1x80xi32, #tpu.memory_space<vmem>>
      %dma_wait3A_316 = tpu.memref_squeeze %dma_wait3A_315 : memref<1x1x80xi32, #tpu.memory_space<vmem>> -> memref<80xi32, #tpu.memory_space<vmem>>
      %dma_wait3A_317 = tpu.memref_slice %arg7[%add3A_49] : memref<160000xi32, #tpu.memory_space<hbm>> -> memref<80xi32, #tpu.memory_space<hbm>>
      %dma_wait3A_318 = arith.constant 0 : i32
      %dma_wait3A_319 = tpu.memref_slice %arg12[%rem3A_36, %dma_wait3A_313, %dma_wait3A_318] : memref<3x2x80xi32, #tpu.memory_space<vmem>> -> memref<1x1x80xi32, #tpu.memory_space<vmem>>
      %dma_wait3A_320 = tpu.memref_squeeze %dma_wait3A_319 : memref<1x1x80xi32, #tpu.memory_space<vmem>> -> memref<80xi32, #tpu.memory_space<vmem>>
      %dma_wait3A_321 = tpu.memref_slice %arg7[%add3A_49] : memref<160000xi32, #tpu.memory_space<hbm>> -> memref<80xi32, #tpu.memory_space<hbm>>
      tpu.wait_dma2 semaphore(%arg19 : memref<!tpu.dma_semaphore, #tpu.memory_space<semaphore_mem>>) src(%dma_wait3A_321 : memref<80xi32, #tpu.memory_space<hbm>>) dst(%dma_wait3A_320 : memref<80xi32, #tpu.memory_space<vmem>>)
    }
    %scan3A_13 = arith.constant 125 : i32
    %dma_wait3A = arith.constant 0 : i32
    %dma_wait3A_14 = arith.constant 0 : i32
    %dma_wait3A_15 = tpu.memref_slice %arg8[%dma_wait3A, %dma_wait3A_14] : memref<10000x128xf32, #tpu.memory_space<hbm>> -> memref<80x128xf32, #tpu.memory_space<hbm>>
    %dma_wait3A_16 = arith.constant 0 : i32
    %dma_wait3A_17 = arith.constant 0 : i32
    %dma_wait3A_18 = tpu.memref_slice %arg8[%dma_wait3A_16, %dma_wait3A_17] : memref<10000x128xf32, #tpu.memory_space<hbm>> -> memref<80x128xf32, #tpu.memory_space<hbm>>
    tpu.wait_dma2 semaphore(%arg22 : memref<!tpu.dma_semaphore, #tpu.memory_space<semaphore_mem>>) src(%dma_wait3A_18 : memref<80x128xf32, #tpu.memory_space<hbm>>) dst(%arg14 : memref<80x128xf32, #tpu.memory_space<vmem>>)
    %barrier3A_19 = arith.constant 0 : index
    tpu.barrier barrier_id(%barrier3A_19)
    %mul3A_20 = arith.constant 10000 : i32
    %mul3A_21 = arith.muli %arg0, %mul3A_20 : i32
    %add3A = arith.addi %mul3A_21, %mul3A_0 : i32
    "tpu.region"() ({
      %run_scoped3A_27 = tpu.sem_alloc : memref<!tpu.dma_semaphore, #tpu.memory_space<semaphore_mem>>
      %dma_start3A = arith.constant 0 : i32
      %dma_start3A_28 = tpu.memref_slice %arg10[%add3A, %dma_start3A] : memref<20000x128xf32, #tpu.memory_space<hbm>> -> memref<624x128xf32, #tpu.memory_space<hbm>>
      %dma_start3A_29 = arith.constant 0 : i32
      %dma_start3A_30 = tpu.memref_slice %arg18[%mul3A_0, %dma_start3A_29] : memref<10000x128xf32, #tpu.memory_space<vmem_shared>> -> memref<624x128xf32, #tpu.memory_space<vmem_shared>>
      tpu.enqueue_dma source(%dma_start3A_30 : memref<624x128xf32, #tpu.memory_space<vmem_shared>>) target(%dma_start3A_28 : memref<624x128xf32, #tpu.memory_space<hbm>>) target_semaphore(%run_scoped3A_27 : memref<!tpu.dma_semaphore, #tpu.memory_space<semaphore_mem>>)
      %dma_wait3A_31 = arith.constant 0 : i32
      %dma_wait3A_32 = tpu.memref_slice %arg10[%add3A, %dma_wait3A_31] : memref<20000x128xf32, #tpu.memory_space<hbm>> -> memref<624x128xf32, #tpu.memory_space<hbm>>
      %dma_wait3A_33 = arith.constant 0 : i32
      %dma_wait3A_34 = tpu.memref_slice %arg18[%mul3A_0, %dma_wait3A_33] : memref<10000x128xf32, #tpu.memory_space<vmem_shared>> -> memref<624x128xf32, #tpu.memory_space<vmem_shared>>
      tpu.wait_dma2 semaphore(%run_scoped3A_27 : memref<!tpu.dma_semaphore, #tpu.memory_space<semaphore_mem>>) src(%dma_wait3A_34 : memref<624x128xf32, #tpu.memory_space<vmem_shared>>) dst(%dma_wait3A_32 : memref<624x128xf32, #tpu.memory_space<hbm>>)
      tpu.yield
    }) : () -> ()
    %lt3A_22 = arith.constant 2 : i32
    %lt3A_23 = arith.cmpi slt, %arg1, %lt3A_22 : i32
    %convert_element_type3A_24 = arith.extui %lt3A_23 : i1 to i32
    %cond3A_25 = arith.constant 0 : i32
    %cond3A_26 = arith.cmpi ne, %convert_element_type3A_24, %cond3A_25 : i32
    scf.if %cond3A_26 {
      %mul3A_27 = arith.constant 8 : i32
      %mul3A_28 = arith.muli %arg1, %mul3A_27 : i32
      %add3A_29 = arith.constant 9984 : i32
      %add3A_30 = arith.addi %add3A_29, %mul3A_28 : i32
      %mul3A_31 = arith.constant 10000 : i32
      %mul3A_32 = arith.muli %arg0, %mul3A_31 : i32
      %add3A_33 = arith.addi %mul3A_32, %add3A_30 : i32
      "tpu.region"() ({
        %run_scoped3A_34 = tpu.sem_alloc : memref<!tpu.dma_semaphore, #tpu.memory_space<semaphore_mem>>
        %dma_start3A = arith.constant 0 : i32
        %dma_start3A_35 = tpu.memref_slice %arg10[%add3A_33, %dma_start3A] : memref<20000x128xf32, #tpu.memory_space<hbm>> -> memref<8x128xf32, #tpu.memory_space<hbm>>
        %dma_start3A_36 = arith.constant 0 : i32
        %dma_start3A_37 = tpu.memref_slice %arg18[%add3A_30, %dma_start3A_36] : memref<10000x128xf32, #tpu.memory_space<vmem_shared>> -> memref<8x128xf32, #tpu.memory_space<vmem_shared>>
        tpu.enqueue_dma source(%dma_start3A_37 : memref<8x128xf32, #tpu.memory_space<vmem_shared>>) target(%dma_start3A_35 : memref<8x128xf32, #tpu.memory_space<hbm>>) target_semaphore(%run_scoped3A_34 : memref<!tpu.dma_semaphore, #tpu.memory_space<semaphore_mem>>)
        %dma_wait3A_38 = arith.constant 0 : i32
        %dma_wait3A_39 = tpu.memref_slice %arg10[%add3A_33, %dma_wait3A_38] : memref<20000x128xf32, #tpu.memory_space<hbm>> -> memref<8x128xf32, #tpu.memory_space<hbm>>
        %dma_wait3A_40 = arith.constant 0 : i32
        %dma_wait3A_41 = tpu.memref_slice %arg18[%add3A_30, %dma_wait3A_40] : memref<10000x128xf32, #tpu.memory_space<vmem_shared>> -> memref<8x128xf32, #tpu.memory_space<vmem_shared>>
        tpu.wait_dma2 semaphore(%run_scoped3A_34 : memref<!tpu.dma_semaphore, #tpu.memory_space<semaphore_mem>>) src(%dma_wait3A_41 : memref<8x128xf32, #tpu.memory_space<vmem_shared>>) dst(%dma_wait3A_39 : memref<8x128xf32, #tpu.memory_space<hbm>>)
        tpu.yield
      }) : () -> ()
    } else {
    }
    return
  }
}

module attributes {stable_mosaic.version = 14 : i64} {
  func.func @_proj_body(%arg0: i32, %arg1: memref<1000x256xf32, #tpu.memory_space<vmem>>, %arg2: memref<256x768xf32, #tpu.memory_space<vmem>>, %arg3: memref<6x1000x128xf32, #tpu.memory_space<vmem>>) attributes {dimension_semantics = [#tpu.dimension_semantics<arbitrary>], iteration_bounds = array<i64: 10>, scalar_prefetch = 0 : i64, scratch_operands = 0 : i64, tpu.core_type = #tpu.core_type<tc>, window_params = [{transform_indices = @transform_0, window_bounds = array<i64: 1000, 256>}, {pipeline_mode = #tpu.pipeline_mode<synchronous>, transform_indices = @transform_1, window_bounds = array<i64: 256, 768>}, {transform_indices = @transform_2, window_bounds = array<i64: 6, 1000, 128>}]} {
    %get3A = arith.constant 0 : index
    %get3A_0 = arith.constant 0 : index
    %get3A_1 = vector.load %arg1[%get3A, %get3A_0] : memref<1000x256xf32, #tpu.memory_space<vmem>>, vector<1000x256xf32>
    %get3A_2 = arith.constant 0 : index
    %get3A_3 = arith.constant 0 : index
    %get3A_4 = vector.load %arg2[%get3A_2, %get3A_3] : memref<256x768xf32, #tpu.memory_space<vmem>>, vector<256x768xf32>
    %dot_general3A = arith.constant dense<0.000000e+00> : vector<1000x768xf32>
    %dot_general3A_5 = tpu.matmul %get3A_1, %get3A_4, %dot_general3A {dimension_numbers = #tpu.dot_dimension_numbers<[1], [0], [0], [1], [0, 0, 1, 1], [], []>, transpose_lhs_hint = false} : vector<1000x256xf32>, vector<256x768xf32>, vector<1000x768xf32> -> vector<1000x768xf32>
    %slice3A = vector.extract_strided_slice %dot_general3A_5 {offsets = [0, 0], sizes = [1000, 128], strides = [1, 1]} : vector<1000x768xf32> to vector<1000x128xf32>
    %swap3A = arith.constant 0 : index
    %swap3A_6 = arith.constant 0 : index
    %swap3A_7 = arith.constant 0 : index
    %swap3A_8 = vector.load %arg3[%swap3A, %swap3A_6, %swap3A_7] : memref<6x1000x128xf32, #tpu.memory_space<vmem>>, vector<1x1000x128xf32>
    %swap3A_9 = vector.shape_cast %swap3A_8 : vector<1x1000x128xf32> to vector<1000x128xf32>
    %swap3A_10 = vector.shape_cast %slice3A : vector<1000x128xf32> to vector<1x1000x128xf32>
    tpu.vector_store %arg3[%swap3A, %swap3A_6, %swap3A_7], %swap3A_10 {strides = array<i32>} : memref<6x1000x128xf32, #tpu.memory_space<vmem>>, vector<1x1000x128xf32>,
    %slice3A_11 = vector.extract_strided_slice %dot_general3A_5 {offsets = [0, 128], sizes = [1000, 128], strides = [1, 1]} : vector<1000x768xf32> to vector<1000x128xf32>
    %swap3A_12 = arith.constant 1 : index
    %swap3A_13 = arith.constant 0 : index
    %swap3A_14 = arith.constant 0 : index
    %swap3A_15 = vector.load %arg3[%swap3A_12, %swap3A_13, %swap3A_14] : memref<6x1000x128xf32, #tpu.memory_space<vmem>>, vector<1x1000x128xf32>
    %swap3A_16 = vector.shape_cast %swap3A_15 : vector<1x1000x128xf32> to vector<1000x128xf32>
    %swap3A_17 = vector.shape_cast %slice3A_11 : vector<1000x128xf32> to vector<1x1000x128xf32>
    tpu.vector_store %arg3[%swap3A_12, %swap3A_13, %swap3A_14], %swap3A_17 {strides = array<i32>} : memref<6x1000x128xf32, #tpu.memory_space<vmem>>, vector<1x1000x128xf32>,
    %slice3A_18 = vector.extract_strided_slice %dot_general3A_5 {offsets = [0, 256], sizes = [1000, 128], strides = [1, 1]} : vector<1000x768xf32> to vector<1000x128xf32>
    %swap3A_19 = arith.constant 2 : index
    %swap3A_20 = arith.constant 0 : index
    %swap3A_21 = arith.constant 0 : index
    %swap3A_22 = vector.load %arg3[%swap3A_19, %swap3A_20, %swap3A_21] : memref<6x1000x128xf32, #tpu.memory_space<vmem>>, vector<1x1000x128xf32>
    %swap3A_23 = vector.shape_cast %swap3A_22 : vector<1x1000x128xf32> to vector<1000x128xf32>
    %swap3A_24 = vector.shape_cast %slice3A_18 : vector<1000x128xf32> to vector<1x1000x128xf32>
    tpu.vector_store %arg3[%swap3A_19, %swap3A_20, %swap3A_21], %swap3A_24 {strides = array<i32>} : memref<6x1000x128xf32, #tpu.memory_space<vmem>>, vector<1x1000x128xf32>,
    %slice3A_25 = vector.extract_strided_slice %dot_general3A_5 {offsets = [0, 384], sizes = [1000, 128], strides = [1, 1]} : vector<1000x768xf32> to vector<1000x128xf32>
    %swap3A_26 = arith.constant 3 : index
    %swap3A_27 = arith.constant 0 : index
    %swap3A_28 = arith.constant 0 : index
    %swap3A_29 = vector.load %arg3[%swap3A_26, %swap3A_27, %swap3A_28] : memref<6x1000x128xf32, #tpu.memory_space<vmem>>, vector<1x1000x128xf32>
    %swap3A_30 = vector.shape_cast %swap3A_29 : vector<1x1000x128xf32> to vector<1000x128xf32>
    %swap3A_31 = vector.shape_cast %slice3A_25 : vector<1000x128xf32> to vector<1x1000x128xf32>
    tpu.vector_store %arg3[%swap3A_26, %swap3A_27, %swap3A_28], %swap3A_31 {strides = array<i32>} : memref<6x1000x128xf32, #tpu.memory_space<vmem>>, vector<1x1000x128xf32>,
    %slice3A_32 = vector.extract_strided_slice %dot_general3A_5 {offsets = [0, 512], sizes = [1000, 128], strides = [1, 1]} : vector<1000x768xf32> to vector<1000x128xf32>
    %swap3A_33 = arith.constant 4 : index
    %swap3A_34 = arith.constant 0 : index
    %swap3A_35 = arith.constant 0 : index
    %swap3A_36 = vector.load %arg3[%swap3A_33, %swap3A_34, %swap3A_35] : memref<6x1000x128xf32, #tpu.memory_space<vmem>>, vector<1x1000x128xf32>
    %swap3A_37 = vector.shape_cast %swap3A_36 : vector<1x1000x128xf32> to vector<1000x128xf32>
    %swap3A_38 = vector.shape_cast %slice3A_32 : vector<1000x128xf32> to vector<1x1000x128xf32>
    tpu.vector_store %arg3[%swap3A_33, %swap3A_34, %swap3A_35], %swap3A_38 {strides = array<i32>} : memref<6x1000x128xf32, #tpu.memory_space<vmem>>, vector<1x1000x128xf32>,
    %slice3A_39 = vector.extract_strided_slice %dot_general3A_5 {offsets = [0, 640], sizes = [1000, 128], strides = [1, 1]} : vector<1000x768xf32> to vector<1000x128xf32>
    %swap3A_40 = arith.constant 5 : index
    %swap3A_41 = arith.constant 0 : index
    %swap3A_42 = arith.constant 0 : index
    %swap3A_43 = vector.load %arg3[%swap3A_40, %swap3A_41, %swap3A_42] : memref<6x1000x128xf32, #tpu.memory_space<vmem>>, vector<1x1000x128xf32>
    %swap3A_44 = vector.shape_cast %swap3A_43 : vector<1x1000x128xf32> to vector<1000x128xf32>
    %swap3A_45 = vector.shape_cast %slice3A_39 : vector<1000x128xf32> to vector<1x1000x128xf32>
    tpu.vector_store %arg3[%swap3A_40, %swap3A_41, %swap3A_42], %swap3A_45 {strides = array<i32>} : memref<6x1000x128xf32, #tpu.memory_space<vmem>>, vector<1x1000x128xf32>,
    return
  }
  func.func @transform_0(%arg0: i32) -> (i32, i32) {
    %c0_i32 = arith.constant 0 : i32
    %c0_i32_0 = arith.constant 0 : i32
    return %arg0, %c0_i32 : i32, i32
  }
  func.func @transform_1(%arg0: i32) -> (i32, i32) {
    %c0_i32 = arith.constant 0 : i32
    %c0_i32_0 = arith.constant 0 : i32
    %c0_i32_1 = arith.constant 0 : i32
    return %c0_i32, %c0_i32_0 : i32, i32
  }
  func.func @transform_2(%arg0: i32) -> (i32, i32, i32) {
    %c0_i32 = arith.constant 0 : i32
    %c0_i32_0 = arith.constant 0 : i32
    %c0_i32_1 = arith.constant 0 : i32
    return %c0_i32, %arg0, %c0_i32_0 : i32, i32, i32
  }
}

module attributes {stable_mosaic.version = 14 : i64} {
  func.func @_proj_body(%arg0: i32, %arg1: memref<2000x256xf32, #tpu.memory_space<vmem>>, %arg2: memref<256x256xf32, #tpu.memory_space<vmem>>, %arg3: memref<2x2000x128xf32, #tpu.memory_space<vmem>>) attributes {dimension_semantics = [#tpu.dimension_semantics<arbitrary>], iteration_bounds = array<i64: 80>, scalar_prefetch = 0 : i64, scratch_operands = 0 : i64, tpu.core_type = #tpu.core_type<tc>, window_params = [{transform_indices = @transform_0, window_bounds = array<i64: 2000, 256>}, {pipeline_mode = #tpu.pipeline_mode<synchronous>, transform_indices = @transform_1, window_bounds = array<i64: 256, 256>}, {transform_indices = @transform_2, window_bounds = array<i64: 2, 2000, 128>}]} {
    %get3A = arith.constant 0 : index
    %get3A_0 = arith.constant 0 : index
    %get3A_1 = vector.load %arg1[%get3A, %get3A_0] : memref<2000x256xf32, #tpu.memory_space<vmem>>, vector<2000x256xf32>
    %get3A_2 = arith.constant 0 : index
    %get3A_3 = arith.constant 0 : index
    %get3A_4 = vector.load %arg2[%get3A_2, %get3A_3] : memref<256x256xf32, #tpu.memory_space<vmem>>, vector<256x256xf32>
    %dot_general3A = arith.constant dense<0.000000e+00> : vector<2000x256xf32>
    %dot_general3A_5 = tpu.matmul %get3A_1, %get3A_4, %dot_general3A {dimension_numbers = #tpu.dot_dimension_numbers<[1], [0], [0], [1], [0, 0, 1, 1], [], []>, transpose_lhs_hint = false} : vector<2000x256xf32>, vector<256x256xf32>, vector<2000x256xf32> -> vector<2000x256xf32>
    %slice3A = vector.extract_strided_slice %dot_general3A_5 {offsets = [0, 0], sizes = [2000, 128], strides = [1, 1]} : vector<2000x256xf32> to vector<2000x128xf32>
    %swap3A = arith.constant 0 : index
    %swap3A_6 = arith.constant 0 : index
    %swap3A_7 = arith.constant 0 : index
    %swap3A_8 = vector.load %arg3[%swap3A, %swap3A_6, %swap3A_7] : memref<2x2000x128xf32, #tpu.memory_space<vmem>>, vector<1x2000x128xf32>
    %swap3A_9 = vector.shape_cast %swap3A_8 : vector<1x2000x128xf32> to vector<2000x128xf32>
    %swap3A_10 = vector.shape_cast %slice3A : vector<2000x128xf32> to vector<1x2000x128xf32>
    tpu.vector_store %arg3[%swap3A, %swap3A_6, %swap3A_7], %swap3A_10 {strides = array<i32>} : memref<2x2000x128xf32, #tpu.memory_space<vmem>>, vector<1x2000x128xf32>,
    %slice3A_11 = vector.extract_strided_slice %dot_general3A_5 {offsets = [0, 128], sizes = [2000, 128], strides = [1, 1]} : vector<2000x256xf32> to vector<2000x128xf32>
    %swap3A_12 = arith.constant 1 : index
    %swap3A_13 = arith.constant 0 : index
    %swap3A_14 = arith.constant 0 : index
    %swap3A_15 = vector.load %arg3[%swap3A_12, %swap3A_13, %swap3A_14] : memref<2x2000x128xf32, #tpu.memory_space<vmem>>, vector<1x2000x128xf32>
    %swap3A_16 = vector.shape_cast %swap3A_15 : vector<1x2000x128xf32> to vector<2000x128xf32>
    %swap3A_17 = vector.shape_cast %slice3A_11 : vector<2000x128xf32> to vector<1x2000x128xf32>
    tpu.vector_store %arg3[%swap3A_12, %swap3A_13, %swap3A_14], %swap3A_17 {strides = array<i32>} : memref<2x2000x128xf32, #tpu.memory_space<vmem>>, vector<1x2000x128xf32>,
    return
  }
  func.func @transform_0(%arg0: i32) -> (i32, i32) {
    %c0_i32 = arith.constant 0 : i32
    %c0_i32_0 = arith.constant 0 : i32
    return %arg0, %c0_i32 : i32, i32
  }
  func.func @transform_1(%arg0: i32) -> (i32, i32) {
    %c0_i32 = arith.constant 0 : i32
    %c0_i32_0 = arith.constant 0 : i32
    %c0_i32_1 = arith.constant 0 : i32
    return %c0_i32, %c0_i32_0 : i32, i32
  }
  func.func @transform_2(%arg0: i32) -> (i32, i32, i32) {
    %c0_i32 = arith.constant 0 : i32
    %c0_i32_0 = arith.constant 0 : i32
    %c0_i32_1 = arith.constant 0 : i32
    return %c0_i32, %arg0, %c0_i32_0 : i32, i32, i32
  }
}

module attributes {stable_mosaic.version = 14 : i64} {
  func.func @_post_b_body(%arg0: i32, %arg1: memref<2000x256xbf16, #tpu.memory_space<vmem>>, %arg2: memref<8x256xf32, #tpu.memory_space<vmem>>, %arg3: memref<8x256xf32, #tpu.memory_space<vmem>>, %arg4: memref<1x256xf32, #tpu.memory_space<vmem>>, %arg5: memref<1x256xf32, #tpu.memory_space<vmem>>, %arg6: memref<256x512xf32, #tpu.memory_space<vmem>>, %arg7: memref<1x512xf32, #tpu.memory_space<vmem>>, %arg8: memref<512x256xf32, #tpu.memory_space<vmem>>, %arg9: memref<1x256xf32, #tpu.memory_space<vmem>>, %arg10: memref<2000x256xbf16, #tpu.memory_space<vmem>>, %arg11: memref<8x256xf32, #tpu.memory_space<vmem>>, %arg12: memref<8x256xf32, #tpu.memory_space<vmem>>) attributes {dimension_semantics = [#tpu.dimension_semantics<arbitrary>], iteration_bounds = array<i64: 80>, scalar_prefetch = 0 : i64, scratch_operands = 0 : i64, tpu.core_type = #tpu.core_type<tc>, window_params = [{transform_indices = @transform_0, window_bounds = array<i64: 2000, 256>}, {pipeline_mode = #tpu.pipeline_mode<synchronous>, transform_indices = @transform_1, window_bounds = array<i64: 8, 256>}, {pipeline_mode = #tpu.pipeline_mode<synchronous>, transform_indices = @transform_2, window_bounds = array<i64: 8, 256>}, {pipeline_mode = #tpu.pipeline_mode<synchronous>, transform_indices = @transform_3, window_bounds = array<i64: 1, 256>}, {pipeline_mode = #tpu.pipeline_mode<synchronous>, transform_indices = @transform_4, window_bounds = array<i64: 1, 256>}, {pipeline_mode = #tpu.pipeline_mode<synchronous>, transform_indices = @transform_5, window_bounds = array<i64: 256, 512>}, {pipeline_mode = #tpu.pipeline_mode<synchronous>, transform_indices = @transform_6, window_bounds = array<i64: 1, 512>}, {pipeline_mode = #tpu.pipeline_mode<synchronous>, transform_indices = @transform_7, window_bounds = array<i64: 512, 256>}, {pipeline_mode = #tpu.pipeline_mode<synchronous>, transform_indices = @transform_8, window_bounds = array<i64: 1, 256>}, {transform_indices = @transform_9, window_bounds = array<i64: 2000, 256>}, {pipeline_mode = #tpu.pipeline_mode<synchronous>, transform_indices = @transform_10, window_bounds = array<i64: 8, 256>}, {pipeline_mode = #tpu.pipeline_mode<synchronous>, transform_indices = @transform_11, window_bounds = array<i64: 8, 256>}]} {
    %get3A = arith.constant 0 : index
    %get3A_0 = arith.constant 0 : index
    %get3A_1 = vector.load %arg1[%get3A, %get3A_0] : memref<2000x256xbf16, #tpu.memory_space<vmem>>, vector<2000x256xbf16>
    %convert_element_type3A = arith.extf %get3A_1 : vector<2000x256xbf16> to vector<2000x256xf32>
    %get3A_2 = arith.constant 0 : index
    %get3A_3 = arith.constant 0 : index
    %get3A_4 = vector.load %arg2[%get3A_2, %get3A_3] : memref<8x256xf32, #tpu.memory_space<vmem>>, vector<1x256xf32>
    %mul3A = arith.constant 6.250000e-06 : f32
    %mul3A_5 = vector.broadcast %mul3A : f32 to vector<1x256xf32>
    %mul3A_6 = arith.mulf %get3A_4, %mul3A_5 : vector<1x256xf32>
    %get3A_7 = arith.constant 0 : index
    %get3A_8 = arith.constant 0 : index
    %get3A_9 = vector.load %arg3[%get3A_7, %get3A_8] : memref<8x256xf32, #tpu.memory_space<vmem>>, vector<1x256xf32>
    %mul3A_10 = arith.constant 6.250000e-06 : f32
    %mul3A_11 = vector.broadcast %mul3A_10 : f32 to vector<1x256xf32>
    %mul3A_12 = arith.mulf %get3A_9, %mul3A_11 : vector<1x256xf32>
    %mul3A_13 = arith.mulf %mul3A_6, %mul3A_6 : vector<1x256xf32>
    %sub3A = arith.subf %mul3A_12, %mul3A_13 : vector<1x256xf32>
    %add3A = arith.constant 9.99999974E-6 : f32
    %add3A_14 = vector.broadcast %add3A : f32 to vector<1x256xf32>
    %add3A_15 = arith.addf %sub3A, %add3A_14 : vector<1x256xf32>
    %rsqrt3A = math.rsqrt %add3A_15 : vector<1x256xf32>
    %sub3A_16 = vector.broadcast %mul3A_6 : vector<1x256xf32> to vector<2000x256xf32>
    %sub3A_17 = arith.subf %convert_element_type3A, %sub3A_16 : vector<2000x256xf32>
    %mul3A_18 = vector.broadcast %rsqrt3A : vector<1x256xf32> to vector<2000x256xf32>
    %mul3A_19 = arith.mulf %sub3A_17, %mul3A_18 : vector<2000x256xf32>
    %get3A_20 = arith.constant 0 : index
    %get3A_21 = arith.constant 0 : index
    %get3A_22 = vector.load %arg4[%get3A_20, %get3A_21] : memref<1x256xf32, #tpu.memory_space<vmem>>, vector<1x256xf32>
    %mul3A_23 = vector.broadcast %get3A_22 : vector<1x256xf32> to vector<2000x256xf32>
    %mul3A_24 = arith.mulf %mul3A_19, %mul3A_23 : vector<2000x256xf32>
    %get3A_25 = arith.constant 0 : index
    %get3A_26 = arith.constant 0 : index
    %get3A_27 = vector.load %arg5[%get3A_25, %get3A_26] : memref<1x256xf32, #tpu.memory_space<vmem>>, vector<1x256xf32>
    %add3A_28 = vector.broadcast %get3A_27 : vector<1x256xf32> to vector<2000x256xf32>
    %add3A_29 = arith.addf %mul3A_24, %add3A_28 : vector<2000x256xf32>
    %get3A_30 = arith.constant 0 : index
    %get3A_31 = arith.constant 0 : index
    %get3A_32 = vector.load %arg6[%get3A_30, %get3A_31] : memref<256x512xf32, #tpu.memory_space<vmem>>, vector<256x512xf32>
    %dot_general3A = arith.constant dense<0.000000e+00> : vector<2000x512xf32>
    %dot_general3A_33 = tpu.matmul %add3A_29, %get3A_32, %dot_general3A {dimension_numbers = #tpu.dot_dimension_numbers<[1], [0], [0], [1], [0, 0, 1, 1], [], []>, transpose_lhs_hint = false} : vector<2000x256xf32>, vector<256x512xf32>, vector<2000x512xf32> -> vector<2000x512xf32>
    %get3A_34 = arith.constant 0 : index
    %get3A_35 = arith.constant 0 : index
    %get3A_36 = vector.load %arg7[%get3A_34, %get3A_35] : memref<1x512xf32, #tpu.memory_space<vmem>>, vector<1x512xf32>
    %add3A_37 = vector.broadcast %get3A_36 : vector<1x512xf32> to vector<2000x512xf32>
    %add3A_38 = arith.addf %dot_general3A_33, %add3A_37 : vector<2000x512xf32>
    %max3A = arith.constant 0.000000e+00 : f32
    %max3A_39 = vector.broadcast %max3A : f32 to vector<2000x512xf32>
    %max3A_40 = arith.maximumf %add3A_38, %max3A_39 : vector<2000x512xf32>
    %get3A_41 = arith.constant 0 : index
    %get3A_42 = arith.constant 0 : index
    %get3A_43 = vector.load %arg8[%get3A_41, %get3A_42] : memref<512x256xf32, #tpu.memory_space<vmem>>, vector<512x256xf32>
    %dot_general3A_44 = arith.constant dense<0.000000e+00> : vector<2000x256xf32>
    %dot_general3A_45 = tpu.matmul %max3A_40, %get3A_43, %dot_general3A_44 {dimension_numbers = #tpu.dot_dimension_numbers<[1], [0], [0], [1], [0, 0, 1, 1], [], []>, transpose_lhs_hint = false} : vector<2000x512xf32>, vector<512x256xf32>, vector<2000x256xf32> -> vector<2000x256xf32>
    %get3A_46 = arith.constant 0 : index
    %get3A_47 = arith.constant 0 : index
    %get3A_48 = vector.load %arg9[%get3A_46, %get3A_47] : memref<1x256xf32, #tpu.memory_space<vmem>>, vector<1x256xf32>
    %add3A_49 = vector.broadcast %get3A_48 : vector<1x256xf32> to vector<2000x256xf32>
    %add3A_50 = arith.addf %dot_general3A_45, %add3A_49 : vector<2000x256xf32>
    %add3A_51 = arith.addf %add3A_50, %add3A_29 : vector<2000x256xf32>
    %convert_element_type3A_52 = arith.truncf %add3A_51 : vector<2000x256xf32> to vector<2000x256xbf16>
    %swap3A = arith.constant 0 : index
    %swap3A_53 = arith.constant 0 : index
    %swap3A_54 = vector.load %arg10[%swap3A, %swap3A_53] : memref<2000x256xbf16, #tpu.memory_space<vmem>>, vector<2000x256xbf16>
    tpu.vector_store %arg10[%swap3A, %swap3A_53], %convert_element_type3A_52 {strides = array<i32>} : memref<2000x256xbf16, #tpu.memory_space<vmem>>, vector<2000x256xbf16>,
    %eq3A = arith.constant 0 : i32
    %eq3A_55 = arith.cmpi eq, %arg0, %eq3A : i32
    %convert_element_type3A_56 = arith.extui %eq3A_55 : i1 to i32
    %cond3A = arith.constant 0 : i32
    %cond3A_57 = arith.cmpi ne, %convert_element_type3A_56, %cond3A : i32
    scf.if %cond3A_57 {
      %broadcast_in_dim3A_81 = arith.constant 0.000000e+00 : f32
      %broadcast_in_dim3A_82 = vector.broadcast %broadcast_in_dim3A_81 : f32 to vector<8x256xf32>
      %swap3A_83 = arith.constant 0 : index
      %swap3A_84 = arith.constant 0 : index
      %swap3A_85 = vector.load %arg11[%swap3A_83, %swap3A_84] : memref<8x256xf32, #tpu.memory_space<vmem>>, vector<8x256xf32>
      tpu.vector_store %arg11[%swap3A_83, %swap3A_84], %broadcast_in_dim3A_82 {strides = array<i32>} : memref<8x256xf32, #tpu.memory_space<vmem>>, vector<8x256xf32>,
      %broadcast_in_dim3A_86 = arith.constant 0.000000e+00 : f32
      %broadcast_in_dim3A_87 = vector.broadcast %broadcast_in_dim3A_86 : f32 to vector<8x256xf32>
      %swap3A_88 = arith.constant 0 : index
      %swap3A_89 = arith.constant 0 : index
      %swap3A_90 = vector.load %arg12[%swap3A_88, %swap3A_89] : memref<8x256xf32, #tpu.memory_space<vmem>>, vector<8x256xf32>
      tpu.vector_store %arg12[%swap3A_88, %swap3A_89], %broadcast_in_dim3A_87 {strides = array<i32>} : memref<8x256xf32, #tpu.memory_space<vmem>>, vector<8x256xf32>,
    } else {
    }
    %reduce_sum3A = arith.constant dense<0.000000e+00> : vector<256xf32>
    %reduce_sum3A_58 = vector.multi_reduction <add>, %add3A_51, %reduce_sum3A [0] : vector<2000x256xf32> to vector<256xf32>
    %broadcast_in_dim3A = vector.shape_cast %reduce_sum3A_58 : vector<256xf32> to vector<1x256xf32>
    %mul3A_59 = arith.mulf %add3A_51, %add3A_51 : vector<2000x256xf32>
    %reduce_sum3A_60 = arith.constant dense<0.000000e+00> : vector<256xf32>
    %reduce_sum3A_61 = vector.multi_reduction <add>, %mul3A_59, %reduce_sum3A_60 [0] : vector<2000x256xf32> to vector<256xf32>
    %broadcast_in_dim3A_62 = vector.shape_cast %reduce_sum3A_61 : vector<256xf32> to vector<1x256xf32>
    %get3A_63 = arith.constant 0 : index
    %get3A_64 = arith.constant 0 : index
    %get3A_65 = vector.load %arg11[%get3A_63, %get3A_64] : memref<8x256xf32, #tpu.memory_space<vmem>>, vector<8x256xf32>
    %broadcast_in_dim3A_66 = vector.shape_cast %broadcast_in_dim3A : vector<1x256xf32> to vector<1x256xf32>
    %broadcast_in_dim3A_67 = vector.broadcast %broadcast_in_dim3A_66 : vector<1x256xf32> to vector<8x256xf32>
    %add3A_68 = arith.addf %get3A_65, %broadcast_in_dim3A_67 : vector<8x256xf32>
    %swap3A_69 = arith.constant 0 : index
    %swap3A_70 = arith.constant 0 : index
    %swap3A_71 = vector.load %arg11[%swap3A_69, %swap3A_70] : memref<8x256xf32, #tpu.memory_space<vmem>>, vector<8x256xf32>
    tpu.vector_store %arg11[%swap3A_69, %swap3A_70], %add3A_68 {strides = array<i32>} : memref<8x256xf32, #tpu.memory_space<vmem>>, vector<8x256xf32>,
    %get3A_72 = arith.constant 0 : index
    %get3A_73 = arith.constant 0 : index
    %get3A_74 = vector.load %arg12[%get3A_72, %get3A_73] : memref<8x256xf32, #tpu.memory_space<vmem>>, vector<8x256xf32>
    %broadcast_in_dim3A_75 = vector.shape_cast %broadcast_in_dim3A_62 : vector<1x256xf32> to vector<1x256xf32>
    %broadcast_in_dim3A_76 = vector.broadcast %broadcast_in_dim3A_75 : vector<1x256xf32> to vector<8x256xf32>
    %add3A_77 = arith.addf %get3A_74, %broadcast_in_dim3A_76 : vector<8x256xf32>
    %swap3A_78 = arith.constant 0 : index
    %swap3A_79 = arith.constant 0 : index
    %swap3A_80 = vector.load %arg12[%swap3A_78, %swap3A_79] : memref<8x256xf32, #tpu.memory_space<vmem>>, vector<8x256xf32>
    tpu.vector_store %arg12[%swap3A_78, %swap3A_79], %add3A_77 {strides = array<i32>} : memref<8x256xf32, #tpu.memory_space<vmem>>, vector<8x256xf32>,
    return
  }
  func.func @transform_0(%arg0: i32) -> (i32, i32) {
    %c0_i32 = arith.constant 0 : i32
    %c0_i32_0 = arith.constant 0 : i32
    return %arg0, %c0_i32 : i32, i32
  }
  func.func @transform_1(%arg0: i32) -> (i32, i32) {
    %c0_i32 = arith.constant 0 : i32
    %c0_i32_0 = arith.constant 0 : i32
    %c0_i32_1 = arith.constant 0 : i32
    return %c0_i32, %c0_i32_0 : i32, i32
  }
  func.func @transform_2(%arg0: i32) -> (i32, i32) {
    %c0_i32 = arith.constant 0 : i32
    %c0_i32_0 = arith.constant 0 : i32
    %c0_i32_1 = arith.constant 0 : i32
    return %c0_i32, %c0_i32_0 : i32, i32
  }
  func.func @transform_3(%arg0: i32) -> (i32, i32) {
    %c0_i32 = arith.constant 0 : i32
    %c0_i32_0 = arith.constant 0 : i32
    %c0_i32_1 = arith.constant 0 : i32
    return %c0_i32, %c0_i32_0 : i32, i32
  }
  func.func @transform_4(%arg0: i32) -> (i32, i32) {
    %c0_i32 = arith.constant 0 : i32
    %c0_i32_0 = arith.constant 0 : i32
    %c0_i32_1 = arith.constant 0 : i32
    return %c0_i32, %c0_i32_0 : i32, i32
  }
  func.func @transform_5(%arg0: i32) -> (i32, i32) {
    %c0_i32 = arith.constant 0 : i32
    %c0_i32_0 = arith.constant 0 : i32
    %c0_i32_1 = arith.constant 0 : i32
    return %c0_i32, %c0_i32_0 : i32, i32
  }
  func.func @transform_6(%arg0: i32) -> (i32, i32) {
    %c0_i32 = arith.constant 0 : i32
    %c0_i32_0 = arith.constant 0 : i32
    %c0_i32_1 = arith.constant 0 : i32
    return %c0_i32, %c0_i32_0 : i32, i32
  }
  func.func @transform_7(%arg0: i32) -> (i32, i32) {
    %c0_i32 = arith.constant 0 : i32
    %c0_i32_0 = arith.constant 0 : i32
    %c0_i32_1 = arith.constant 0 : i32
    return %c0_i32, %c0_i32_0 : i32, i32
  }
  func.func @transform_8(%arg0: i32) -> (i32, i32) {
    %c0_i32 = arith.constant 0 : i32
    %c0_i32_0 = arith.constant 0 : i32
    %c0_i32_1 = arith.constant 0 : i32
    return %c0_i32, %c0_i32_0 : i32, i32
  }
  func.func @transform_9(%arg0: i32) -> (i32, i32) {
    %c0_i32 = arith.constant 0 : i32
    %c0_i32_0 = arith.constant 0 : i32
    return %arg0, %c0_i32 : i32, i32
  }
  func.func @transform_10(%arg0: i32) -> (i32, i32) {
    %c0_i32 = arith.constant 0 : i32
    %c0_i32_0 = arith.constant 0 : i32
    %c0_i32_1 = arith.constant 0 : i32
    return %c0_i32, %c0_i32_0 : i32, i32
  }
  func.func @transform_11(%arg0: i32) -> (i32, i32) {
    %c0_i32 = arith.constant 0 : i32
    %c0_i32_0 = arith.constant 0 : i32
    %c0_i32_1 = arith.constant 0 : i32
    return %c0_i32, %c0_i32_0 : i32, i32
  }
}

module attributes {stable_mosaic.version = 14 : i64} {
  func.func @_post_c_body(%arg0: i32, %arg1: memref<2000x256xbf16, #tpu.memory_space<vmem>>, %arg2: memref<8x256xf32, #tpu.memory_space<vmem>>, %arg3: memref<8x256xf32, #tpu.memory_space<vmem>>, %arg4: memref<1x256xf32, #tpu.memory_space<vmem>>, %arg5: memref<1x256xf32, #tpu.memory_space<vmem>>, %arg6: memref<2000x256xf32, #tpu.memory_space<vmem>>) attributes {dimension_semantics = [#tpu.dimension_semantics<arbitrary>], iteration_bounds = array<i64: 80>, scalar_prefetch = 0 : i64, scratch_operands = 0 : i64, tpu.core_type = #tpu.core_type<tc>, window_params = [{transform_indices = @transform_0, window_bounds = array<i64: 2000, 256>}, {pipeline_mode = #tpu.pipeline_mode<synchronous>, transform_indices = @transform_1, window_bounds = array<i64: 8, 256>}, {pipeline_mode = #tpu.pipeline_mode<synchronous>, transform_indices = @transform_2, window_bounds = array<i64: 8, 256>}, {pipeline_mode = #tpu.pipeline_mode<synchronous>, transform_indices = @transform_3, window_bounds = array<i64: 1, 256>}, {pipeline_mode = #tpu.pipeline_mode<synchronous>, transform_indices = @transform_4, window_bounds = array<i64: 1, 256>}, {transform_indices = @transform_5, window_bounds = array<i64: 2000, 256>}]} {
    %get3A = arith.constant 0 : index
    %get3A_0 = arith.constant 0 : index
    %get3A_1 = vector.load %arg1[%get3A, %get3A_0] : memref<2000x256xbf16, #tpu.memory_space<vmem>>, vector<2000x256xbf16>
    %convert_element_type3A = arith.extf %get3A_1 : vector<2000x256xbf16> to vector<2000x256xf32>
    %get3A_2 = arith.constant 0 : index
    %get3A_3 = arith.constant 0 : index
    %get3A_4 = vector.load %arg2[%get3A_2, %get3A_3] : memref<8x256xf32, #tpu.memory_space<vmem>>, vector<1x256xf32>
    %mul3A = arith.constant 6.250000e-06 : f32
    %mul3A_5 = vector.broadcast %mul3A : f32 to vector<1x256xf32>
    %mul3A_6 = arith.mulf %get3A_4, %mul3A_5 : vector<1x256xf32>
    %get3A_7 = arith.constant 0 : index
    %get3A_8 = arith.constant 0 : index
    %get3A_9 = vector.load %arg3[%get3A_7, %get3A_8] : memref<8x256xf32, #tpu.memory_space<vmem>>, vector<1x256xf32>
    %mul3A_10 = arith.constant 6.250000e-06 : f32
    %mul3A_11 = vector.broadcast %mul3A_10 : f32 to vector<1x256xf32>
    %mul3A_12 = arith.mulf %get3A_9, %mul3A_11 : vector<1x256xf32>
    %mul3A_13 = arith.mulf %mul3A_6, %mul3A_6 : vector<1x256xf32>
    %sub3A = arith.subf %mul3A_12, %mul3A_13 : vector<1x256xf32>
    %add3A = arith.constant 9.99999974E-6 : f32
    %add3A_14 = vector.broadcast %add3A : f32 to vector<1x256xf32>
    %add3A_15 = arith.addf %sub3A, %add3A_14 : vector<1x256xf32>
    %rsqrt3A = math.rsqrt %add3A_15 : vector<1x256xf32>
    %sub3A_16 = vector.broadcast %mul3A_6 : vector<1x256xf32> to vector<2000x256xf32>
    %sub3A_17 = arith.subf %convert_element_type3A, %sub3A_16 : vector<2000x256xf32>
    %mul3A_18 = vector.broadcast %rsqrt3A : vector<1x256xf32> to vector<2000x256xf32>
    %mul3A_19 = arith.mulf %sub3A_17, %mul3A_18 : vector<2000x256xf32>
    %get3A_20 = arith.constant 0 : index
    %get3A_21 = arith.constant 0 : index
    %get3A_22 = vector.load %arg4[%get3A_20, %get3A_21] : memref<1x256xf32, #tpu.memory_space<vmem>>, vector<1x256xf32>
    %mul3A_23 = vector.broadcast %get3A_22 : vector<1x256xf32> to vector<2000x256xf32>
    %mul3A_24 = arith.mulf %mul3A_19, %mul3A_23 : vector<2000x256xf32>
    %get3A_25 = arith.constant 0 : index
    %get3A_26 = arith.constant 0 : index
    %get3A_27 = vector.load %arg5[%get3A_25, %get3A_26] : memref<1x256xf32, #tpu.memory_space<vmem>>, vector<1x256xf32>
    %add3A_28 = vector.broadcast %get3A_27 : vector<1x256xf32> to vector<2000x256xf32>
    %add3A_29 = arith.addf %mul3A_24, %add3A_28 : vector<2000x256xf32>
    %swap3A = arith.constant 0 : index
    %swap3A_30 = arith.constant 0 : index
    %swap3A_31 = vector.load %arg6[%swap3A, %swap3A_30] : memref<2000x256xf32, #tpu.memory_space<vmem>>, vector<2000x256xf32>
    tpu.vector_store %arg6[%swap3A, %swap3A_30], %add3A_29 {strides = array<i32>} : memref<2000x256xf32, #tpu.memory_space<vmem>>, vector<2000x256xf32>,
    return
  }
  func.func @transform_0(%arg0: i32) -> (i32, i32) {
    %c0_i32 = arith.constant 0 : i32
    %c0_i32_0 = arith.constant 0 : i32
    return %arg0, %c0_i32 : i32, i32
  }
  func.func @transform_1(%arg0: i32) -> (i32, i32) {
    %c0_i32 = arith.constant 0 : i32
    %c0_i32_0 = arith.constant 0 : i32
    %c0_i32_1 = arith.constant 0 : i32
    return %c0_i32, %c0_i32_0 : i32, i32
  }
  func.func @transform_2(%arg0: i32) -> (i32, i32) {
    %c0_i32 = arith.constant 0 : i32
    %c0_i32_0 = arith.constant 0 : i32
    %c0_i32_1 = arith.constant 0 : i32
    return %c0_i32, %c0_i32_0 : i32, i32
  }
  func.func @transform_3(%arg0: i32) -> (i32, i32) {
    %c0_i32 = arith.constant 0 : i32
    %c0_i32_0 = arith.constant 0 : i32
    %c0_i32_1 = arith.constant 0 : i32
    return %c0_i32, %c0_i32_0 : i32, i32
  }
  func.func @transform_4(%arg0: i32) -> (i32, i32) {
    %c0_i32 = arith.constant 0 : i32
    %c0_i32_0 = arith.constant 0 : i32
    %c0_i32_1 = arith.constant 0 : i32
    return %c0_i32, %c0_i32_0 : i32, i32
  }
  func.func @transform_5(%arg0: i32) -> (i32, i32) {
    %c0_i32 = arith.constant 0 : i32
    %c0_i32_0 = arith.constant 0 : i32
    return %arg0, %c0_i32 : i32, i32
  }
}

module attributes {stable_mosaic.version = 14 : i64} {
  func.func @_post_a_e_body(%arg0: i32, %arg1: memref<2000x128xf32, #tpu.memory_space<vmem>>, %arg2: memref<2000x128xf32, #tpu.memory_space<vmem>>, %arg3: memref<2000x256xf32, #tpu.memory_space<vmem>>, %arg4: memref<256x256xf32, #tpu.memory_space<vmem>>, %arg5: memref<1x256xf32, #tpu.memory_space<vmem>>, %arg6: memref<2000x256xbf16, #tpu.memory_space<vmem>>, %arg7: memref<8x256xf32, #tpu.memory_space<vmem>>, %arg8: memref<8x256xf32, #tpu.memory_space<vmem>>) attributes {dimension_semantics = [#tpu.dimension_semantics<arbitrary>], iteration_bounds = array<i64: 80>, scalar_prefetch = 0 : i64, scratch_operands = 0 : i64, tpu.core_type = #tpu.core_type<tc>, window_params = [{transform_indices = @transform_0, window_bounds = array<i64: 2000, 128>}, {transform_indices = @transform_1, window_bounds = array<i64: 2000, 128>}, {transform_indices = @transform_2, window_bounds = array<i64: 2000, 256>}, {pipeline_mode = #tpu.pipeline_mode<synchronous>, transform_indices = @transform_3, window_bounds = array<i64: 256, 256>}, {pipeline_mode = #tpu.pipeline_mode<synchronous>, transform_indices = @transform_4, window_bounds = array<i64: 1, 256>}, {transform_indices = @transform_5, window_bounds = array<i64: 2000, 256>}, {pipeline_mode = #tpu.pipeline_mode<synchronous>, transform_indices = @transform_6, window_bounds = array<i64: 8, 256>}, {pipeline_mode = #tpu.pipeline_mode<synchronous>, transform_indices = @transform_7, window_bounds = array<i64: 8, 256>}]} {
    %get3A = arith.constant 0 : index
    %get3A_0 = arith.constant 0 : index
    %get3A_1 = vector.load %arg1[%get3A, %get3A_0] : memref<2000x128xf32, #tpu.memory_space<vmem>>, vector<2000x128xf32>
    %get3A_2 = arith.constant 0 : index
    %get3A_3 = arith.constant 0 : index
    %get3A_4 = vector.load %arg2[%get3A_2, %get3A_3] : memref<2000x128xf32, #tpu.memory_space<vmem>>, vector<2000x128xf32>
    %concatenate3A = tpu.concatenate %get3A_1, %get3A_4 in 1 : vector<2000x128xf32>, vector<2000x128xf32> -> vector<2000x256xf32>
    %get3A_5 = arith.constant 0 : index
    %get3A_6 = arith.constant 0 : index
    %get3A_7 = vector.load %arg4[%get3A_5, %get3A_6] : memref<256x256xf32, #tpu.memory_space<vmem>>, vector<256x256xf32>
    %dot_general3A = arith.constant dense<0.000000e+00> : vector<2000x256xf32>
    %dot_general3A_8 = tpu.matmul %concatenate3A, %get3A_7, %dot_general3A {dimension_numbers = #tpu.dot_dimension_numbers<[1], [0], [0], [1], [0, 0, 1, 1], [], []>, transpose_lhs_hint = false} : vector<2000x256xf32>, vector<256x256xf32>, vector<2000x256xf32> -> vector<2000x256xf32>
    %get3A_9 = arith.constant 0 : index
    %get3A_10 = arith.constant 0 : index
    %get3A_11 = vector.load %arg5[%get3A_9, %get3A_10] : memref<1x256xf32, #tpu.memory_space<vmem>>, vector<1x256xf32>
    %add3A = vector.broadcast %get3A_11 : vector<1x256xf32> to vector<2000x256xf32>
    %add3A_12 = arith.addf %dot_general3A_8, %add3A : vector<2000x256xf32>
    %get3A_13 = arith.constant 0 : index
    %get3A_14 = arith.constant 0 : index
    %get3A_15 = vector.load %arg3[%get3A_13, %get3A_14] : memref<2000x256xf32, #tpu.memory_space<vmem>>, vector<2000x256xf32>
    %add3A_16 = arith.addf %add3A_12, %get3A_15 : vector<2000x256xf32>
    %convert_element_type3A = arith.truncf %add3A_16 : vector<2000x256xf32> to vector<2000x256xbf16>
    %swap3A = arith.constant 0 : index
    %swap3A_17 = arith.constant 0 : index
    %swap3A_18 = vector.load %arg6[%swap3A, %swap3A_17] : memref<2000x256xbf16, #tpu.memory_space<vmem>>, vector<2000x256xbf16>
    tpu.vector_store %arg6[%swap3A, %swap3A_17], %convert_element_type3A {strides = array<i32>} : memref<2000x256xbf16, #tpu.memory_space<vmem>>, vector<2000x256xbf16>,
    %eq3A = arith.constant 0 : i32
    %eq3A_19 = arith.cmpi eq, %arg0, %eq3A : i32
    %convert_element_type3A_20 = arith.extui %eq3A_19 : i1 to i32
    %cond3A = arith.constant 0 : i32
    %cond3A_21 = arith.cmpi ne, %convert_element_type3A_20, %cond3A : i32
    scf.if %cond3A_21 {
      %broadcast_in_dim3A_44 = arith.constant 0.000000e+00 : f32
      %broadcast_in_dim3A_45 = vector.broadcast %broadcast_in_dim3A_44 : f32 to vector<8x256xf32>
      %swap3A_46 = arith.constant 0 : index
      %swap3A_47 = arith.constant 0 : index
      %swap3A_48 = vector.load %arg7[%swap3A_46, %swap3A_47] : memref<8x256xf32, #tpu.memory_space<vmem>>, vector<8x256xf32>
      tpu.vector_store %arg7[%swap3A_46, %swap3A_47], %broadcast_in_dim3A_45 {strides = array<i32>} : memref<8x256xf32, #tpu.memory_space<vmem>>, vector<8x256xf32>,
      %broadcast_in_dim3A_49 = arith.constant 0.000000e+00 : f32
      %broadcast_in_dim3A_50 = vector.broadcast %broadcast_in_dim3A_49 : f32 to vector<8x256xf32>
      %swap3A_51 = arith.constant 0 : index
      %swap3A_52 = arith.constant 0 : index
      %swap3A_53 = vector.load %arg8[%swap3A_51, %swap3A_52] : memref<8x256xf32, #tpu.memory_space<vmem>>, vector<8x256xf32>
      tpu.vector_store %arg8[%swap3A_51, %swap3A_52], %broadcast_in_dim3A_50 {strides = array<i32>} : memref<8x256xf32, #tpu.memory_space<vmem>>, vector<8x256xf32>,
    } else {
    }
    %reduce_sum3A = arith.constant dense<0.000000e+00> : vector<256xf32>
    %reduce_sum3A_22 = vector.multi_reduction <add>, %add3A_16, %reduce_sum3A [0] : vector<2000x256xf32> to vector<256xf32>
    %broadcast_in_dim3A = vector.shape_cast %reduce_sum3A_22 : vector<256xf32> to vector<1x256xf32>
    %mul3A = arith.mulf %add3A_16, %add3A_16 : vector<2000x256xf32>
    %reduce_sum3A_23 = arith.constant dense<0.000000e+00> : vector<256xf32>
    %reduce_sum3A_24 = vector.multi_reduction <add>, %mul3A, %reduce_sum3A_23 [0] : vector<2000x256xf32> to vector<256xf32>
    %broadcast_in_dim3A_25 = vector.shape_cast %reduce_sum3A_24 : vector<256xf32> to vector<1x256xf32>
    %get3A_26 = arith.constant 0 : index
    %get3A_27 = arith.constant 0 : index
    %get3A_28 = vector.load %arg7[%get3A_26, %get3A_27] : memref<8x256xf32, #tpu.memory_space<vmem>>, vector<8x256xf32>
    %broadcast_in_dim3A_29 = vector.shape_cast %broadcast_in_dim3A : vector<1x256xf32> to vector<1x256xf32>
    %broadcast_in_dim3A_30 = vector.broadcast %broadcast_in_dim3A_29 : vector<1x256xf32> to vector<8x256xf32>
    %add3A_31 = arith.addf %get3A_28, %broadcast_in_dim3A_30 : vector<8x256xf32>
    %swap3A_32 = arith.constant 0 : index
    %swap3A_33 = arith.constant 0 : index
    %swap3A_34 = vector.load %arg7[%swap3A_32, %swap3A_33] : memref<8x256xf32, #tpu.memory_space<vmem>>, vector<8x256xf32>
    tpu.vector_store %arg7[%swap3A_32, %swap3A_33], %add3A_31 {strides = array<i32>} : memref<8x256xf32, #tpu.memory_space<vmem>>, vector<8x256xf32>,
    %get3A_35 = arith.constant 0 : index
    %get3A_36 = arith.constant 0 : index
    %get3A_37 = vector.load %arg8[%get3A_35, %get3A_36] : memref<8x256xf32, #tpu.memory_space<vmem>>, vector<8x256xf32>
    %broadcast_in_dim3A_38 = vector.shape_cast %broadcast_in_dim3A_25 : vector<1x256xf32> to vector<1x256xf32>
    %broadcast_in_dim3A_39 = vector.broadcast %broadcast_in_dim3A_38 : vector<1x256xf32> to vector<8x256xf32>
    %add3A_40 = arith.addf %get3A_37, %broadcast_in_dim3A_39 : vector<8x256xf32>
    %swap3A_41 = arith.constant 0 : index
    %swap3A_42 = arith.constant 0 : index
    %swap3A_43 = vector.load %arg8[%swap3A_41, %swap3A_42] : memref<8x256xf32, #tpu.memory_space<vmem>>, vector<8x256xf32>
    tpu.vector_store %arg8[%swap3A_41, %swap3A_42], %add3A_40 {strides = array<i32>} : memref<8x256xf32, #tpu.memory_space<vmem>>, vector<8x256xf32>,
    return
  }
  func.func @transform_0(%arg0: i32) -> (i32, i32) {
    %add3A = arith.constant 0 : i32
    %add3A_0 = arith.addi %add3A, %arg0 : i32
    %c0_i32 = arith.constant 0 : i32
    %c0_i32_1 = arith.constant 0 : i32
    return %add3A_0, %c0_i32 : i32, i32
  }
  func.func @transform_1(%arg0: i32) -> (i32, i32) {
    %add3A = arith.constant 80 : i32
    %add3A_0 = arith.addi %add3A, %arg0 : i32
    %c0_i32 = arith.constant 0 : i32
    %c0_i32_1 = arith.constant 0 : i32
    return %add3A_0, %c0_i32 : i32, i32
  }
  func.func @transform_2(%arg0: i32) -> (i32, i32) {
    %c0_i32 = arith.constant 0 : i32
    %c0_i32_0 = arith.constant 0 : i32
    return %arg0, %c0_i32 : i32, i32
  }
  func.func @transform_3(%arg0: i32) -> (i32, i32) {
    %c0_i32 = arith.constant 0 : i32
    %c0_i32_0 = arith.constant 0 : i32
    %c0_i32_1 = arith.constant 0 : i32
    return %c0_i32, %c0_i32_0 : i32, i32
  }
  func.func @transform_4(%arg0: i32) -> (i32, i32) {
    %c0_i32 = arith.constant 0 : i32
    %c0_i32_0 = arith.constant 0 : i32
    %c0_i32_1 = arith.constant 0 : i32
    return %c0_i32, %c0_i32_0 : i32, i32
  }
  func.func @transform_5(%arg0: i32) -> (i32, i32) {
    %c0_i32 = arith.constant 0 : i32
    %c0_i32_0 = arith.constant 0 : i32
    return %arg0, %c0_i32 : i32, i32
  }
  func.func @transform_6(%arg0: i32) -> (i32, i32) {
    %c0_i32 = arith.constant 0 : i32
    %c0_i32_0 = arith.constant 0 : i32
    %c0_i32_1 = arith.constant 0 : i32
    return %c0_i32, %c0_i32_0 : i32, i32
  }
  func.func @transform_7(%arg0: i32) -> (i32, i32) {
    %c0_i32 = arith.constant 0 : i32
    %c0_i32_0 = arith.constant 0 : i32
    %c0_i32_1 = arith.constant 0 : i32
    return %c0_i32, %c0_i32_0 : i32, i32
  }
}

module attributes {stable_mosaic.version = 14 : i64} {
  func.func @_post_a_h_body(%arg0: i32, %arg1: memref<1000x128xf32, #tpu.memory_space<vmem>>, %arg2: memref<1000x128xf32, #tpu.memory_space<vmem>>, %arg3: memref<1000x128xf32, #tpu.memory_space<vmem>>, %arg4: memref<1000x128xf32, #tpu.memory_space<vmem>>, %arg5: memref<1000x256xf32, #tpu.memory_space<vmem>>, %arg6: memref<256x256xf32, #tpu.memory_space<vmem>>, %arg7: memref<1x256xf32, #tpu.memory_space<vmem>>, %arg8: memref<1000x256xf32, #tpu.memory_space<vmem>>, %arg9: memref<8x256xf32, #tpu.memory_space<vmem>>, %arg10: memref<8x256xf32, #tpu.memory_space<vmem>>) attributes {dimension_semantics = [#tpu.dimension_semantics<arbitrary>], iteration_bounds = array<i64: 10>, scalar_prefetch = 0 : i64, scratch_operands = 0 : i64, tpu.core_type = #tpu.core_type<tc>, window_params = [{transform_indices = @transform_0, window_bounds = array<i64: 1000, 128>}, {transform_indices = @transform_1, window_bounds = array<i64: 1000, 128>}, {transform_indices = @transform_2, window_bounds = array<i64: 1000, 128>}, {transform_indices = @transform_3, window_bounds = array<i64: 1000, 128>}, {transform_indices = @transform_4, window_bounds = array<i64: 1000, 256>}, {pipeline_mode = #tpu.pipeline_mode<synchronous>, transform_indices = @transform_5, window_bounds = array<i64: 256, 256>}, {pipeline_mode = #tpu.pipeline_mode<synchronous>, transform_indices = @transform_6, window_bounds = array<i64: 1, 256>}, {transform_indices = @transform_7, window_bounds = array<i64: 1000, 256>}, {pipeline_mode = #tpu.pipeline_mode<synchronous>, transform_indices = @transform_8, window_bounds = array<i64: 8, 256>}, {pipeline_mode = #tpu.pipeline_mode<synchronous>, transform_indices = @transform_9, window_bounds = array<i64: 8, 256>}]} {
    %iota3A = tpu.iota {dimensions = array<i32: 1>} : vector<16x128xi32>
    %jit3A = arith.constant 32 : i32
    %div3A = vector.broadcast %jit3A : i32 to vector<16x128xi32>
    %div3A_0 = arith.divsi %iota3A, %div3A : vector<16x128xi32>
    %sign3A = arith.constant 0 : i32
    %sign3A_1 = vector.broadcast %sign3A : i32 to vector<16x128xi32>
    %sign3A_2 = arith.cmpi sgt, %iota3A, %sign3A_1 : vector<16x128xi32>
    %sign3A_3 = arith.extui %sign3A_2 : vector<16x128xi1> to vector<16x128xi32>
    %sign3A_4 = arith.constant 0 : i32
    %sign3A_5 = vector.broadcast %sign3A_4 : i32 to vector<16x128xi32>
    %sign3A_6 = arith.cmpi slt, %iota3A, %sign3A_5 : vector<16x128xi32>
    %sign3A_7 = arith.extui %sign3A_6 : vector<16x128xi1> to vector<16x128xi32>
    %sign3A_8 = arith.subi %sign3A_3, %sign3A_7 : vector<16x128xi32>
    %sign3A_9 = arith.constant 0 : i32
    %sign3A_10 = arith.cmpi sgt, %jit3A, %sign3A_9 : i32
    %sign3A_11 = arith.extui %sign3A_10 : i1 to i32
    %sign3A_12 = arith.constant 0 : i32
    %sign3A_13 = arith.cmpi slt, %jit3A, %sign3A_12 : i32
    %sign3A_14 = arith.extui %sign3A_13 : i1 to i32
    %sign3A_15 = arith.subi %sign3A_11, %sign3A_14 : i32
    %ne3A = vector.broadcast %sign3A_15 : i32 to vector<16x128xi32>
    %ne3A_16 = arith.cmpi ne, %sign3A_8, %ne3A : vector<16x128xi32>
    %rem3A = vector.broadcast %jit3A : i32 to vector<16x128xi32>
    %rem3A_17 = arith.remsi %iota3A, %rem3A : vector<16x128xi32>
    %ne3A_18 = arith.constant 0 : i32
    %ne3A_19 = vector.broadcast %ne3A_18 : i32 to vector<16x128xi32>
    %ne3A_20 = arith.cmpi ne, %rem3A_17, %ne3A_19 : vector<16x128xi32>
    %and3A = arith.andi %ne3A_16, %ne3A_20 : vector<16x128xi1>
    %sub3A = arith.constant 1 : i32
    %sub3A_21 = vector.broadcast %sub3A : i32 to vector<16x128xi32>
    %sub3A_22 = arith.subi %div3A_0, %sub3A_21 : vector<16x128xi32>
    %select_n3A = arith.select %and3A, %sub3A_22, %div3A_0 : vector<16x128xi1>, vector<16x128xi32>
    %iota3A_23 = tpu.iota {dimensions = array<i32: 0>} : vector<16x128xi32>
    %eq3A = arith.cmpi eq, %select_n3A, %iota3A_23 : vector<16x128xi32>
    %convert_element_type3A = arith.extui %eq3A : vector<16x128xi1> to vector<16x128xi32>
    %convert_element_type3A_24 = arith.sitofp %convert_element_type3A : vector<16x128xi32> to vector<16x128xf32>
    %get3A = arith.constant 0 : index
    %get3A_25 = arith.constant 0 : index
    %get3A_26 = vector.load %arg3[%get3A, %get3A_25] : memref<1000x128xf32, #tpu.memory_space<vmem>>, vector<1000x16xf32>
    %get3A_27 = arith.constant 0 : index
    %get3A_28 = arith.constant 0 : index
    %get3A_29 = vector.load %arg4[%get3A_27, %get3A_28] : memref<1000x128xf32, #tpu.memory_space<vmem>>, vector<1000x16xf32>
    %gt3A = arith.constant 0.000000e+00 : f32
    %gt3A_30 = vector.broadcast %gt3A : f32 to vector<1000x16xf32>
    %gt3A_31 = arith.cmpf ogt, %get3A_26, %gt3A_30 : vector<1000x16xf32>
    %gt3A_32 = arith.constant 0.000000e+00 : f32
    %gt3A_33 = vector.broadcast %gt3A_32 : f32 to vector<1000x16xf32>
    %gt3A_34 = arith.cmpf ogt, %get3A_26, %gt3A_33 : vector<1000x16xf32>
    %jit3A_35 = arith.constant 1.000000e+00 : f32
    %broadcast_in_dim3A = vector.broadcast %jit3A_35 : f32 to vector<1000x16xf32>
    %select_n3A_36 = arith.select %gt3A_34, %get3A_26, %broadcast_in_dim3A : vector<1000x16xi1>, vector<1000x16xf32>
    %div3A_37 = arith.constant 1.000000e+00 : f32
    %div3A_38 = vector.broadcast %div3A_37 : f32 to vector<1000x16xf32>
    %div3A_39 = arith.divf %div3A_38, %select_n3A_36 : vector<1000x16xf32>
    %jit3A_40 = arith.constant 0.000000e+00 : f32
    %broadcast_in_dim3A_41 = vector.broadcast %jit3A_40 : f32 to vector<1000x16xf32>
    %select_n3A_42 = arith.select %gt3A_31, %div3A_39, %broadcast_in_dim3A_41 : vector<1000x16xi1>, vector<1000x16xf32>
    %gt3A_43 = arith.constant 0.000000e+00 : f32
    %gt3A_44 = vector.broadcast %gt3A_43 : f32 to vector<1000x16xf32>
    %gt3A_45 = arith.cmpf ogt, %get3A_29, %gt3A_44 : vector<1000x16xf32>
    %gt3A_46 = arith.constant 0.000000e+00 : f32
    %gt3A_47 = vector.broadcast %gt3A_46 : f32 to vector<1000x16xf32>
    %gt3A_48 = arith.cmpf ogt, %get3A_29, %gt3A_47 : vector<1000x16xf32>
    %jit3A_49 = arith.constant 1.000000e+00 : f32
    %broadcast_in_dim3A_50 = vector.broadcast %jit3A_49 : f32 to vector<1000x16xf32>
    %select_n3A_51 = arith.select %gt3A_48, %get3A_29, %broadcast_in_dim3A_50 : vector<1000x16xi1>, vector<1000x16xf32>
    %div3A_52 = arith.constant 1.000000e+00 : f32
    %div3A_53 = vector.broadcast %div3A_52 : f32 to vector<1000x16xf32>
    %div3A_54 = arith.divf %div3A_53, %select_n3A_51 : vector<1000x16xf32>
    %jit3A_55 = arith.constant 0.000000e+00 : f32
    %broadcast_in_dim3A_56 = vector.broadcast %jit3A_55 : f32 to vector<1000x16xf32>
    %select_n3A_57 = arith.select %gt3A_45, %div3A_54, %broadcast_in_dim3A_56 : vector<1000x16xi1>, vector<1000x16xf32>
    %get3A_58 = arith.constant 0 : index
    %get3A_59 = arith.constant 0 : index
    %get3A_60 = vector.load %arg1[%get3A_58, %get3A_59] : memref<1000x128xf32, #tpu.memory_space<vmem>>, vector<1000x128xf32>
    %dot_general3A = arith.constant dense<0.000000e+00> : vector<1000x128xf32>
    %dot_general3A_61 = tpu.matmul %select_n3A_42, %convert_element_type3A_24, %dot_general3A {dimension_numbers = #tpu.dot_dimension_numbers<[1], [0], [0], [1], [0, 0, 1, 1], [], []>, transpose_lhs_hint = false} : vector<1000x16xf32>, vector<16x128xf32>, vector<1000x128xf32> -> vector<1000x128xf32>
    %mul3A = arith.mulf %get3A_60, %dot_general3A_61 : vector<1000x128xf32>
    %get3A_62 = arith.constant 0 : index
    %get3A_63 = arith.constant 0 : index
    %get3A_64 = vector.load %arg2[%get3A_62, %get3A_63] : memref<1000x128xf32, #tpu.memory_space<vmem>>, vector<1000x128xf32>
    %dot_general3A_65 = arith.constant dense<0.000000e+00> : vector<1000x128xf32>
    %dot_general3A_66 = tpu.matmul %select_n3A_57, %convert_element_type3A_24, %dot_general3A_65 {dimension_numbers = #tpu.dot_dimension_numbers<[1], [0], [0], [1], [0, 0, 1, 1], [], []>, transpose_lhs_hint = false} : vector<1000x16xf32>, vector<16x128xf32>, vector<1000x128xf32> -> vector<1000x128xf32>
    %mul3A_67 = arith.mulf %get3A_64, %dot_general3A_66 : vector<1000x128xf32>
    %concatenate3A = tpu.concatenate %mul3A, %mul3A_67 in 1 : vector<1000x128xf32>, vector<1000x128xf32> -> vector<1000x256xf32>
    %get3A_68 = arith.constant 0 : index
    %get3A_69 = arith.constant 0 : index
    %get3A_70 = vector.load %arg6[%get3A_68, %get3A_69] : memref<256x256xf32, #tpu.memory_space<vmem>>, vector<256x256xf32>
    %dot_general3A_71 = arith.constant dense<0.000000e+00> : vector<1000x256xf32>
    %dot_general3A_72 = tpu.matmul %concatenate3A, %get3A_70, %dot_general3A_71 {dimension_numbers = #tpu.dot_dimension_numbers<[1], [0], [0], [1], [0, 0, 1, 1], [], []>, transpose_lhs_hint = false} : vector<1000x256xf32>, vector<256x256xf32>, vector<1000x256xf32> -> vector<1000x256xf32>
    %get3A_73 = arith.constant 0 : index
    %get3A_74 = arith.constant 0 : index
    %get3A_75 = vector.load %arg7[%get3A_73, %get3A_74] : memref<1x256xf32, #tpu.memory_space<vmem>>, vector<1x256xf32>
    %add3A = vector.broadcast %get3A_75 : vector<1x256xf32> to vector<1000x256xf32>
    %add3A_76 = arith.addf %dot_general3A_72, %add3A : vector<1000x256xf32>
    %get3A_77 = arith.constant 0 : index
    %get3A_78 = arith.constant 0 : index
    %get3A_79 = vector.load %arg5[%get3A_77, %get3A_78] : memref<1000x256xf32, #tpu.memory_space<vmem>>, vector<1000x256xf32>
    %add3A_80 = arith.addf %add3A_76, %get3A_79 : vector<1000x256xf32>
    %swap3A = arith.constant 0 : index
    %swap3A_81 = arith.constant 0 : index
    %swap3A_82 = vector.load %arg8[%swap3A, %swap3A_81] : memref<1000x256xf32, #tpu.memory_space<vmem>>, vector<1000x256xf32>
    tpu.vector_store %arg8[%swap3A, %swap3A_81], %add3A_80 {strides = array<i32>} : memref<1000x256xf32, #tpu.memory_space<vmem>>, vector<1000x256xf32>,
    %eq3A_83 = arith.constant 0 : i32
    %eq3A_84 = arith.cmpi eq, %arg0, %eq3A_83 : i32
    %convert_element_type3A_85 = arith.extui %eq3A_84 : i1 to i32
    %cond3A = arith.constant 0 : i32
    %cond3A_86 = arith.cmpi ne, %convert_element_type3A_85, %cond3A : i32
    scf.if %cond3A_86 {
      %broadcast_in_dim3A_111 = arith.constant 0.000000e+00 : f32
      %broadcast_in_dim3A_112 = vector.broadcast %broadcast_in_dim3A_111 : f32 to vector<8x256xf32>
      %swap3A_113 = arith.constant 0 : index
      %swap3A_114 = arith.constant 0 : index
      %swap3A_115 = vector.load %arg9[%swap3A_113, %swap3A_114] : memref<8x256xf32, #tpu.memory_space<vmem>>, vector<8x256xf32>
      tpu.vector_store %arg9[%swap3A_113, %swap3A_114], %broadcast_in_dim3A_112 {strides = array<i32>} : memref<8x256xf32, #tpu.memory_space<vmem>>, vector<8x256xf32>,
      %broadcast_in_dim3A_116 = arith.constant 0.000000e+00 : f32
      %broadcast_in_dim3A_117 = vector.broadcast %broadcast_in_dim3A_116 : f32 to vector<8x256xf32>
      %swap3A_118 = arith.constant 0 : index
      %swap3A_119 = arith.constant 0 : index
      %swap3A_120 = vector.load %arg10[%swap3A_118, %swap3A_119] : memref<8x256xf32, #tpu.memory_space<vmem>>, vector<8x256xf32>
      tpu.vector_store %arg10[%swap3A_118, %swap3A_119], %broadcast_in_dim3A_117 {strides = array<i32>} : memref<8x256xf32, #tpu.memory_space<vmem>>, vector<8x256xf32>,
    } else {
    }
    %reduce_sum3A = arith.constant dense<0.000000e+00> : vector<256xf32>
    %reduce_sum3A_87 = vector.multi_reduction <add>, %add3A_80, %reduce_sum3A [0] : vector<1000x256xf32> to vector<256xf32>
    %broadcast_in_dim3A_88 = vector.shape_cast %reduce_sum3A_87 : vector<256xf32> to vector<1x256xf32>
    %mul3A_89 = arith.mulf %add3A_80, %add3A_80 : vector<1000x256xf32>
    %reduce_sum3A_90 = arith.constant dense<0.000000e+00> : vector<256xf32>
    %reduce_sum3A_91 = vector.multi_reduction <add>, %mul3A_89, %reduce_sum3A_90 [0] : vector<1000x256xf32> to vector<256xf32>
    %broadcast_in_dim3A_92 = vector.shape_cast %reduce_sum3A_91 : vector<256xf32> to vector<1x256xf32>
    %get3A_93 = arith.constant 0 : index
    %get3A_94 = arith.constant 0 : index
    %get3A_95 = vector.load %arg9[%get3A_93, %get3A_94] : memref<8x256xf32, #tpu.memory_space<vmem>>, vector<8x256xf32>
    %broadcast_in_dim3A_96 = vector.shape_cast %broadcast_in_dim3A_88 : vector<1x256xf32> to vector<1x256xf32>
    %broadcast_in_dim3A_97 = vector.broadcast %broadcast_in_dim3A_96 : vector<1x256xf32> to vector<8x256xf32>
    %add3A_98 = arith.addf %get3A_95, %broadcast_in_dim3A_97 : vector<8x256xf32>
    %swap3A_99 = arith.constant 0 : index
    %swap3A_100 = arith.constant 0 : index
    %swap3A_101 = vector.load %arg9[%swap3A_99, %swap3A_100] : memref<8x256xf32, #tpu.memory_space<vmem>>, vector<8x256xf32>
    tpu.vector_store %arg9[%swap3A_99, %swap3A_100], %add3A_98 {strides = array<i32>} : memref<8x256xf32, #tpu.memory_space<vmem>>, vector<8x256xf32>,
    %get3A_102 = arith.constant 0 : index
    %get3A_103 = arith.constant 0 : index
    %get3A_104 = vector.load %arg10[%get3A_102, %get3A_103] : memref<8x256xf32, #tpu.memory_space<vmem>>, vector<8x256xf32>
    %broadcast_in_dim3A_105 = vector.shape_cast %broadcast_in_dim3A_92 : vector<1x256xf32> to vector<1x256xf32>
    %broadcast_in_dim3A_106 = vector.broadcast %broadcast_in_dim3A_105 : vector<1x256xf32> to vector<8x256xf32>
    %add3A_107 = arith.addf %get3A_104, %broadcast_in_dim3A_106 : vector<8x256xf32>
    %swap3A_108 = arith.constant 0 : index
    %swap3A_109 = arith.constant 0 : index
    %swap3A_110 = vector.load %arg10[%swap3A_108, %swap3A_109] : memref<8x256xf32, #tpu.memory_space<vmem>>, vector<8x256xf32>
    tpu.vector_store %arg10[%swap3A_108, %swap3A_109], %add3A_107 {strides = array<i32>} : memref<8x256xf32, #tpu.memory_space<vmem>>, vector<8x256xf32>,
    return
  }
  func.func @transform_0(%arg0: i32) -> (i32, i32) {
    %add3A = arith.constant 0 : i32
    %add3A_0 = arith.addi %add3A, %arg0 : i32
    %c0_i32 = arith.constant 0 : i32
    %c0_i32_1 = arith.constant 0 : i32
    return %add3A_0, %c0_i32 : i32, i32
  }
  func.func @transform_1(%arg0: i32) -> (i32, i32) {
    %add3A = arith.constant 10 : i32
    %add3A_0 = arith.addi %add3A, %arg0 : i32
    %c0_i32 = arith.constant 0 : i32
    %c0_i32_1 = arith.constant 0 : i32
    return %add3A_0, %c0_i32 : i32, i32
  }
  func.func @transform_2(%arg0: i32) -> (i32, i32) {
    %add3A = arith.constant 0 : i32
    %add3A_0 = arith.addi %add3A, %arg0 : i32
    %c0_i32 = arith.constant 0 : i32
    %c0_i32_1 = arith.constant 0 : i32
    return %add3A_0, %c0_i32 : i32, i32
  }
  func.func @transform_3(%arg0: i32) -> (i32, i32) {
    %add3A = arith.constant 10 : i32
    %add3A_0 = arith.addi %add3A, %arg0 : i32
    %c0_i32 = arith.constant 0 : i32
    %c0_i32_1 = arith.constant 0 : i32
    return %add3A_0, %c0_i32 : i32, i32
  }
  func.func @transform_4(%arg0: i32) -> (i32, i32) {
    %c0_i32 = arith.constant 0 : i32
    %c0_i32_0 = arith.constant 0 : i32
    return %arg0, %c0_i32 : i32, i32
  }
  func.func @transform_5(%arg0: i32) -> (i32, i32) {
    %c0_i32 = arith.constant 0 : i32
    %c0_i32_0 = arith.constant 0 : i32
    %c0_i32_1 = arith.constant 0 : i32
    return %c0_i32, %c0_i32_0 : i32, i32
  }
  func.func @transform_6(%arg0: i32) -> (i32, i32) {
    %c0_i32 = arith.constant 0 : i32
    %c0_i32_0 = arith.constant 0 : i32
    %c0_i32_1 = arith.constant 0 : i32
    return %c0_i32, %c0_i32_0 : i32, i32
  }
  func.func @transform_7(%arg0: i32) -> (i32, i32) {
    %c0_i32 = arith.constant 0 : i32
    %c0_i32_0 = arith.constant 0 : i32
    return %arg0, %c0_i32 : i32, i32
  }
  func.func @transform_8(%arg0: i32) -> (i32, i32) {
    %c0_i32 = arith.constant 0 : i32
    %c0_i32_0 = arith.constant 0 : i32
    %c0_i32_1 = arith.constant 0 : i32
    return %c0_i32, %c0_i32_0 : i32, i32
  }
  func.func @transform_9(%arg0: i32) -> (i32, i32) {
    %c0_i32 = arith.constant 0 : i32
    %c0_i32_0 = arith.constant 0 : i32
    %c0_i32_1 = arith.constant 0 : i32
    return %c0_i32, %c0_i32_0 : i32, i32
  }
}

module attributes {stable_mosaic.version = 14 : i64} {
  func.func @_post_b_body(%arg0: i32, %arg1: memref<1000x256xf32, #tpu.memory_space<vmem>>, %arg2: memref<8x256xf32, #tpu.memory_space<vmem>>, %arg3: memref<8x256xf32, #tpu.memory_space<vmem>>, %arg4: memref<1x256xf32, #tpu.memory_space<vmem>>, %arg5: memref<1x256xf32, #tpu.memory_space<vmem>>, %arg6: memref<256x512xf32, #tpu.memory_space<vmem>>, %arg7: memref<1x512xf32, #tpu.memory_space<vmem>>, %arg8: memref<512x256xf32, #tpu.memory_space<vmem>>, %arg9: memref<1x256xf32, #tpu.memory_space<vmem>>, %arg10: memref<1000x256xf32, #tpu.memory_space<vmem>>, %arg11: memref<8x256xf32, #tpu.memory_space<vmem>>, %arg12: memref<8x256xf32, #tpu.memory_space<vmem>>) attributes {dimension_semantics = [#tpu.dimension_semantics<arbitrary>], iteration_bounds = array<i64: 10>, scalar_prefetch = 0 : i64, scratch_operands = 0 : i64, tpu.core_type = #tpu.core_type<tc>, window_params = [{transform_indices = @transform_0, window_bounds = array<i64: 1000, 256>}, {pipeline_mode = #tpu.pipeline_mode<synchronous>, transform_indices = @transform_1, window_bounds = array<i64: 8, 256>}, {pipeline_mode = #tpu.pipeline_mode<synchronous>, transform_indices = @transform_2, window_bounds = array<i64: 8, 256>}, {pipeline_mode = #tpu.pipeline_mode<synchronous>, transform_indices = @transform_3, window_bounds = array<i64: 1, 256>}, {pipeline_mode = #tpu.pipeline_mode<synchronous>, transform_indices = @transform_4, window_bounds = array<i64: 1, 256>}, {pipeline_mode = #tpu.pipeline_mode<synchronous>, transform_indices = @transform_5, window_bounds = array<i64: 256, 512>}, {pipeline_mode = #tpu.pipeline_mode<synchronous>, transform_indices = @transform_6, window_bounds = array<i64: 1, 512>}, {pipeline_mode = #tpu.pipeline_mode<synchronous>, transform_indices = @transform_7, window_bounds = array<i64: 512, 256>}, {pipeline_mode = #tpu.pipeline_mode<synchronous>, transform_indices = @transform_8, window_bounds = array<i64: 1, 256>}, {transform_indices = @transform_9, window_bounds = array<i64: 1000, 256>}, {pipeline_mode = #tpu.pipeline_mode<synchronous>, transform_indices = @transform_10, window_bounds = array<i64: 8, 256>}, {pipeline_mode = #tpu.pipeline_mode<synchronous>, transform_indices = @transform_11, window_bounds = array<i64: 8, 256>}]} {
    %get3A = arith.constant 0 : index
    %get3A_0 = arith.constant 0 : index
    %get3A_1 = vector.load %arg1[%get3A, %get3A_0] : memref<1000x256xf32, #tpu.memory_space<vmem>>, vector<1000x256xf32>
    %get3A_2 = arith.constant 0 : index
    %get3A_3 = arith.constant 0 : index
    %get3A_4 = vector.load %arg2[%get3A_2, %get3A_3] : memref<8x256xf32, #tpu.memory_space<vmem>>, vector<1x256xf32>
    %mul3A = arith.constant 9.99999974E-5 : f32
    %mul3A_5 = vector.broadcast %mul3A : f32 to vector<1x256xf32>
    %mul3A_6 = arith.mulf %get3A_4, %mul3A_5 : vector<1x256xf32>
    %get3A_7 = arith.constant 0 : index
    %get3A_8 = arith.constant 0 : index
    %get3A_9 = vector.load %arg3[%get3A_7, %get3A_8] : memref<8x256xf32, #tpu.memory_space<vmem>>, vector<1x256xf32>
    %mul3A_10 = arith.constant 9.99999974E-5 : f32
    %mul3A_11 = vector.broadcast %mul3A_10 : f32 to vector<1x256xf32>
    %mul3A_12 = arith.mulf %get3A_9, %mul3A_11 : vector<1x256xf32>
    %mul3A_13 = arith.mulf %mul3A_6, %mul3A_6 : vector<1x256xf32>
    %sub3A = arith.subf %mul3A_12, %mul3A_13 : vector<1x256xf32>
    %add3A = arith.constant 9.99999974E-6 : f32
    %add3A_14 = vector.broadcast %add3A : f32 to vector<1x256xf32>
    %add3A_15 = arith.addf %sub3A, %add3A_14 : vector<1x256xf32>
    %rsqrt3A = math.rsqrt %add3A_15 : vector<1x256xf32>
    %sub3A_16 = vector.broadcast %mul3A_6 : vector<1x256xf32> to vector<1000x256xf32>
    %sub3A_17 = arith.subf %get3A_1, %sub3A_16 : vector<1000x256xf32>
    %mul3A_18 = vector.broadcast %rsqrt3A : vector<1x256xf32> to vector<1000x256xf32>
    %mul3A_19 = arith.mulf %sub3A_17, %mul3A_18 : vector<1000x256xf32>
    %get3A_20 = arith.constant 0 : index
    %get3A_21 = arith.constant 0 : index
    %get3A_22 = vector.load %arg4[%get3A_20, %get3A_21] : memref<1x256xf32, #tpu.memory_space<vmem>>, vector<1x256xf32>
    %mul3A_23 = vector.broadcast %get3A_22 : vector<1x256xf32> to vector<1000x256xf32>
    %mul3A_24 = arith.mulf %mul3A_19, %mul3A_23 : vector<1000x256xf32>
    %get3A_25 = arith.constant 0 : index
    %get3A_26 = arith.constant 0 : index
    %get3A_27 = vector.load %arg5[%get3A_25, %get3A_26] : memref<1x256xf32, #tpu.memory_space<vmem>>, vector<1x256xf32>
    %add3A_28 = vector.broadcast %get3A_27 : vector<1x256xf32> to vector<1000x256xf32>
    %add3A_29 = arith.addf %mul3A_24, %add3A_28 : vector<1000x256xf32>
    %get3A_30 = arith.constant 0 : index
    %get3A_31 = arith.constant 0 : index
    %get3A_32 = vector.load %arg6[%get3A_30, %get3A_31] : memref<256x512xf32, #tpu.memory_space<vmem>>, vector<256x512xf32>
    %dot_general3A = arith.constant dense<0.000000e+00> : vector<1000x512xf32>
    %dot_general3A_33 = tpu.matmul %add3A_29, %get3A_32, %dot_general3A {dimension_numbers = #tpu.dot_dimension_numbers<[1], [0], [0], [1], [0, 0, 1, 1], [], []>, transpose_lhs_hint = false} : vector<1000x256xf32>, vector<256x512xf32>, vector<1000x512xf32> -> vector<1000x512xf32>
    %get3A_34 = arith.constant 0 : index
    %get3A_35 = arith.constant 0 : index
    %get3A_36 = vector.load %arg7[%get3A_34, %get3A_35] : memref<1x512xf32, #tpu.memory_space<vmem>>, vector<1x512xf32>
    %add3A_37 = vector.broadcast %get3A_36 : vector<1x512xf32> to vector<1000x512xf32>
    %add3A_38 = arith.addf %dot_general3A_33, %add3A_37 : vector<1000x512xf32>
    %max3A = arith.constant 0.000000e+00 : f32
    %max3A_39 = vector.broadcast %max3A : f32 to vector<1000x512xf32>
    %max3A_40 = arith.maximumf %add3A_38, %max3A_39 : vector<1000x512xf32>
    %get3A_41 = arith.constant 0 : index
    %get3A_42 = arith.constant 0 : index
    %get3A_43 = vector.load %arg8[%get3A_41, %get3A_42] : memref<512x256xf32, #tpu.memory_space<vmem>>, vector<512x256xf32>
    %dot_general3A_44 = arith.constant dense<0.000000e+00> : vector<1000x256xf32>
    %dot_general3A_45 = tpu.matmul %max3A_40, %get3A_43, %dot_general3A_44 {dimension_numbers = #tpu.dot_dimension_numbers<[1], [0], [0], [1], [0, 0, 1, 1], [], []>, transpose_lhs_hint = false} : vector<1000x512xf32>, vector<512x256xf32>, vector<1000x256xf32> -> vector<1000x256xf32>
    %get3A_46 = arith.constant 0 : index
    %get3A_47 = arith.constant 0 : index
    %get3A_48 = vector.load %arg9[%get3A_46, %get3A_47] : memref<1x256xf32, #tpu.memory_space<vmem>>, vector<1x256xf32>
    %add3A_49 = vector.broadcast %get3A_48 : vector<1x256xf32> to vector<1000x256xf32>
    %add3A_50 = arith.addf %dot_general3A_45, %add3A_49 : vector<1000x256xf32>
    %add3A_51 = arith.addf %add3A_50, %add3A_29 : vector<1000x256xf32>
    %swap3A = arith.constant 0 : index
    %swap3A_52 = arith.constant 0 : index
    %swap3A_53 = vector.load %arg10[%swap3A, %swap3A_52] : memref<1000x256xf32, #tpu.memory_space<vmem>>, vector<1000x256xf32>
    tpu.vector_store %arg10[%swap3A, %swap3A_52], %add3A_51 {strides = array<i32>} : memref<1000x256xf32, #tpu.memory_space<vmem>>, vector<1000x256xf32>,
    %eq3A = arith.constant 0 : i32
    %eq3A_54 = arith.cmpi eq, %arg0, %eq3A : i32
    %convert_element_type3A = arith.extui %eq3A_54 : i1 to i32
    %cond3A = arith.constant 0 : i32
    %cond3A_55 = arith.cmpi ne, %convert_element_type3A, %cond3A : i32
    scf.if %cond3A_55 {
      %broadcast_in_dim3A_79 = arith.constant 0.000000e+00 : f32
      %broadcast_in_dim3A_80 = vector.broadcast %broadcast_in_dim3A_79 : f32 to vector<8x256xf32>
      %swap3A_81 = arith.constant 0 : index
      %swap3A_82 = arith.constant 0 : index
      %swap3A_83 = vector.load %arg11[%swap3A_81, %swap3A_82] : memref<8x256xf32, #tpu.memory_space<vmem>>, vector<8x256xf32>
      tpu.vector_store %arg11[%swap3A_81, %swap3A_82], %broadcast_in_dim3A_80 {strides = array<i32>} : memref<8x256xf32, #tpu.memory_space<vmem>>, vector<8x256xf32>,
      %broadcast_in_dim3A_84 = arith.constant 0.000000e+00 : f32
      %broadcast_in_dim3A_85 = vector.broadcast %broadcast_in_dim3A_84 : f32 to vector<8x256xf32>
      %swap3A_86 = arith.constant 0 : index
      %swap3A_87 = arith.constant 0 : index
      %swap3A_88 = vector.load %arg12[%swap3A_86, %swap3A_87] : memref<8x256xf32, #tpu.memory_space<vmem>>, vector<8x256xf32>
      tpu.vector_store %arg12[%swap3A_86, %swap3A_87], %broadcast_in_dim3A_85 {strides = array<i32>} : memref<8x256xf32, #tpu.memory_space<vmem>>, vector<8x256xf32>,
    } else {
    }
    %reduce_sum3A = arith.constant dense<0.000000e+00> : vector<256xf32>
    %reduce_sum3A_56 = vector.multi_reduction <add>, %add3A_51, %reduce_sum3A [0] : vector<1000x256xf32> to vector<256xf32>
    %broadcast_in_dim3A = vector.shape_cast %reduce_sum3A_56 : vector<256xf32> to vector<1x256xf32>
    %mul3A_57 = arith.mulf %add3A_51, %add3A_51 : vector<1000x256xf32>
    %reduce_sum3A_58 = arith.constant dense<0.000000e+00> : vector<256xf32>
    %reduce_sum3A_59 = vector.multi_reduction <add>, %mul3A_57, %reduce_sum3A_58 [0] : vector<1000x256xf32> to vector<256xf32>
    %broadcast_in_dim3A_60 = vector.shape_cast %reduce_sum3A_59 : vector<256xf32> to vector<1x256xf32>
    %get3A_61 = arith.constant 0 : index
    %get3A_62 = arith.constant 0 : index
    %get3A_63 = vector.load %arg11[%get3A_61, %get3A_62] : memref<8x256xf32, #tpu.memory_space<vmem>>, vector<8x256xf32>
    %broadcast_in_dim3A_64 = vector.shape_cast %broadcast_in_dim3A : vector<1x256xf32> to vector<1x256xf32>
    %broadcast_in_dim3A_65 = vector.broadcast %broadcast_in_dim3A_64 : vector<1x256xf32> to vector<8x256xf32>
    %add3A_66 = arith.addf %get3A_63, %broadcast_in_dim3A_65 : vector<8x256xf32>
    %swap3A_67 = arith.constant 0 : index
    %swap3A_68 = arith.constant 0 : index
    %swap3A_69 = vector.load %arg11[%swap3A_67, %swap3A_68] : memref<8x256xf32, #tpu.memory_space<vmem>>, vector<8x256xf32>
    tpu.vector_store %arg11[%swap3A_67, %swap3A_68], %add3A_66 {strides = array<i32>} : memref<8x256xf32, #tpu.memory_space<vmem>>, vector<8x256xf32>,
    %get3A_70 = arith.constant 0 : index
    %get3A_71 = arith.constant 0 : index
    %get3A_72 = vector.load %arg12[%get3A_70, %get3A_71] : memref<8x256xf32, #tpu.memory_space<vmem>>, vector<8x256xf32>
    %broadcast_in_dim3A_73 = vector.shape_cast %broadcast_in_dim3A_60 : vector<1x256xf32> to vector<1x256xf32>
    %broadcast_in_dim3A_74 = vector.broadcast %broadcast_in_dim3A_73 : vector<1x256xf32> to vector<8x256xf32>
    %add3A_75 = arith.addf %get3A_72, %broadcast_in_dim3A_74 : vector<8x256xf32>
    %swap3A_76 = arith.constant 0 : index
    %swap3A_77 = arith.constant 0 : index
    %swap3A_78 = vector.load %arg12[%swap3A_76, %swap3A_77] : memref<8x256xf32, #tpu.memory_space<vmem>>, vector<8x256xf32>
    tpu.vector_store %arg12[%swap3A_76, %swap3A_77], %add3A_75 {strides = array<i32>} : memref<8x256xf32, #tpu.memory_space<vmem>>, vector<8x256xf32>,
    return
  }
  func.func @transform_0(%arg0: i32) -> (i32, i32) {
    %c0_i32 = arith.constant 0 : i32
    %c0_i32_0 = arith.constant 0 : i32
    return %arg0, %c0_i32 : i32, i32
  }
  func.func @transform_1(%arg0: i32) -> (i32, i32) {
    %c0_i32 = arith.constant 0 : i32
    %c0_i32_0 = arith.constant 0 : i32
    %c0_i32_1 = arith.constant 0 : i32
    return %c0_i32, %c0_i32_0 : i32, i32
  }
  func.func @transform_2(%arg0: i32) -> (i32, i32) {
    %c0_i32 = arith.constant 0 : i32
    %c0_i32_0 = arith.constant 0 : i32
    %c0_i32_1 = arith.constant 0 : i32
    return %c0_i32, %c0_i32_0 : i32, i32
  }
  func.func @transform_3(%arg0: i32) -> (i32, i32) {
    %c0_i32 = arith.constant 0 : i32
    %c0_i32_0 = arith.constant 0 : i32
    %c0_i32_1 = arith.constant 0 : i32
    return %c0_i32, %c0_i32_0 : i32, i32
  }
  func.func @transform_4(%arg0: i32) -> (i32, i32) {
    %c0_i32 = arith.constant 0 : i32
    %c0_i32_0 = arith.constant 0 : i32
    %c0_i32_1 = arith.constant 0 : i32
    return %c0_i32, %c0_i32_0 : i32, i32
  }
  func.func @transform_5(%arg0: i32) -> (i32, i32) {
    %c0_i32 = arith.constant 0 : i32
    %c0_i32_0 = arith.constant 0 : i32
    %c0_i32_1 = arith.constant 0 : i32
    return %c0_i32, %c0_i32_0 : i32, i32
  }
  func.func @transform_6(%arg0: i32) -> (i32, i32) {
    %c0_i32 = arith.constant 0 : i32
    %c0_i32_0 = arith.constant 0 : i32
    %c0_i32_1 = arith.constant 0 : i32
    return %c0_i32, %c0_i32_0 : i32, i32
  }
  func.func @transform_7(%arg0: i32) -> (i32, i32) {
    %c0_i32 = arith.constant 0 : i32
    %c0_i32_0 = arith.constant 0 : i32
    %c0_i32_1 = arith.constant 0 : i32
    return %c0_i32, %c0_i32_0 : i32, i32
  }
  func.func @transform_8(%arg0: i32) -> (i32, i32) {
    %c0_i32 = arith.constant 0 : i32
    %c0_i32_0 = arith.constant 0 : i32
    %c0_i32_1 = arith.constant 0 : i32
    return %c0_i32, %c0_i32_0 : i32, i32
  }
  func.func @transform_9(%arg0: i32) -> (i32, i32) {
    %c0_i32 = arith.constant 0 : i32
    %c0_i32_0 = arith.constant 0 : i32
    return %arg0, %c0_i32 : i32, i32
  }
  func.func @transform_10(%arg0: i32) -> (i32, i32) {
    %c0_i32 = arith.constant 0 : i32
    %c0_i32_0 = arith.constant 0 : i32
    %c0_i32_1 = arith.constant 0 : i32
    return %c0_i32, %c0_i32_0 : i32, i32
  }
  func.func @transform_11(%arg0: i32) -> (i32, i32) {
    %c0_i32 = arith.constant 0 : i32
    %c0_i32_0 = arith.constant 0 : i32
    %c0_i32_1 = arith.constant 0 : i32
    return %c0_i32, %c0_i32_0 : i32, i32
  }
}

module attributes {stable_mosaic.version = 14 : i64} {
  func.func @_post_c_body(%arg0: i32, %arg1: memref<1000x256xf32, #tpu.memory_space<vmem>>, %arg2: memref<8x256xf32, #tpu.memory_space<vmem>>, %arg3: memref<8x256xf32, #tpu.memory_space<vmem>>, %arg4: memref<1x256xf32, #tpu.memory_space<vmem>>, %arg5: memref<1x256xf32, #tpu.memory_space<vmem>>, %arg6: memref<1000x256xf32, #tpu.memory_space<vmem>>) attributes {dimension_semantics = [#tpu.dimension_semantics<arbitrary>], iteration_bounds = array<i64: 10>, scalar_prefetch = 0 : i64, scratch_operands = 0 : i64, tpu.core_type = #tpu.core_type<tc>, window_params = [{transform_indices = @transform_0, window_bounds = array<i64: 1000, 256>}, {pipeline_mode = #tpu.pipeline_mode<synchronous>, transform_indices = @transform_1, window_bounds = array<i64: 8, 256>}, {pipeline_mode = #tpu.pipeline_mode<synchronous>, transform_indices = @transform_2, window_bounds = array<i64: 8, 256>}, {pipeline_mode = #tpu.pipeline_mode<synchronous>, transform_indices = @transform_3, window_bounds = array<i64: 1, 256>}, {pipeline_mode = #tpu.pipeline_mode<synchronous>, transform_indices = @transform_4, window_bounds = array<i64: 1, 256>}, {transform_indices = @transform_5, window_bounds = array<i64: 1000, 256>}]} {
    %get3A = arith.constant 0 : index
    %get3A_0 = arith.constant 0 : index
    %get3A_1 = vector.load %arg1[%get3A, %get3A_0] : memref<1000x256xf32, #tpu.memory_space<vmem>>, vector<1000x256xf32>
    %get3A_2 = arith.constant 0 : index
    %get3A_3 = arith.constant 0 : index
    %get3A_4 = vector.load %arg2[%get3A_2, %get3A_3] : memref<8x256xf32, #tpu.memory_space<vmem>>, vector<1x256xf32>
    %mul3A = arith.constant 9.99999974E-5 : f32
    %mul3A_5 = vector.broadcast %mul3A : f32 to vector<1x256xf32>
    %mul3A_6 = arith.mulf %get3A_4, %mul3A_5 : vector<1x256xf32>
    %get3A_7 = arith.constant 0 : index
    %get3A_8 = arith.constant 0 : index
    %get3A_9 = vector.load %arg3[%get3A_7, %get3A_8] : memref<8x256xf32, #tpu.memory_space<vmem>>, vector<1x256xf32>
    %mul3A_10 = arith.constant 9.99999974E-5 : f32
    %mul3A_11 = vector.broadcast %mul3A_10 : f32 to vector<1x256xf32>
    %mul3A_12 = arith.mulf %get3A_9, %mul3A_11 : vector<1x256xf32>
    %mul3A_13 = arith.mulf %mul3A_6, %mul3A_6 : vector<1x256xf32>
    %sub3A = arith.subf %mul3A_12, %mul3A_13 : vector<1x256xf32>
    %add3A = arith.constant 9.99999974E-6 : f32
    %add3A_14 = vector.broadcast %add3A : f32 to vector<1x256xf32>
    %add3A_15 = arith.addf %sub3A, %add3A_14 : vector<1x256xf32>
    %rsqrt3A = math.rsqrt %add3A_15 : vector<1x256xf32>
    %sub3A_16 = vector.broadcast %mul3A_6 : vector<1x256xf32> to vector<1000x256xf32>
    %sub3A_17 = arith.subf %get3A_1, %sub3A_16 : vector<1000x256xf32>
    %mul3A_18 = vector.broadcast %rsqrt3A : vector<1x256xf32> to vector<1000x256xf32>
    %mul3A_19 = arith.mulf %sub3A_17, %mul3A_18 : vector<1000x256xf32>
    %get3A_20 = arith.constant 0 : index
    %get3A_21 = arith.constant 0 : index
    %get3A_22 = vector.load %arg4[%get3A_20, %get3A_21] : memref<1x256xf32, #tpu.memory_space<vmem>>, vector<1x256xf32>
    %mul3A_23 = vector.broadcast %get3A_22 : vector<1x256xf32> to vector<1000x256xf32>
    %mul3A_24 = arith.mulf %mul3A_19, %mul3A_23 : vector<1000x256xf32>
    %get3A_25 = arith.constant 0 : index
    %get3A_26 = arith.constant 0 : index
    %get3A_27 = vector.load %arg5[%get3A_25, %get3A_26] : memref<1x256xf32, #tpu.memory_space<vmem>>, vector<1x256xf32>
    %add3A_28 = vector.broadcast %get3A_27 : vector<1x256xf32> to vector<1000x256xf32>
    %add3A_29 = arith.addf %mul3A_24, %add3A_28 : vector<1000x256xf32>
    %swap3A = arith.constant 0 : index
    %swap3A_30 = arith.constant 0 : index
    %swap3A_31 = vector.load %arg6[%swap3A, %swap3A_30] : memref<1000x256xf32, #tpu.memory_space<vmem>>, vector<1000x256xf32>
    tpu.vector_store %arg6[%swap3A, %swap3A_30], %add3A_29 {strides = array<i32>} : memref<1000x256xf32, #tpu.memory_space<vmem>>, vector<1000x256xf32>,
    return
  }
  func.func @transform_0(%arg0: i32) -> (i32, i32) {
    %c0_i32 = arith.constant 0 : i32
    %c0_i32_0 = arith.constant 0 : i32
    return %arg0, %c0_i32 : i32, i32
  }
  func.func @transform_1(%arg0: i32) -> (i32, i32) {
    %c0_i32 = arith.constant 0 : i32
    %c0_i32_0 = arith.constant 0 : i32
    %c0_i32_1 = arith.constant 0 : i32
    return %c0_i32, %c0_i32_0 : i32, i32
  }
  func.func @transform_2(%arg0: i32) -> (i32, i32) {
    %c0_i32 = arith.constant 0 : i32
    %c0_i32_0 = arith.constant 0 : i32
    %c0_i32_1 = arith.constant 0 : i32
    return %c0_i32, %c0_i32_0 : i32, i32
  }
  func.func @transform_3(%arg0: i32) -> (i32, i32) {
    %c0_i32 = arith.constant 0 : i32
    %c0_i32_0 = arith.constant 0 : i32
    %c0_i32_1 = arith.constant 0 : i32
    return %c0_i32, %c0_i32_0 : i32, i32
  }
  func.func @transform_4(%arg0: i32) -> (i32, i32) {
    %c0_i32 = arith.constant 0 : i32
    %c0_i32_0 = arith.constant 0 : i32
    %c0_i32_1 = arith.constant 0 : i32
    return %c0_i32, %c0_i32_0 : i32, i32
  }
  func.func @transform_5(%arg0: i32) -> (i32, i32) {
    %c0_i32 = arith.constant 0 : i32
    %c0_i32_0 = arith.constant 0 : i32
    return %arg0, %c0_i32 : i32, i32
  }
}

</mosaic_0001>

<sc_bundles>
// kernel: kernel.12.cloned.1.call-start
scs
__scs_entry_jumppad:
0x0: {  	(pc) =	sbr.rel $0x88, $3  }
0x1: {  	(tag) =	ssettag $0x0;
	lr =	simm.s32 $0x1  }
0x2: {  	[smem:$0x3F86] =	sst lr;
	_ =	strace $0xD0000000  }
0x3: {  	_ = 	snop  }
0x4: {  	_ = 	snop  }
0x5: {  	_ = 	snop  }
0x6: {  	_ = 	snop  }
0x7: {  	_ = 	snop  }
__scs_overlays_trampoline_lowered:
0x8: {  	[smem:$0x3F95] =	sst s0  }
0x9: {  	[smem:$0x3F96] =	sst s1  }
0xa: {  	[smem:$0x3F97] =	sst s2  }
0xb: {  	[smem:$0x3F98] =	sst s3  }
0xc: {  	[smem:$0x3F99] =	sst s4  }
0xd: {  	[smem:$0x3F9A] =	sst s5  }
0xe: {  	[smem:$0x3F9B] =	sst s6  }
0xf: {  	[smem:$0x3F9C] =	sst s7  }
0x10: {  	[smem:$0x3F9D] =	sst s8  }
0x11: {  	[smem:$0x3F9E] =	sst s9;
	s0 =	simm.s32 @!p0 $0x0  }
0x12: {  	s1 =	sld [smem:$0x3F84];
	s0 =	simm.s32 @p0 $0x1  }
0x13: {  	[smem:$0x3F9F] =	sst s0;
	s0 =	simm.s32 @!p1 $0x0  }
0x14: {  	s2 =	sld [smem:$0x3F83];
	s0 =	simm.s32 @p1 $0x1  }
0x15: {  	[smem:$0x3FA0] =	sst s0;
	s0 =	simm.s32 @!p2 $0x0  }
0x16: {  	s3 =	sld [smem:$0x3FDB];
	s0 =	simm.s32 @p2 $0x1  }
0x17: {  	s4 =	simm.s32 $0x1BF5;
	[smem:$0x3FA2] =	sst s0  }
0x18: {  	s0 =	sld [smem:$0x3F85];
	_ =	swait.ge [sflag:s4], $0x0  }
0x19: {  	s7 =	sld [smem:$0x3F86]  }
0x1a: {  	s8 =	sadd.s32 $0xFFFFE003, lr  }
0x1b: {  	s9 =	sadd.s32 $0xFFFFFEF7, lr;
	s5 =	simm.s32 $0xFFFFFFFF;
	p2 =	slt.u32 s8, $0xFFFFF086  }
0x1c: {  	p1 =	slt.u32 s9, $0xF7A;
	s5 =	simm.s32 @!p2 $0x0  }
0x1d: {  	s5 =	simm.s32 @p1 $0x1;
	p0 =	seq.s32 s7, s2  }
0x1e: {  	s7 =	smul.u32 @!p0 $0xF7A, s2;
	p2 =	seq.s32 @!p0 s5, $0x0  }
0x1f: {  	s9 =	smul.u32 $0xF7A, s1;
	s8 =	simm.s32 @!p0 $0x1BF5;
	p2 =	por !p2, p0  }
0x20: {  	[sflag:s8] =	ssyncset.s32 @!p0 $0xFFFFF086;
	s6 =	sadd.s32 @!p0 s3, s7;
	s7 =	simm.s32 @!p0 $0x108  }
0x21: {  	s3 =	sadd.s32 s3, s9;
	s6 =	sadd.s32 @!p0 $0x88, s6;
	s7 =	simm.s32 @p2 $0x1082  }
0x22: {  	[simem:s7], [sflag:s8] =	dma.local @!p0 [hbm:s6], $0xF7A  }
0x23: {  	s9 =	sor.u32 $0xD0000000, s2;
	s6 =	simm.s32 $0x108;
	_ =	swait.ge @!p0 [sflag:s8], $0x0  }
0x24: {  	s3 =	sadd.s32 $0x88, s3;
	s6 =	simm.s32 @!p1 $0x1082;
	[sflag:s4] =	ssyncset.s32 $0xFFFFF086  }
0x25: {  	[simem:s6], [sflag:s4] =	dma.local [hbm:s3], $0xF7A  }
0x26: {  	[smem:$0x3F86] =	sst s1;
	(tag) =	ssettag s2;
	_ =	strace s9  }
0x27: {  	s1 =	sld [smem:$0x3F96]  }
0x28: {  	s2 =	sld [smem:$0x3F97]  }
0x29: {  	s4 =	sld [smem:$0x3F99]  }
0x2a: {  	p0 =	seq.s32 s5, $0x0;
	s5 =	sld [smem:$0x3F9A]  }
0x2b: {  	s6 =	sld [smem:$0x3F9B]  }
0x2c: {  	s7 =	sld [smem:$0x3F9C]  }
0x2d: {  	s3 =	simm.s32 $0x108;
	s8 =	sld [smem:$0x3F9D]  }
0x2e: {  	s3 =	simm.s32 @!p0 $0x1082;
	s9 =	sld [smem:$0x3F9E]  }
0x2f: {  	lr =	sadd.s32 s0, s3;
	s0 =	sld [smem:$0x3F95]  }
0x30: {  	s3 =	sld [smem:$0x3F98]  }
0x31: {  	[smem:$0x3FA1] =	sst s10  }
0x32: {  	s10 =	sld [smem:$0x3F9F];
	_ =	sdelay $0x3  }
0x33: {  	p0 =	seq.s32 s10, $0x1;
	s10 =	sld [smem:$0x3FA1];
	_ =	sdelay $0x3  }
0x34: {  	[smem:$0x3FA1] =	sst s10  }
0x35: {  	s10 =	sld [smem:$0x3FA0];
	_ =	sdelay $0x3  }
0x36: {  	p1 =	seq.s32 s10, $0x1;
	s10 =	sld [smem:$0x3FA1];
	_ =	sdelay $0x3  }
0x37: {  	[smem:$0x3FA1] =	sst s10  }
0x38: {  	s10 =	sld [smem:$0x3FA2]  }
0x39: {  	_ = 	snop;
	(pc) =	sbr.ind lr, $3  }
0x3a: {  	_ = 	snop  }
0x3b: {  	_ = 	snop  }
0x3c: {  	p2 =	seq.s32 s10, $0x1;
	s10 =	sld [smem:$0x3FA1]  }
0x3d: {  	_ =	shalt  }
0x3e: {  	_ =	shalt  }
0x3f: {  	_ =	shalt  }
0x40: {  	_ =	shalt  }
0x41: {  	_ =	shalt  }
0x42: {  	_ =	shalt  }
0x43: {  	_ =	shalt  }
0x44: {  	_ =	shalt  }
0x45: {  	_ =	shalt  }
0x46: {  	_ =	shalt  }
0x47: {  	_ =	shalt  }
0x48: {  	_ =	shalt  }
0x49: {  	_ =	shalt  }
0x4a: {  	_ =	shalt  }
0x4b: {  	_ =	shalt  }
0x4c: {  	_ =	shalt  }
0x4d: {  	_ =	shalt  }
0x4e: {  	_ =	shalt  }
0x4f: {  	_ =	shalt  }
0x50: {  	_ =	shalt  }
0x51: {  	_ =	shalt  }
0x52: {  	_ =	shalt  }
0x53: {  	_ =	shalt  }
0x54: {  	_ =	shalt  }
0x55: {  	_ =	shalt  }
0x56: {  	_ =	shalt  }
0x57: {  	_ =	shalt  }
0x58: {  	_ =	shalt  }
0x59: {  	_ =	shalt  }
0x5a: {  	_ =	shalt  }
0x5b: {  	_ =	shalt  }
0x5c: {  	_ =	shalt  }
0x5d: {  	_ =	shalt  }
0x5e: {  	_ =	shalt  }
0x5f: {  	_ =	shalt  }
0x60: {  	_ =	shalt  }
0x61: {  	_ =	shalt  }
0x62: {  	_ =	shalt  }
0x63: {  	_ =	shalt  }
0x64: {  	_ =	shalt  }
0x65: {  	_ =	shalt  }
0x66: {  	_ =	shalt  }
0x67: {  	_ =	shalt  }
0x68: {  	_ =	shalt  }
0x69: {  	_ =	shalt  }
0x6a: {  	_ =	shalt  }
0x6b: {  	_ =	shalt  }
0x6c: {  	_ =	shalt  }
0x6d: {  	_ =	shalt  }
0x6e: {  	_ =	shalt  }
0x6f: {  	_ =	shalt  }
0x70: {  	_ =	shalt  }
0x71: {  	_ =	shalt  }
0x72: {  	_ =	shalt  }
0x73: {  	_ =	shalt  }
0x74: {  	_ =	shalt  }
0x75: {  	_ =	shalt  }
0x76: {  	_ =	shalt  }
0x77: {  	_ =	shalt  }
0x78: {  	_ =	shalt  }
0x79: {  	_ =	shalt  }
0x7a: {  	_ =	shalt  }
0x7b: {  	_ =	shalt  }
0x7c: {  	_ =	shalt  }
0x7d: {  	_ =	shalt  }
0x7e: {  	_ =	shalt  }
0x7f: {  	_ =	shalt  }
0x80: {  	_ =	shalt  }
0x81: {  	_ =	shalt  }
0x82: {  	_ =	shalt  }
0x83: {  	_ =	shalt  }
0x84: {  	_ =	shalt  }
0x85: {  	_ =	shalt  }
0x86: {  	_ =	shalt  }
0x87: {  	_ =	shalt  }
.Lfunc_end0:
.L_simem_size_0:
called_computation_lowered:
.L_overlay_start_0:
0x88: {  	s2 =	sld [smem:$0x3FD9]  }
0x89: {  	s3 =	sld [smem:$0x3FFE];
	_ =	sdelay $0x1  }
0x8a: {  	s1 =	srdreg.scid  }
0x8b: {  	s0 =	sand.u32 $0x1, s1  }
0x8c: {  	s14 =	sshll.u32 s0, $0xA;
	s2 =	sadd.s32 s3, s2  }
0x8d: {  	s2 =	sadd.s32 s2, s14  }
0x8e: {  	[smem:$0x3FAD] =	sst s2  }
0x8f: {  	_ = 	snop  }
0x90: {  	s2 =	sld [smem:$0x3FD0];
	_ =	sdelay $0x2  }
0x91: {  	s15 =	simm.s32 $0xA;
	s4 =	simm.s32 $0x10  }
0x92: {  	[smem:s4], [sflag:s15] =	dma.local [hbm:s2], $0x1  }
0x93: {  	_ =	swait.eq [sflag:s15], $0x1  }
0x94: {  	[sflag:s15] =	ssyncset.done $0x0  }
0x95: {  	s16 =	sld [smem:$0x10];
	[sflag:s15] =	ssyncadd.s32 $0xFFFFFFFF  }
0x96: {  	s17 =	sld [smem:$0x11];
	(tm) =	ssettm $0x1  }
0x97: {  	s18 =	sld [smem:$0x3FFB];
	_ =	sdelay $0x3  }
0x98: {  	_ =	strace s18  }
0x99: {  	s4 =	sld [smem:$0x3FFC];
	_ =	sdelay $0x3  }
0x9a: {  	_ =	strace s4  }
0x9b: {  	s4 =	sld [smem:$0x3FFD];
	_ =	sdelay $0x3  }
0x9c: {  	_ =	strace s4  }
0x9d: {  	_ =	strace $0x8FFFFFFF  }
0x9e: {  	s19 =	sld [smem:$0x3FDB];
	_ =	sdelay $0x1  }
0x9f: {  	s5 =	simm.s32 $_scs_section_size  }
0xa0: {  	s6 =	simm.s32 $_size__tile_overlayer_lowered;
	s7 =	simm.s32 $_tile_overlayer_lowered  }
0xa1: {  	s22 =	simm.s32 $0x1BFF;
	s21 =	sshll.u32 s7, $0x1;
	s4 =	sadd.s32 s5, s19  }
0xa2: {  	s8 =	simm.s32 $0x0;
	s20 =	sshll.u32 s6, $0x1;
	s6 =	sadd.s32 s21, s4  }
0xa3: {  	[timem:s8], [sflag:s22] =	dma.local [hbm:s6], s20  }
0xa4: {  	_ =	swait.ge [sflag:s22], s20  }
0xa5: {  	s5 =	ssub.s32 $0x0, s20;
	[sflag:s22] =	ssyncset.done $0x0  }
0xa6: {  	[sflag:s22] =	ssyncadd.s32 s5;
	_ =	sdelay $0x1  }
0xa7: {  	s23 =	simm.s32 $0x1B8B  }
0xa8: {  	_ =	swait.ge [sflag:s23], $0x1  }
0xa9: {  	[sflag:s23] =	ssyncset.done $0x0  }
0xaa: {  	s25 =	simm.s32 $0x1B8E;
	s24 =	sld [smem:$0x3FFE];
	[sflag:s23] =	ssyncadd.s32 $0xFFFFFFFF  }
0xab: {  	s26 =	simm.s32 $execute0_lowered;
	[smem:$0x3FD2] =	sst s25  }
0xac: {  	s6 =	sshll.u32 s26, $0x1;
	_ =	strace $0x80000046;
	[dreg:$0x1] =	wrdreg $0xFFFFFFFF  }
0xad: {  	s28 =	simm.s32 $_size_execute0_lowered;
	s4 =	sadd.s32 s4, s6;
	[dreg:$0x0] =	wrdreg $0x0  }
0xae: {  	s6 =	sshll.u32 s28, $0x1;
	[dreg:$0x2] =	wrdreg s4  }
0xaf: {  	[dreg:$0x3] =	wrdreg s6  }
0xb0: {  	[dreg:$0x4] =	wrdreg $0xC0  }
0xb1: {  	_ =	task [dreg:s8], $0x5FFFF  }
0xb2: {  	[dreg:$0x1] =	wrdreg $0xFFFFFFFF  }
0xb3: {  	[dreg:$0x0] =	wrdreg $0x60  }
0xb4: {  	[dreg:$0x2] =	wrdreg s24  }
0xb5: {  	[dreg:$0x3] =	wrdreg s16  }
0xb6: {  	[dreg:$0x4] =	wrdreg s17  }
0xb7: {  	[dreg:$0x5] =	wrdreg $0xA3800  }
0xb8: {  	[dreg:$0x6] =	wrdreg $0x9  }
0xb9: {  	_ =	task.clear_ibuf [dreg:s8], $0x7FFFF;
	_ =	strace $0x90000046  }
0xba: {  	s29 =	simm.s32 $0x9;
	_ =	strace $0x80000048  }
0xbb: {  	_ =	swait.ge [sflag:s29], $0x1  }
0xbc: {  	[sflag:s29] =	ssyncadd.s32 $0xFFFFFFFF  }
0xbd: {  	_ =	strace $0x90000048  }
0xbe: {  	_ =	sfence  }
0xbf: {  	s30 =	sld [smem:$0x0];
	_ =	sdelay $0x2  }
0xc0: {  	s31 =	sshll.u32 s1, $0xD;
	s1 =	sshrl.u32 s1, $0x2  }
0xc1: {  	s3 =	sand.u32 $0x4000, s31;
	s1 =	sadd.s32 s1, s30  }
0xc2: {  	s0 =	sor.u32 s3, s0;
	s1 =	sshll.u32 s1, $0x11  }
0xc3: {  	s0 =	sor.u32 s1, s0  }
0xc4: {  	s0 =	sadd.s32 $0x8F2B, s0  }
0xc5: {  	[sflag:s0] =	ssyncadd.remote.s32 $0x1  }
0xc6: {  	_ =	sfence.sel $0xFFFF  }
0xc7: {  	[dreg:$0x0] =	wrdreg $0xFFFFFFFF;
	(pc) =	sbr.abs _section_cstart, $3  }
0xc8: {  	[dreg:$0x1] =	wrdreg $0xFFFFFFFF  }
0xc9: {  	_ =	task.clear_ibuf [dreg:s8], $0x2FFFF;
	_ =	strace $0x9FFFFFFF  }
0xca: {  	(tm) =	ssettm $0x7FFFFFFF  }
0xcb: {  	_ =	shalt  }
tec
execute0_lowered:
.L_overlay_start_1:
0x0: {  	(tag) =	ssettag $0x1  }
0x1: {  	s0 =	rddreg [dreg:$0x0]  }
0x2: {  	s1 =	rddreg [dreg:$0x1]  }
0x3: {  	s2 =	rddreg [dreg:$0x2]  }
0x4: {  	s3 =	rddreg [dreg:$0x3];
	s4 =	simm.s32 $0x0  }
0x5: {  	s8 =	srdreg.scid;
	s21 =	stileid.u32;
	s28 =	simm.s32 $0x2B80  }
0x6: {  	s29 =	simm.s32 $0x5380;
	s30 =	simm.s32 $0x300;
	s31 =	simm.s32 $0x380  }
0x7: {  	v0 =	vimm.s32 $0xEFCDAB89;
	[smem:$0x7FF] =	sst s4;
	s5 =	sadd.s32 $0x53000, s0;
	s6 =	sadd.s32 $0x4E00, s0  }
0x8: {  	v1 =	vimm.s32 $0x67452301;
	v3 =	vimm.s32 $0xDCFE98BA;
	s7 =	sadd.s32 $0xA6200, s0;
	s9 =	sadd.s32 $0xA1200, s0;
	s8 =	sand.u32 $0x1, s8  }
0x9: {  	v4 =	vimm.s32 $0x54761032;
	s12 =	sadd.s32 $0xAB200, s0;
	s13 =	smul.u32 $0x4E000, s21;
	s15 =	sadd.s32 $0xA96400, s0  }
0xa: {  	vm0 =	vcmask $0x1F1C;
	s10 =	sadd.s32 $0xD2400, s0;
	s11 =	sadd.s32 $0x5B4400, s0;
	s17 =	smul.u32 $0x270, s21  }
0xb: {  	vm1 =	vcmask $0xF0C;
	vm2 =	vcmask $0x1F18;
	v5 =	vimm.s32 $0xFEDCBA98;
	s24 =	smul.u32 $0x2700, s21;
	s18 =	sshll.u32 s21, $0x6;
	s19 =	sshll.u32 s21, $0x3  }
0xc: {  	vm3 =	vcmask $0xF08;
	v6 =	vimm.s32 $0x76543210;
	v0 =	vunpack.c.l.s4.s8 v0;
	p0 =	sgt.u32 s21, $0x1;
	_ =	strace $0x80000047;
	s14 =	smul.u32 $0x2710, s8  }
0xd: {  	v1 =	vunpack.c.l.s4.s8 v1;
	v3 =	vunpack.c.l.s4.s8 v3;
	v4 =	vunpack.c.l.s4.s8 v4;
	s23 =	ssub.s32 $0x2, s8;
	s22 =	sor.u32 $0x1C05, s18;
	s25 =	sor.u32 $0x2700, s19  }
0xe: {  	vm0 =	vmor vm1, vm0;
	vm1 =	vcmask $0x2F2C;
	v5 =	vunpack.c.l.s4.s8 v5;
	s8 =	smul.u32 $0x27100, s8;
	s16 =	sshrl.u32 s23, $0x1;
	s13 =	sshrl.u32 s13, $0x2  }
0xf: {  	vm0 =	vmor vm0, vm1;
	vm1 =	vmor vm3, vm2;
	vm2 =	vcmask $0x2F28;
	s26 =	sshll.u32 s25, $0x7;
	s19 =	sshll.u32 s25, $0x4;
	[dreg:$0x7] =	wrdreg s22  }
0x10: {  	vm3 =	vcmask $0x3F3C;
	v2 =	vunpack.c.0.s8.s32 v0;
	v1 =	vunpack.c.0.s8.s32 v1;
	s0 =	ssub.s32 s23, s16;
	s13 =	sadd.s32 s13, s3;
	s16 =	sadd.s32 s12, s24  }
0x11: {  	vm1 =	vmor vm1, vm2;
	vm2 =	vcmask $0x3F38;
	v0 =	vmov s14;
	s18 =	sadd.s32 s26, s3;
	s12 =	sadd.s32 s12, s19;
	[dreg:$0x5] =	wrdreg s13  }
0x12: {  	s23 =	sadd.s32 s17, s14;
	s14 =	sadd.s32 s14, s25;
	v2 =	vcombine.low v1, v2;
	v1 =	vunpack.c.0.s8.s32 v3;
	v3 =	vunpack.c.0.s8.s32 v4;
	[dreg:$0x6] =	wrdreg s16  }
0x13: {  	vm0 =	vmor vm0, vm3;
	vm3 =	vcmask $0x300;
	vm1 =	vmor vm1, vm2;
	s17 =	simm.s32 $0x0;
	s13 =	smul.u32 $0x2710, s21;
	[dreg:$0x8] =	wrdreg s18  }
0x14: {  	[dreg:$0x9] =	wrdreg s12;
	s12 =	sshll.u32 s23, $0x4;
	s14 =	sshll.u32 s14, $0x4;
	v4 =	vimm.s32 $0x32107654;
	v3 =	vcombine.low v3, v1;
	v1 =	vimm.s32 $0xBA98FEDC  }
0x15: {  	vm2 =	vcmask $0x1310;
	s0 =	smax.u32 s0, $0x1;
	s16 =	simm.s32 $0x5;
	s25 =	sadd.s32 s15, s12;
	v4 =	vunpack.c.l.s4.s8 v4;
	v1 =	vunpack.c.l.s4.s8 v1  }
0x16: {  	v6 =	vunpack.c.l.s4.s8 v6;
	v5 =	vunpack.c.0.s8.s32 v5;
	vm2 =	vmor vm3, vm2;
	s26 =	sadd.s32 s15, s14;
	[dreg:$0xe] =	wrdreg s0;
	s0 =	simm.s32 $0x2  }
0x17: {  	vm3 =	vcmask $0x2320;
	s12 =	simm.s32 $0x1;
	s20 =	sshrl.u32 s13, $0x3;
	[dreg:$0xc] =	wrdreg s25;
	v4 =	vunpack.c.0.s8.s32 v4;
	v1 =	vunpack.c.0.s8.s32 v1  }
0x18: {  	v6 =	vunpack.c.0.s8.s32 v6;
	vm2 =	vmor vm2, vm3;
	vm3 =	vcmask $0x3330;
	[dreg:$0xd] =	wrdreg s26;
	s26 =	simm.s32 $0x50;
	s19 =	sadd.s32 s7, s20  }
0x19: {  	vm2 =	vmor vm2, vm3;
	s25 =	simm.s32 $0x3;
	s24 =	sadd.s32 s9, s20;
	[dreg:$0xa] =	wrdreg s19;
	v1 =	vcombine.low v4, v1;
	v4 =	vand.u32 $0xF, v5  }
0x1a: {  	v2 =	vand.u32 $0xF, v2;
	s20 =	sadd.s32 s13, s8;
	s8 =	simm.s32 $0x7B80;
	[dreg:$0xb] =	wrdreg s24;
	v3 =	vand.u32 $0xF, v3;
	v4 =	vcombine.low v4, v6  }
.LBB2_1:
0x1b: {  	[dreg:$0xf] =	wrdreg s17  }
0x1c: {  	s14 =	rddreg [dreg:$0x5]  }
0x1d: {  	s21 =	rddreg [dreg:$0x6];
	s15 =	sshrl.u32 s14, $0x3  }
0x1e: {  	[dreg:$0x10] =	wrdreg s15  }
0x1f: {  	[spmem:s15], [sflag:s22] =	dma.local [hbm:s21], $0x2700  }
0x20: {  	_ =	swait.ge [sflag:s16], $0x2700  }
0x21: {  	s14 =	rddreg [dreg:$0x8]  }
0x22: {  	[sflag:s16] =	ssyncset.done $0x0;
	s15 =	sshrl.u32 @!p0 s14, $0x3;
	s14 =	rddreg [dreg:$0x9]  }
0x23: {  	[sflag:s16] =	ssyncadd.s32 $0xFFFFD900;
	[dreg:$0x11] =	wrdreg s15  }
0x24: {  	[spmem:s15], [sflag:s22] =	dma.local @!p0 [hbm:s14], $0x80  }
0x25: {  	s14 =	simm.s32 @!p0 $0x5  }
0x26: {  	_ =	swait.ge @!p0 [sflag:s14], $0x80  }
0x27: {  	[sflag:s14] =	ssyncset.done @!p0 $0x0  }
0x28: {  	[sflag:s14] =	ssyncadd.s32 @!p0 $0xFFFFFF80  }
0x29: {  	[bflag:$0x0] =	sbarrier.arrive $0xFFFF  }
0x2a: {  	s22 =	rddreg [dreg:$0xa]  }
0x2b: {  	[tilespmem:s4], [sflag:$0x5] =	stream.linear.gather [hbm4b:s22+s4], $0x50, $0x38;
	[tilespmem:$0x1DC00] =	vst v63  }
0x2c: {  	_ =	swait.ge [sflag:s16], $0x50  }
0x2d: {  	[sflag:s16] =	ssyncset.done $0x0  }
0x2e: {  	s24 =	simm.s32 $0x80;
	s23 =	rddreg [dreg:$0xb];
	[sflag:s16] =	ssyncadd.s32 $0xFFFFFFB0  }
0x2f: {  	[tilespmem:s24], [sflag:$0x5] =	stream.linear.gather [hbm4b:s23+s4], $0x50, $0x38;
	[tilespmem:$0x1DC00] =	vst v63  }
0x30: {  	_ =	swait.ge [sflag:s16], $0x50  }
0x31: {  	[sflag:s16] =	ssyncset.done $0x0  }
0x32: {  	s19 =	simm.s32 $0x0;
	[sflag:s16] =	ssyncadd.s32 $0xFFFFFFB0  }
.LBB2_2:
0x33: {  	s14 =	smul.u32 $0xAB, s19;
	_ =	sdelay $0x1  }
0x34: {  	s15 =	smov.u32 s19;
	s19 =	sadd.s32 $0x1, s19;
	s17 =	sadd.s32 $0xAB, s14  }
0x35: {  	s18 =	smin.u32 s19, $0x7C;
	s17 =	sshrl.u32 s17, $0x9  }
0x36: {  	s14 =	sshrl.u32 s14, $0x9;
	s18 =	smul.u32 $0x50, s18;
	s17 =	sand.u32 $0x7F, s17  }
0x37: {  	s14 =	sand.u32 $0x7F, s14;
	s17 =	smul.u32 $0x3, s17  }
0x38: {  	s14 =	smul.u32 $0x3, s14  }
0x39: {  	s18 =	sadd.s32 s13, s18;
	s17 =	ssub.s32 s19, s17  }
0x3a: {  	s18 =	sshrl.u32 s18, $0x3;
	s14 =	ssub.s32 s15, s14;
	s17 =	sand.u32 $0xFF, s17  }
0x3b: {  	s21 =	sadd.s32 s7, s18;
	s14 =	sand.u32 $0xFF, s14;
	s17 =	sshll.u32 s17, $0x8  }
0x3c: {  	[tilespmem:s17], [sflag:$0x1] =	stream.linear.gather [hbm4b:s21+s4], $0x50, $0x38;
	[tilespmem:$0x1DC00] =	vst v63  }
0x3d: {  	s18 =	sadd.s32 s9, s18;
	s17 =	sor.u32 $0x80, s17;
	s21 =	sshll.u32 s14, $0x8  }
0x3e: {  	[tilespmem:s17], [sflag:$0x1] =	stream.linear.gather [hbm4b:s18+s4], $0x50, $0x38;
	[tilespmem:$0x1DC00] =	vst v63  }
0x3f: {  	v5 =	vld [tilespmem:s21+$0x0];
	_ =	sdelay $0x4  }
0x40: {  	v5 =	vadd.s32 v0, v5  }
0x41: {  	[tilespmem:$0x300] =	vst v5  }
0x42: {  	v5 =	vld [tilespmem:s21+$0x80]  }
0x43: {  	v6 =	vld [tilespmem:s21+$0x10];
	_ =	sdelay $0x3  }
0x44: {  	v5 =	vadd.s32 v0, v5  }
0x45: {  	[tilespmem:s21+$0x80] =	vst v5;
	v5 =	vadd.s32 v0, v6  }
0x46: {  	[tilespmem:$0x310] =	vst v5  }
0x47: {  	v5 =	vld [tilespmem:s21+$0x90]  }
0x48: {  	v6 =	vld [tilespmem:s21+$0x20];
	_ =	sdelay $0x3  }
0x49: {  	v5 =	vadd.s32 v0, v5  }
0x4a: {  	[tilespmem:s21+$0x90] =	vst v5;
	v5 =	vadd.s32 v0, v6  }
0x4b: {  	[tilespmem:$0x320] =	vst v5  }
0x4c: {  	v5 =	vld [tilespmem:s21+$0xA0]  }
0x4d: {  	v6 =	vld [tilespmem:s21+$0x30];
	_ =	sdelay $0x3  }
0x4e: {  	v5 =	vadd.s32 v0, v5  }
0x4f: {  	[tilespmem:s21+$0xA0] =	vst v5;
	v5 =	vadd.s32 v0, v6  }
0x50: {  	[tilespmem:$0x330] =	vst v5  }
0x51: {  	v5 =	vld [tilespmem:s21+$0xB0]  }
0x52: {  	v6 =	vld [tilespmem:s21+$0x40];
	_ =	sdelay $0x3  }
0x53: {  	v5 =	vadd.s32 v0, v5  }
0x54: {  	[tilespmem:s21+$0xB0] =	vst v5;
	v5 =	vadd.s32 v0, v6  }
0x55: {  	[tilespmem:$0x340] =	vst v5  }
0x56: {  	v5 =	vld [tilespmem:s21+$0xC0];
	_ =	sdelay $0x2  }
0x57: {  	s24 =	smul.u32 $0x50, s15;
	_ =	sdelay $0x1  }
0x58: {  	s17 =	sadd.s32 s24, s20;
	v5 =	vadd.s32 v0, v5  }
0x59: {  	p1 =	seq.s32 s15, $0x0;
	s14 =	sor.u32 $0x80, s21;
	s22 =	sshll.u32 s17, $0x4;
	[tilespmem:s21+$0xC0] =	vst v5  }
0x5a: {  	[tilespmem:s28], [sflag:$0x2] =	stream.indirect.gather [hbm4b:s6+s26], $0x80, s14, s26, $0xb8;
	[tilespmem:$0x1DC00] =	vst v63  }
0x5b: {  	s15 =	simm.s32 @!p1 $0x4;
	s17 =	sadd.s32 s2, s22  }
0x5c: {  	[tilespmem:s29], [sflag:$0x2] =	stream.linear.gather [hbm4b:s17+s4], $0x2800, $0x38;
	[tilespmem:$0x1DC00] =	vst v63  }
0x5d: {  	_ =	swait.ge @!p1 [sflag:s15], $0x2800  }
0x5e: {  	[sflag:s15] =	ssyncset.done @!p1 $0x0  }
0x5f: {  	[sflag:s15] =	ssyncadd.s32 @!p1 $0xFFFFD800  }
0x60: {  	[tilespmem:s31], [sflag:$0x2] =	stream.indirect.gather [hbm4b:s5+s26], $0x80, s30, s26, $0xb8;
	[tilespmem:$0x1DC00] =	vst v63  }
0x61: {  	_ =	swait.ge [sflag:s0], $0x2800  }
0x62: {  	[sflag:s0] =	ssyncset.done $0x0  }
0x63: {  	[sflag:s0] =	ssyncadd.s32 $0xFFFFD800  }
0x64: {  	_ =	swait.ge [sflag:s0], $0x2800  }
0x65: {  	[sflag:s0] =	ssyncset.done $0x0  }
0x66: {  	[sflag:s0] =	ssyncadd.s32 $0xFFFFD800  }
0x67: {  	_ =	swait.ge [sflag:s0], $0x2800  }
0x68: {  	[sflag:s0] =	ssyncset.done $0x0  }
0x69: {  	s15 =	simm.s32 $0x0;
	[sflag:s0] =	ssyncadd.s32 $0xFFFFD800  }
0x6a: {  	v17 =	vld [tilespmem:s15+$0x380]  }
0x6b: {  	v22 =	vld [tilespmem:s15+$0x2B80]  }
0x6c: {  	v24 =	vld [tilespmem:s15+$0x390]  }
0x6d: {  	v25 =	vld [tilespmem:s15+$0x2B90]  }
0x6e: {  	v10 =	vld [tilespmem:s15+$0x3A0]  }
0x6f: {  	v15 =	vld [tilespmem:s15+$0x2BA0]  }
0x70: {  	v13 =	vld [tilespmem:s15+$0x3B0]  }
0x71: {  	v16 =	vld [tilespmem:s15+$0x2BB0]  }
0x72: {  	v12 =	vld [tilespmem:s15+$0x3C0]  }
0x73: {  	v14 =	vld [tilespmem:s15+$0x2BC0]  }
0x74: {  	v8 =	vld [tilespmem:s15+$0x3D0]  }
0x75: {  	v11 =	vld [tilespmem:s15+$0x2BD0]  }
0x76: {  	v6 =	vld [tilespmem:s15+$0x3E0]  }
0x77: {  	v9 =	vld [tilespmem:s15+$0x2BE0]  }
0x78: {  	v5 =	vld [tilespmem:s15+$0x3F0]  }
0x79: {  	v7 =	vld [tilespmem:s15+$0x2BF0]  }
0x7a: {  	v21 =	vld [tilespmem:s15+$0x5380]  }
0x7b: {  	v20 =	vld [tilespmem:s15+$0x5390]  }
0x7c: {  	v19 =	vld [tilespmem:s15+$0x53A0]  }
0x7d: {  	v18 =	vld [tilespmem:s15+$0x53B0];
	v23 =	vmul.f32 v22, v17  }
0x7e: {  	s17 =	simm.s32 $0x200;
	v22 =	vmul.f32 v25, v24;
	v17 =	vld [tilespmem:s15+$0x53C0]  }
.LBB2_3:
0x7f: {  	p1 =	sne.s32 s17, $0x9E00;
	v21 =	vmul.f32 v21, v23;
	v10 =	vmul.f32 v15, v10;
	v15 =	vld [tilespmem:s15+$0x53D0]  }
0x80: {  	v13 =	vmul.f32 v16, v13;
	v20 =	vmul.f32 v20, v22;
	v16 =	vld [tilespmem:s15+$0x53E0]  }
0x81: {  	s18 =	sshra.s32 s17, $0x2;
	v12 =	vmul.f32 v14, v12;
	[tilespmem:s15+$0x5380] =	vst v21;
	v10 =	vmul.f32 v19, v10;
	v14 =	vld [tilespmem:s15+$0x53F0]  }
0x82: {  	v8 =	vmul.f32 v11, v8;
	v22 =	vld [tilespmem:s18+$0x380];
	[tilespmem:s15+$0x5390] =	vst v20;
	v13 =	vmul.f32 v18, v13  }
0x83: {  	v6 =	vmul.f32 v9, v6;
	v18 =	vld [tilespmem:s18+$0x2B80];
	[tilespmem:s15+$0x53A0] =	vst v10;
	v10 =	vmul.f32 v17, v12  }
0x84: {  	v5 =	vmul.f32 v7, v5;
	v17 =	vld [tilespmem:s18+$0x390];
	[tilespmem:s15+$0x53B0] =	vst v13;
	v8 =	vmul.f32 v15, v8  }
0x85: {  	v24 =	vld [tilespmem:s18+$0x2B90];
	[tilespmem:s15+$0x53C0] =	vst v10;
	v6 =	vmul.f32 v16, v6  }
0x86: {  	v10 =	vld [tilespmem:s18+$0x3A0];
	[tilespmem:s15+$0x53D0] =	vst v8;
	v5 =	vmul.f32 v14, v5  }
0x87: {  	v15 =	vld [tilespmem:s18+$0x2BA0];
	[tilespmem:s15+$0x53E0] =	vst v6  }
0x88: {  	v13 =	vld [tilespmem:s18+$0x3B0];
	[tilespmem:s15+$0x53F0] =	vst v5;
	s15 =	smov.u32 s18  }
0x89: {  	v16 =	vld [tilespmem:s15+$0x2BB0]  }
0x8a: {  	v12 =	vld [tilespmem:s15+$0x3C0]  }
0x8b: {  	v14 =	vld [tilespmem:s15+$0x2BC0]  }
0x8c: {  	v8 =	vld [tilespmem:s15+$0x3D0]  }
0x8d: {  	v11 =	vld [tilespmem:s15+$0x2BD0]  }
0x8e: {  	v6 =	vld [tilespmem:s15+$0x3E0]  }
0x8f: {  	v9 =	vld [tilespmem:s15+$0x2BE0]  }
0x90: {  	v5 =	vld [tilespmem:s15+$0x3F0]  }
0x91: {  	v7 =	vld [tilespmem:s15+$0x2BF0]  }
.Ltmp0:
0x92: {  	v21 =	vld [tilespmem:s15+$0x5380];
	(pc) =	sbr.rel @p1 .LBB2_3-.Ltmp0, $4  }
0x93: {  	v20 =	vld [tilespmem:s15+$0x5390]  }
0x94: {  	v19 =	vld [tilespmem:s15+$0x53A0]  }
0x95: {  	v23 =	vmul.f32 v18, v22;
	v18 =	vld [tilespmem:s15+$0x53B0]  }
0x96: {  	s17 =	sadd.s32 $0x200, s17;
	v22 =	vmul.f32 v24, v17;
	v17 =	vld [tilespmem:s15+$0x53C0]  }
0x97: {  	v21 =	vmul.f32 v21, v23;
	v23 =	vld [tilespmem:s15+$0x53D0];
	v10 =	vmul.f32 v15, v10  }
0x98: {  	v15 =	vld [tilespmem:s15+$0x53E0];
	v13 =	vmul.f32 v16, v13;
	v20 =	vmul.f32 v20, v22  }
0x99: {  	v12 =	vmul.f32 v14, v12;
	v14 =	vld [tilespmem:s15+$0x53F0];
	[tilespmem:s15+$0x5380] =	vst v21;
	v10 =	vmul.f32 v19, v10  }
0x9a: {  	v8 =	vmul.f32 v11, v8;
	[tilespmem:s15+$0x5390] =	vst v20;
	v13 =	vmul.f32 v18, v13  }
0x9b: {  	v6 =	vmul.f32 v9, v6;
	[tilespmem:s15+$0x53A0] =	vst v10;
	v10 =	vmul.f32 v17, v12  }
0x9c: {  	v5 =	vmul.f32 v7, v5;
	[tilespmem:s15+$0x53B0] =	vst v13;
	v8 =	vmul.f32 v23, v8  }
0x9d: {  	v6 =	vmul.f32 v15, v6;
	[tilespmem:s15+$0x53C0] =	vst v10  }
0x9e: {  	v5 =	vmul.f32 v14, v5;
	[tilespmem:s15+$0x53D0] =	vst v8  }
0x9f: {  	[tilespmem:s15+$0x53E0] =	vst v6  }
0xa0: {  	[tilespmem:s15+$0x53F0] =	vst v5  }
0xa1: {  	[tilespmem:s31], [sflag:$0x2] =	stream.indirect.gather [hbm4b:s1+s26], $0x80, s14, s26, $0xb8;
	[tilespmem:$0x1DC00] =	vst v63  }
0xa2: {  	s23 =	sadd.s32 s10, s22;
	s24 =	simm.s32 $0x0  }
0xa3: {  	[hbm4b:s23+s24] =	stream.linear.scatter [tilespmem:s29], [sflag:$0x3], $0x2800, $0x38;
	[tilespmem:$0x1DC00] =	vst v63  }
0xa4: {  	s23 =	simm.s32 $0x0  }
0xa5: {  	v5 =	vld [tilespmem:s23+$0x5380]  }
0xa6: {  	v6 =	vld [tilespmem:s23+$0x53B0]  }
0xa7: {  	v7 =	vld [tilespmem:s23+$0x53F0]  }
0xa8: {  	v8 =	vld [tilespmem:s23+$0x53E0]  }
0xa9: {  	v9 =	vld [tilespmem:s23+$0x5390]  }
0xaa: {  	v10 =	vld [tilespmem:s23+$0x53D0]  }
0xab: {  	v11 =	vld [tilespmem:s23+$0x53C0]  }
0xac: {  	s14 =	simm.s32 $0x80;
	v12 =	vld [tilespmem:s23+$0x53A0]  }
0xad: {  	v13 =	vld [tilespmem:s14+$0x53B0]  }
0xae: {  	v15 =	vld [tilespmem:s14+$0x53F0]  }
0xaf: {  	v19 =	vld [tilespmem:s14+$0x53D0];
	v7 =	vadd.f32 v7, v8  }
0xb0: {  	v5 =	vadd.f32 v9, v5;
	v10 =	vadd.f32 v10, v11;
	v11 =	vld [tilespmem:s14+$0x53E0]  }
0xb1: {  	s17 =	simm.s32 $0x100;
	v9 =	vld [tilespmem:s14+$0x53A0];
	v6 =	vadd.f32 v6, v12;
	v14 =	vperm.xlane v7, v2  }
0xb2: {  	v20 =	vld [tilespmem:s17+$0x53A0];
	v12 =	vperm.xlane v5, v2;
	v16 =	vperm.xlane v10, v2  }
0xb3: {  	v8 =	vld [tilespmem:s14+$0x5380];
	v17 =	vperm.xlane v6, v2;
	v7 =	vadd.f32 v14, v7  }
0xb4: {  	v14 =	vld [tilespmem:s14+$0x5390];
	v5 =	vadd.f32 v12, v5;
	v10 =	vadd.f32 v16, v10  }
0xb5: {  	v12 =	vld [tilespmem:s14+$0x53C0];
	v6 =	vadd.f32 v17, v6;
	v11 =	vadd.f32 v15, v11;
	v18 =	vperm.xlane v7, v3  }
0xb6: {  	v9 =	vadd.f32 v13, v9;
	v13 =	vld [tilespmem:s17+$0x53B0];
	v16 =	vperm.xlane v5, v3;
	v15 =	vperm.xlane v10, v3  }
0xb7: {  	v7 =	vadd.f32 v18, v7  }
0xb8: {  	v18 =	vperm.xlane v6, v3;
	v5 =	vadd.f32 v16, v5;
	v10 =	vadd.f32 v15, v10  }
0xb9: {  	v17 =	vld [tilespmem:s17+$0x5380];
	v15 =	vperm.xlane v9, v2;
	v8 =	vadd.f32 v14, v8;
	v14 =	vperm.xlane v11, v2  }
0xba: {  	v16 =	vld [tilespmem:s17+$0x53F0];
	v12 =	vadd.f32 v19, v12;
	v6 =	vadd.f32 v18, v6;
	v7 =	vsel vm0, v7, v10  }
0xbb: {  	v18 =	vld [tilespmem:s17+$0x53E0];
	v9 =	vadd.f32 v15, v9;
	v13 =	vadd.f32 v13, v20;
	v19 =	vperm.xlane v8, v2  }
0xbc: {  	v10 =	vld [tilespmem:s17+$0x5390];
	v11 =	vadd.f32 v14, v11;
	v14 =	vperm.xlane v12, v2;
	v6 =	vsel vm1, v7, v6  }
0xbd: {  	v15 =	vperm.xlane v9, v3;
	v5 =	vsel vm2, v5, v6;
	v6 =	vld [tilespmem:s17+$0x53D0]  }
0xbe: {  	v20 =	vperm.xlane v13, v2;
	v7 =	vadd.f32 v19, v8;
	v12 =	vadd.f32 v14, v12;
	v19 =	vld [tilespmem:s17+$0x53C0]  }
0xbf: {  	s18 =	simm.s32 $0x180;
	v8 =	vperm.xlane v11, v3;
	v14 =	vperm.xlane v5, v1;
	v9 =	vadd.f32 v15, v9  }
0xc0: {  	v22 =	vld [tilespmem:s18+$0x53A0];
	v13 =	vadd.f32 v20, v13;
	v16 =	vadd.f32 v16, v18;
	v18 =	vperm.xlane v12, v3  }
0xc1: {  	v15 =	vld [tilespmem:s18+$0x53F0];
	v8 =	vadd.f32 v8, v11;
	v11 =	vperm.xlane v7, v3;
	v10 =	vadd.f32 v10, v17  }
0xc2: {  	v5 =	vadd.f32 v5, v14;
	v14 =	vld [tilespmem:s18+$0x5380];
	v17 =	vperm.xlane v16, v2;
	v12 =	vadd.f32 v18, v12  }
0xc3: {  	v20 =	vperm.xlane v13, v3;
	v7 =	vadd.f32 v11, v7;
	v11 =	vld [tilespmem:s18+$0x53B0];
	v6 =	vadd.f32 v6, v19  }
0xc4: {  	v18 =	vperm.xlane v5, v4;
	v16 =	vadd.f32 v17, v16;
	v17 =	vld [tilespmem:s18+$0x53E0];
	v8 =	vsel vm0, v8, v12  }
0xc5: {  	v21 =	vperm.xlane v10, v2;
	v12 =	vld [tilespmem:s18+$0x5390];
	v19 =	vperm.xlane v6, v2;
	v8 =	vsel vm1, v8, v9  }
0xc6: {  	v5 =	vadd.f32 v5, v18;
	v9 =	vperm.xlane v16, v3;
	v7 =	vsel vm2, v7, v8  }
0xc7: {  	v10 =	vadd.f32 v21, v10;
	v8 =	vld [tilespmem:s18+$0x53D0];
	v6 =	vadd.f32 v19, v6;
	v18 =	vperm.xlane v7, v1  }
0xc8: {  	v11 =	vadd.f32 v11, v22;
	v21 =	vmul.f32 $1.442695020e+00, v5;
	v9 =	vadd.f32 v9, v16;
	v16 =	vld [tilespmem:s18+$0x53C0]  }
0xc9: {  	s15 =	simm.s32 $0x200;
	v19 =	vperm.xlane v10, v3;
	v15 =	vadd.f32 v15, v17;
	v22 =	vadd.f32 v7, v18  }
0xca: {  	v23 =	vld [tilespmem:s15+$0x53A0];
	v7 =	vperm.xlane v6, v3;
	v14 =	vadd.f32 v12, v14;
	(erf) = vpow2.f32 v21  }
0xcb: {  	v13 =	vadd.f32 v20, v13;
	v5 =	vld [tilespmem:s15+$0x5380];
	v10 =	vadd.f32 v19, v10;
	v12 =	vperm.xlane v15, v2  }
0xcc: {  	v19 =	vld [tilespmem:s15+$0x53B0];
	v18 =	vperm.xlane v11, v2;
	v17 =	vperm.xlane v14, v2;
	v20 =	vadd.f32 v7, v6  }
0xcd: {  	v21 =	vperm.xlane v22, v4;
	v8 =	vadd.f32 v8, v16;
	v16 =	vadd.f32 v12, v15;
	v12 =	vld [tilespmem:s15+$0x53F0]  }
0xce: {  	v6 =	vadd.f32 v18, v11;
	v7 =	vadd.f32 v17, v14;
	v9 =	vsel vm0, v9, v20;
	v17 =	vld [tilespmem:s15+$0x53E0]  }
0xcf: {  	v18 =	vld [tilespmem:s15+$0x5390];
	v9 =	vsel vm1, v9, v13;
	v14 =	vperm.xlane v8, v2;
	v20 =	vperm.xlane v16, v3  }
0xd0: {  	v11 =	vperm.xlane v6, v3;
	v13 =	vadd.f32 v22, v21;
	v10 =	vsel vm2, v10, v9  }
0xd1: {  	v15 =	vld [tilespmem:s15+$0x53D0];
	v9 =	vadd.f32 v14, v8;
	v8 =	vadd.f32 v20, v16;
	v16 =	vperm.xlane v10, v1  }
0xd2: {  	s24 =	simm.s32 $0xA00;
	v13 =	vmul.f32 $1.442695020e+00, v13;
	v14 =	vadd.f32 v19, v23;
	v19 =	vld [tilespmem:s15+$0x53C0];
	v20 =	vperm.xlane v7, v3  }
.LBB2_5:
0xd3: {  	s16 =	sshra.s32 s24, $0x2;
	p1 =	sne.s32 s24, $0x9E00;
	s24 =	sadd.s32 $0x200, s24;
	v17 =	vadd.f32 v12, v17;
	v21 =	vperm.xlane v9, v3;
	v16 =	vadd.f32 v10, v16;
	v10 =	vpop (erf)  }
0xd4: {  	v18 =	vadd.f32 v18, v5;
	v5 =	vld [tilespmem:s16+$0x5380];
	v20 =	vadd.f32 v20, v7;
	(erf) = vpow2.f32 v13;
	[tilespmem:s23+$0x7B80] =	vst v10;
	s23 =	smov.u32 s14;
	s14 =	smov.u32 s17;
	s17 =	smov.u32 s18  }
0xd5: {  	v10 =	vadd.f32 v11, v6;
	s18 =	smov.u32 s15;
	s15 =	smov.u32 s16;
	v13 =	vld [tilespmem:s16+$0x53B0];
	v7 =	vperm.xlane v17, v2;
	v22 =	vperm.xlane v16, v4  }
0xd6: {  	v11 =	vperm.xlane v14, v2;
	v9 =	vadd.f32 v21, v9;
	v12 =	vld [tilespmem:s15+$0x53F0];
	v6 =	vperm.xlane v18, v2  }
0xd7: {  	v21 =	vld [tilespmem:s15+$0x53A0];
	v19 =	vadd.f32 v15, v19;
	v23 =	vadd.f32 v7, v17  }
.Ltmp1:
0xd8: {  	v8 =	vsel vm0, v8, v9;
	v17 =	vld [tilespmem:s15+$0x53E0];
	v7 =	vadd.f32 v6, v18;
	v6 =	vadd.f32 v11, v14;
	(pc) =	sbr.rel @p1 .LBB2_5-.Ltmp1, $4  }
0xd9: {  	v8 =	vsel vm1, v8, v10;
	v18 =	vld [tilespmem:s15+$0x5390];
	v9 =	vperm.xlane v19, v2;
	v14 =	vperm.xlane v23, v3  }
0xda: {  	v22 =	vadd.f32 v16, v22;
	v10 =	vsel vm2, v20, v8;
	v11 =	vperm.xlane v6, v3  }
0xdb: {  	v16 =	vperm.xlane v10, v1;
	v15 =	vld [tilespmem:s15+$0x53D0];
	v9 =	vadd.f32 v9, v19;
	v8 =	vadd.f32 v14, v23  }
0xdc: {  	v20 =	vperm.xlane v7, v3;
	v14 =	vadd.f32 v13, v21;
	v19 =	vld [tilespmem:s15+$0x53C0];
	v13 =	vmul.f32 $1.442695020e+00, v22  }
0xdd: {  	_ =	sdelay $0x3  }
0xde: {  	v12 =	vadd.f32 v12, v17;
	v15 =	vadd.f32 v15, v19;
	_ =	sdelay $0x1  }
0xdf: {  	v5 =	vadd.f32 v18, v5;
	v17 =	vperm.xlane v12, v2;
	v57 =	vperm.xlane v15, v2  }
0xe0: {  	v58 =	vperm.xlane v14, v2  }
0xe1: {  	v59 =	vperm.xlane v5, v2;
	v12 =	vadd.f32 v17, v12;
	v15 =	vadd.f32 v57, v15  }
0xe2: {  	v60 =	vperm.xlane v9, v3;
	v14 =	vadd.f32 v58, v14  }
0xe3: {  	v5 =	vadd.f32 v59, v5;
	v61 =	vperm.xlane v12, v3;
	v62 =	vperm.xlane v15, v3  }
0xe4: {  	v6 =	vadd.f32 v11, v6;
	v9 =	vadd.f32 v60, v9;
	v11 =	vperm.xlane v14, v3  }
0xe5: {  	v63 =	vperm.xlane v5, v3;
	v12 =	vadd.f32 v61, v12;
	v15 =	vadd.f32 v62, v15  }
0xe6: {  	v7 =	vadd.f32 v20, v7;
	v8 =	vsel vm0, v8, v9;
	v9 =	vadd.f32 v11, v14  }
0xe7: {  	v6 =	vsel vm1, v8, v6;
	v5 =	vadd.f32 v63, v5;
	v8 =	vsel vm0, v12, v15  }
0xe8: {  	v6 =	vsel vm2, v7, v6;
	v7 =	vsel vm1, v8, v9  }
0xe9: {  	v8 =	vperm.xlane v6, v1;
	v5 =	vsel vm2, v5, v7  }
0xea: {  	v7 =	vadd.f32 v10, v16;
	v9 =	vperm.xlane v5, v1  }
0xeb: {  	v6 =	vadd.f32 v6, v8  }
0xec: {  	v8 =	vperm.xlane v7, v4;
	v5 =	vadd.f32 v5, v9  }
0xed: {  	v9 =	vperm.xlane v6, v4  }
0xee: {  	v7 =	vadd.f32 v7, v8;
	v8 =	vperm.xlane v5, v4  }
0xef: {  	v6 =	vadd.f32 v6, v9  }
0xf0: {  	v7 =	vmul.f32 $1.442695020e+00, v7;
	v5 =	vadd.f32 v5, v8  }
0xf1: {  	(erf) = vpow2.f32 v13;
	v6 =	vmul.f32 $1.442695020e+00, v6  }
0xf2: {  	(erf) = vpow2.f32 v7;
	v5 =	vmul.f32 $1.442695020e+00, v5  }
0xf3: {  	(erf) = vpow2.f32 v6  }
0xf4: {  	(erf) = vpow2.f32 v5;
	_ =	sdelay $0x4  }
0xf5: {  	v5 =	vpop (erf)  }
0xf6: {  	v6 =	vpop (erf);
	[tilespmem:s23+$0x7B80] =	vst v5  }
0xf7: {  	[tilespmem:s14+$0x7B80] =	vst v6;
	v5 =	vpop (erf)  }
0xf8: {  	v6 =	vpop (erf);
	[tilespmem:s17+$0x7B80] =	vst v5  }
0xf9: {  	[tilespmem:s18+$0x7B80] =	vst v6;
	v5 =	vpop (erf)  }
0xfa: {  	s24 =	simm.s32 $0x0;
	s23 =	sadd.s32 s11, s22;
	[tilespmem:s15+$0x7B80] =	vst v5  }
0xfb: {  	[hbm4b:s23+s24] =	stream.linear.scatter [tilespmem:s8], [sflag:$0x3], $0x2800, $0x38;
	[tilespmem:$0x1DC00] =	vst v63  }
0xfc: {  	_ =	swait.ge [sflag:s0], $0x2800  }
0xfd: {  	[sflag:s0] =	ssyncset.done $0x0  }
0xfe: {  	s14 =	simm.s32 $0x0;
	[sflag:s0] =	ssyncadd.s32 $0xFFFFD800  }
0xff: {  	v5 =	vld [tilespmem:s14+$0x7B80]  }
0x100: {  	v9 =	vld [tilespmem:s14+$0x380]  }
0x101: {  	v13 =	vld [tilespmem:s14+$0x390]  }
0x102: {  	v7 =	vld [tilespmem:s14+$0x3A0]  }
0x103: {  	v8 =	vld [tilespmem:s14+$0x3B0]  }
0x104: {  	v10 =	vld [tilespmem:s14+$0x3C0];
	v15 =	vbroadcast v5, $0x0  }
0x105: {  	v11 =	vld [tilespmem:s14+$0x3D0];
	v6 =	vbroadcast v5, $0x2;
	v12 =	vbroadcast v5, $0x1  }
0x106: {  	s15 =	simm.s32 $0x200;
	v14 =	vmul.f32 v15, v9;
	v13 =	vmul.f32 v13, v15;
	v9 =	vld [tilespmem:s14+$0x3E0]  }
.LBB2_7:
0x107: {  	s16 =	sshra.s32 s15, $0x2;
	p1 =	sne.s32 s15, $0x9E00;
	s15 =	sadd.s32 $0x200, s15;
	v15 =	vld [tilespmem:s14+$0x3F0]  }
0x108: {  	v7 =	vmul.f32 v7, v12;
	v16 =	vld [tilespmem:s16+$0x7B80];
	[tilespmem:s14+$0x380] =	vst v14;
	v8 =	vmul.f32 v8, v12  }
0x109: {  	v14 =	vld [tilespmem:s16+$0x380];
	[tilespmem:s14+$0x390] =	vst v13;
	v10 =	vmul.f32 v10, v6  }
0x10a: {  	v12 =	vbroadcast v5, $0x3;
	v13 =	vld [tilespmem:s16+$0x390];
	[tilespmem:s14+$0x3A0] =	vst v7;
	v11 =	vmul.f32 v11, v6  }
.Ltmp2:
0x10b: {  	v7 =	vld [tilespmem:s16+$0x3A0];
	[tilespmem:s14+$0x3B0] =	vst v8;
	(pc) =	sbr.rel @p1 .LBB2_7-.Ltmp2, $4  }
0x10c: {  	v9 =	vmul.f32 v9, v12;
	v8 =	vld [tilespmem:s16+$0x3B0];
	[tilespmem:s14+$0x3C0] =	vst v10;
	v15 =	vmul.f32 v15, v12  }
0x10d: {  	v17 =	vbroadcast v16, $0x0;
	v6 =	vbroadcast v16, $0x2;
	v10 =	vld [tilespmem:s16+$0x3C0];
	[tilespmem:s14+$0x3D0] =	vst v11;
	v5 =	vmov v16  }
0x10e: {  	v12 =	vbroadcast v5, $0x1;
	v11 =	vld [tilespmem:s16+$0x3D0];
	[tilespmem:s14+$0x3E0] =	vst v9  }
0x10f: {  	v14 =	vmul.f32 v17, v14;
	v13 =	vmul.f32 v13, v17;
	v9 =	vld [tilespmem:s16+$0x3E0];
	[tilespmem:s14+$0x3F0] =	vst v15;
	s14 =	smov.u32 s16  }
0x110: {  	_ = 	snop  }
0x111: {  	v15 =	vld [tilespmem:s14+$0x3F0];
	v7 =	vmul.f32 v7, v12;
	[tilespmem:s14+$0x380] =	vst v14  }
0x112: {  	v8 =	vmul.f32 v8, v12;
	[tilespmem:s14+$0x390] =	vst v13  }
0x113: {  	v5 =	vbroadcast v5, $0x3;
	v10 =	vmul.f32 v10, v6;
	[tilespmem:s14+$0x3A0] =	vst v7  }
0x114: {  	v6 =	vmul.f32 v11, v6;
	[tilespmem:s14+$0x3B0] =	vst v8  }
0x115: {  	[tilespmem:s14+$0x3C0] =	vst v10;
	v7 =	vmul.f32 v9, v5  }
0x116: {  	v5 =	vmul.f32 v15, v5;
	[tilespmem:s14+$0x3D0] =	vst v6  }
0x117: {  	[tilespmem:s14+$0x3E0] =	vst v7  }
0x118: {  	[tilespmem:s14+$0x3F0] =	vst v5  }
0x119: {  	[spmem:s3] =	stream.indirect.scatter.add.f32 [tilespmem:s31], [sflag:$0x4], $0x80, s21, s26, $0xb8;
	[tilespmem:$0x1DC00] =	vst v63  }
0x11a: {  	_ =	swait.ge [sflag:s25], $0x2800  }
0x11b: {  	[sflag:s25] =	ssyncset.done $0x0  }
0x11c: {  	[sflag:s25] =	ssyncadd.s32 $0xFFFFD800  }
0x11d: {  	_ =	swait.ge [sflag:s25], $0x2800  }
0x11e: {  	[sflag:s25] =	ssyncset.done $0x0  }
0x11f: {  	[sflag:s25] =	ssyncadd.s32 $0xFFFFD800  }
0x120: {  	p1 =	sne.s32 s19, $0x7D;
	_ =	swait.ge [sflag:s12], $0x50  }
.Ltmp3:
0x121: {  	[sflag:s12] =	ssyncset.done $0x0;
	(pc) =	sbr.rel @p1 .LBB2_2-.Ltmp3, $4  }
0x122: {  	[sflag:s12] =	ssyncadd.s32 $0xFFFFFFB0  }
0x123: {  	_ =	swait.ge [sflag:s12], $0x50  }
0x124: {  	[sflag:s12] =	ssyncset.done $0x0  }
0x125: {  	[sflag:s12] =	ssyncadd.s32 $0xFFFFFFB0  }
0x126: {  	s14 =	simm.s32 $0x4  }
0x127: {  	_ =	swait.ge [sflag:s14], $0x2800  }
0x128: {  	[sflag:s14] =	ssyncset.done $0x0  }
0x129: {  	[sflag:s14] =	ssyncadd.s32 $0xFFFFD800  }
0x12a: {  	[bflag:$0x0] =	sbarrier.arrive $0xFFFF  }
0x12b: {  	s22 =	rddreg [dreg:$0x7]  }
0x12c: {  	s23 =	rddreg [dreg:$0xc]  }
0x12d: {  	s16 =	simm.s32 $0x5;
	s15 =	rddreg [dreg:$0x10]  }
0x12e: {  	[hbm:s23], [sflag:s22] =	dma.local [spmem:s15], $0x2700  }
0x12f: {  	_ =	swait.ge [sflag:s16], $0x2700  }
0x130: {  	[sflag:s16] =	ssyncset.done $0x0;
	s14 =	rddreg [dreg:$0xd]  }
0x131: {  	s15 =	rddreg [dreg:$0x11];
	[sflag:s16] =	ssyncadd.s32 $0xFFFFD900  }
0x132: {  	[hbm:s14], [sflag:s22] =	dma.local @!p0 [spmem:s15], $0x80  }
0x133: {  	s14 =	simm.s32 @!p0 $0x5  }
0x134: {  	_ =	swait.ge @!p0 [sflag:s14], $0x80  }
0x135: {  	s17 =	rddreg [dreg:$0xf]  }
0x136: {  	s24 =	rddreg [dreg:$0xe];
	s17 =	sadd.s32 $0x1, s17  }
0x137: {  	p1 =	sne.s32 s17, s24  }
.Ltmp4:
0x138: {  	_ = 	snop;
	(pc) =	sbr.rel @p1 .LBB2_1-.Ltmp4, $3  }
0x139: {  	_ =	sdelay $0x1  }
0x13a: {  	[sflag:s14] =	ssyncset.done @!p0 $0x0  }
0x13b: {  	[sflag:s14] =	ssyncadd.s32 @!p0 $0xFFFFFF80  }
0x13c: {  	_ =	sfence.sel $0x180000  }
0x13d: {  	[bflag:$0x0] =	sbarrier.arrive $0xFFFF  }
0x13e: {  	_ =	strace $0x90000047  }
0x13f: {  	s0 =	stileid.u32;
	[bflag:$0x2] =	sbarrier.arrive $0xFFFF  }
0x140: {  	p0 =	sne.s32 s0, $0x0;
	s0 =	rddreg [dreg:$0x4]  }
0x141: {  	s0 =	sadd.s32 @!p0 $0x100000, s0  }
0x142: {  	[sflag:s0] =	ssyncadd.tile.s32 @!p0 $0x1;
	_ =	shalt  }
.Lfunc_end2:
_tile_overlayer_lowered:
.L_overlay_start_2:
0x143: {  	(tag) =	ssettag $0x2  }
0x144: {  	s0 =	rddreg [dreg:$0x0];
	s2 =	stileid.u32  }
0x145: {  	s1 =	rddreg [dreg:$0x1];
	p0 =	sne.s32 s2, $0x0  }
0x146: {  	s3 =	rddreg [dreg:$0x2];
	[bflag:$0x3] =	sbarrier.arrive $0xFFFF;
	s2 =	simm.s32 @!p0 $0x1C05  }
0x147: {  	[timem:s3], [sflag:s2] =	dma.local @!p0 [hbm:s0], s1  }
0x148: {  	s0 =	simm.s32 @!p0 $0x5  }
0x149: {  	_ =	swait.ge @!p0 [sflag:s0], s1  }
0x14a: {  	s1 =	ssub.s32 @!p0 $0x0, s1;
	[sflag:s0] =	ssyncset.done @!p0 $0x0  }
0x14b: {  	[sflag:s0] =	ssyncadd.s32 @!p0 s1  }
0x14c: {  	[bflag:$0x3] =	sbarrier.arrive $0xFFFF  }
0x14d: {  	_ =	shalt  }

// kernel: kernel.15.cloned.1.call-start
scs
__scs_entry_jumppad:
0x0: {  	(pc) =	sbr.rel $0x88, $3  }
0x1: {  	(tag) =	ssettag $0x0;
	lr =	simm.s32 $0x1  }
0x2: {  	[smem:$0x3F86] =	sst lr;
	_ =	strace $0xD0000000  }
0x3: {  	_ = 	snop  }
0x4: {  	_ = 	snop  }
0x5: {  	_ = 	snop  }
0x6: {  	_ = 	snop  }
0x7: {  	_ = 	snop  }
__scs_overlays_trampoline_lowered:
0x8: {  	[smem:$0x3F95] =	sst s0  }
0x9: {  	[smem:$0x3F96] =	sst s1  }
0xa: {  	[smem:$0x3F97] =	sst s2  }
0xb: {  	[smem:$0x3F98] =	sst s3  }
0xc: {  	[smem:$0x3F99] =	sst s4  }
0xd: {  	[smem:$0x3F9A] =	sst s5  }
0xe: {  	[smem:$0x3F9B] =	sst s6  }
0xf: {  	[smem:$0x3F9C] =	sst s7  }
0x10: {  	[smem:$0x3F9D] =	sst s8  }
0x11: {  	[smem:$0x3F9E] =	sst s9;
	s0 =	simm.s32 @!p0 $0x0  }
0x12: {  	s1 =	sld [smem:$0x3F84];
	s0 =	simm.s32 @p0 $0x1  }
0x13: {  	[smem:$0x3F9F] =	sst s0;
	s0 =	simm.s32 @!p1 $0x0  }
0x14: {  	s2 =	sld [smem:$0x3F83];
	s0 =	simm.s32 @p1 $0x1  }
0x15: {  	[smem:$0x3FA0] =	sst s0;
	s0 =	simm.s32 @!p2 $0x0  }
0x16: {  	s3 =	sld [smem:$0x3FDB];
	s0 =	simm.s32 @p2 $0x1  }
0x17: {  	s4 =	simm.s32 $0x1BF5;
	[smem:$0x3FA2] =	sst s0  }
0x18: {  	s0 =	sld [smem:$0x3F85];
	_ =	swait.ge [sflag:s4], $0x0  }
0x19: {  	s7 =	sld [smem:$0x3F86]  }
0x1a: {  	s8 =	sadd.s32 $0xFFFFE003, lr  }
0x1b: {  	s9 =	sadd.s32 $0xFFFFFEF7, lr;
	s5 =	simm.s32 $0xFFFFFFFF;
	p2 =	slt.u32 s8, $0xFFFFF086  }
0x1c: {  	p1 =	slt.u32 s9, $0xF7A;
	s5 =	simm.s32 @!p2 $0x0  }
0x1d: {  	s5 =	simm.s32 @p1 $0x1;
	p0 =	seq.s32 s7, s2  }
0x1e: {  	s7 =	smul.u32 @!p0 $0xF7A, s2;
	p2 =	seq.s32 @!p0 s5, $0x0  }
0x1f: {  	s9 =	smul.u32 $0xF7A, s1;
	s8 =	simm.s32 @!p0 $0x1BF5;
	p2 =	por !p2, p0  }
0x20: {  	[sflag:s8] =	ssyncset.s32 @!p0 $0xFFFFF086;
	s6 =	sadd.s32 @!p0 s3, s7;
	s7 =	simm.s32 @!p0 $0x108  }
0x21: {  	s3 =	sadd.s32 s3, s9;
	s6 =	sadd.s32 @!p0 $0x88, s6;
	s7 =	simm.s32 @p2 $0x1082  }
0x22: {  	[simem:s7], [sflag:s8] =	dma.local @!p0 [hbm:s6], $0xF7A  }
0x23: {  	s9 =	sor.u32 $0xD0000000, s2;
	s6 =	simm.s32 $0x108;
	_ =	swait.ge @!p0 [sflag:s8], $0x0  }
0x24: {  	s3 =	sadd.s32 $0x88, s3;
	s6 =	simm.s32 @!p1 $0x1082;
	[sflag:s4] =	ssyncset.s32 $0xFFFFF086  }
0x25: {  	[simem:s6], [sflag:s4] =	dma.local [hbm:s3], $0xF7A  }
0x26: {  	[smem:$0x3F86] =	sst s1;
	(tag) =	ssettag s2;
	_ =	strace s9  }
0x27: {  	s1 =	sld [smem:$0x3F96]  }
0x28: {  	s2 =	sld [smem:$0x3F97]  }
0x29: {  	s4 =	sld [smem:$0x3F99]  }
0x2a: {  	p0 =	seq.s32 s5, $0x0;
	s5 =	sld [smem:$0x3F9A]  }
0x2b: {  	s6 =	sld [smem:$0x3F9B]  }
0x2c: {  	s7 =	sld [smem:$0x3F9C]  }
0x2d: {  	s3 =	simm.s32 $0x108;
	s8 =	sld [smem:$0x3F9D]  }
0x2e: {  	s3 =	simm.s32 @!p0 $0x1082;
	s9 =	sld [smem:$0x3F9E]  }
0x2f: {  	lr =	sadd.s32 s0, s3;
	s0 =	sld [smem:$0x3F95]  }
0x30: {  	s3 =	sld [smem:$0x3F98]  }
0x31: {  	[smem:$0x3FA1] =	sst s10  }
0x32: {  	s10 =	sld [smem:$0x3F9F];
	_ =	sdelay $0x3  }
0x33: {  	p0 =	seq.s32 s10, $0x1;
	s10 =	sld [smem:$0x3FA1];
	_ =	sdelay $0x3  }
0x34: {  	[smem:$0x3FA1] =	sst s10  }
0x35: {  	s10 =	sld [smem:$0x3FA0];
	_ =	sdelay $0x3  }
0x36: {  	p1 =	seq.s32 s10, $0x1;
	s10 =	sld [smem:$0x3FA1];
	_ =	sdelay $0x3  }
0x37: {  	[smem:$0x3FA1] =	sst s10  }
0x38: {  	s10 =	sld [smem:$0x3FA2]  }
0x39: {  	_ = 	snop;
	(pc) =	sbr.ind lr, $3  }
0x3a: {  	_ = 	snop  }
0x3b: {  	_ = 	snop  }
0x3c: {  	p2 =	seq.s32 s10, $0x1;
	s10 =	sld [smem:$0x3FA1]  }
0x3d: {  	_ =	shalt  }
0x3e: {  	_ =	shalt  }
0x3f: {  	_ =	shalt  }
0x40: {  	_ =	shalt  }
0x41: {  	_ =	shalt  }
0x42: {  	_ =	shalt  }
0x43: {  	_ =	shalt  }
0x44: {  	_ =	shalt  }
0x45: {  	_ =	shalt  }
0x46: {  	_ =	shalt  }
0x47: {  	_ =	shalt  }
0x48: {  	_ =	shalt  }
0x49: {  	_ =	shalt  }
0x4a: {  	_ =	shalt  }
0x4b: {  	_ =	shalt  }
0x4c: {  	_ =	shalt  }
0x4d: {  	_ =	shalt  }
0x4e: {  	_ =	shalt  }
0x4f: {  	_ =	shalt  }
0x50: {  	_ =	shalt  }
0x51: {  	_ =	shalt  }
0x52: {  	_ =	shalt  }
0x53: {  	_ =	shalt  }
0x54: {  	_ =	shalt  }
0x55: {  	_ =	shalt  }
0x56: {  	_ =	shalt  }
0x57: {  	_ =	shalt  }
0x58: {  	_ =	shalt  }
0x59: {  	_ =	shalt  }
0x5a: {  	_ =	shalt  }
0x5b: {  	_ =	shalt  }
0x5c: {  	_ =	shalt  }
0x5d: {  	_ =	shalt  }
0x5e: {  	_ =	shalt  }
0x5f: {  	_ =	shalt  }
0x60: {  	_ =	shalt  }
0x61: {  	_ =	shalt  }
0x62: {  	_ =	shalt  }
0x63: {  	_ =	shalt  }
0x64: {  	_ =	shalt  }
0x65: {  	_ =	shalt  }
0x66: {  	_ =	shalt  }
0x67: {  	_ =	shalt  }
0x68: {  	_ =	shalt  }
0x69: {  	_ =	shalt  }
0x6a: {  	_ =	shalt  }
0x6b: {  	_ =	shalt  }
0x6c: {  	_ =	shalt  }
0x6d: {  	_ =	shalt  }
0x6e: {  	_ =	shalt  }
0x6f: {  	_ =	shalt  }
0x70: {  	_ =	shalt  }
0x71: {  	_ =	shalt  }
0x72: {  	_ =	shalt  }
0x73: {  	_ =	shalt  }
0x74: {  	_ =	shalt  }
0x75: {  	_ =	shalt  }
0x76: {  	_ =	shalt  }
0x77: {  	_ =	shalt  }
0x78: {  	_ =	shalt  }
0x79: {  	_ =	shalt  }
0x7a: {  	_ =	shalt  }
0x7b: {  	_ =	shalt  }
0x7c: {  	_ =	shalt  }
0x7d: {  	_ =	shalt  }
0x7e: {  	_ =	shalt  }
0x7f: {  	_ =	shalt  }
0x80: {  	_ =	shalt  }
0x81: {  	_ =	shalt  }
0x82: {  	_ =	shalt  }
0x83: {  	_ =	shalt  }
0x84: {  	_ =	shalt  }
0x85: {  	_ =	shalt  }
0x86: {  	_ =	shalt  }
0x87: {  	_ =	shalt  }
.Lfunc_end0:
.L_simem_size_0:
called_computation.1_lowered:
.L_overlay_start_0:
0x88: {  	s2 =	sld [smem:$0x3FD9]  }
0x89: {  	s3 =	sld [smem:$0x3FFE];
	_ =	sdelay $0x1  }
0x8a: {  	s1 =	srdreg.scid  }
0x8b: {  	s0 =	sand.u32 $0x1, s1  }
0x8c: {  	s14 =	sshll.u32 s0, $0xA;
	s2 =	sadd.s32 s3, s2  }
0x8d: {  	s2 =	sadd.s32 s2, s14  }
0x8e: {  	[smem:$0x3FAD] =	sst s2  }
0x8f: {  	_ = 	snop  }
0x90: {  	s2 =	sld [smem:$0x3FD0];
	_ =	sdelay $0x2  }
0x91: {  	s15 =	simm.s32 $0xA;
	s4 =	simm.s32 $0x10  }
0x92: {  	[smem:s4], [sflag:s15] =	dma.local [hbm:s2], $0x1  }
0x93: {  	_ =	swait.eq [sflag:s15], $0x1  }
0x94: {  	[sflag:s15] =	ssyncset.done $0x0  }
0x95: {  	[sflag:s15] =	ssyncadd.s32 $0xFFFFFFFF  }
0x96: {  	s16 =	sld [smem:$0x10];
	(tm) =	ssettm $0x1  }
0x97: {  	s17 =	sld [smem:$0x3FFB];
	_ =	sdelay $0x3  }
0x98: {  	_ =	strace s17  }
0x99: {  	s3 =	sld [smem:$0x3FFC];
	_ =	sdelay $0x3  }
0x9a: {  	_ =	strace s3  }
0x9b: {  	s3 =	sld [smem:$0x3FFD];
	_ =	sdelay $0x3  }
0x9c: {  	_ =	strace s3  }
0x9d: {  	_ =	strace $0x8FFFFFFF  }
0x9e: {  	s18 =	sld [smem:$0x3FDB];
	_ =	sdelay $0x1  }
0x9f: {  	s19 =	simm.s32 $_scs_section_size  }
0xa0: {  	s5 =	simm.s32 $_size__tile_overlayer_lowered;
	s6 =	simm.s32 $_tile_overlayer_lowered  }
0xa1: {  	s22 =	simm.s32 $0x1BFF;
	s21 =	sshll.u32 s6, $0x1;
	s3 =	sadd.s32 s19, s18  }
0xa2: {  	s7 =	simm.s32 $0x0;
	s20 =	sshll.u32 s5, $0x1;
	s5 =	sadd.s32 s21, s3  }
0xa3: {  	[timem:s7], [sflag:s22] =	dma.local [hbm:s5], s20  }
0xa4: {  	_ =	swait.ge [sflag:s22], s20  }
0xa5: {  	s4 =	ssub.s32 $0x0, s20;
	[sflag:s22] =	ssyncset.done $0x0  }
0xa6: {  	[sflag:s22] =	ssyncadd.s32 s4;
	_ =	sdelay $0x1  }
0xa7: {  	s23 =	simm.s32 $0x1B8B  }
0xa8: {  	_ =	swait.ge [sflag:s23], $0x1  }
0xa9: {  	[sflag:s23] =	ssyncset.done $0x0  }
0xaa: {  	s25 =	simm.s32 $0x1B8E;
	s24 =	sld [smem:$0x3FFE];
	[sflag:s23] =	ssyncadd.s32 $0xFFFFFFFF  }
0xab: {  	s26 =	simm.s32 $execute0_lowered;
	[smem:$0x3FD2] =	sst s25  }
0xac: {  	s5 =	sshll.u32 s26, $0x1;
	_ =	strace $0x80000049;
	[dreg:$0x1] =	wrdreg $0xFFFFFFFF  }
0xad: {  	s28 =	simm.s32 $_size_execute0_lowered;
	s3 =	sadd.s32 s3, s5;
	[dreg:$0x0] =	wrdreg $0x0  }
0xae: {  	s5 =	sshll.u32 s28, $0x1;
	[dreg:$0x2] =	wrdreg s3  }
0xaf: {  	[dreg:$0x3] =	wrdreg s5  }
0xb0: {  	[dreg:$0x4] =	wrdreg $0xC0  }
0xb1: {  	_ =	task [dreg:s7], $0x5FFFF  }
0xb2: {  	[dreg:$0x1] =	wrdreg $0xFFFFFFFF  }
0xb3: {  	[dreg:$0x0] =	wrdreg $0x60  }
0xb4: {  	[dreg:$0x2] =	wrdreg s24  }
0xb5: {  	[dreg:$0x3] =	wrdreg s16  }
0xb6: {  	[dreg:$0x4] =	wrdreg $0xA1000  }
0xb7: {  	[dreg:$0x5] =	wrdreg $0x9  }
0xb8: {  	_ =	task.clear_ibuf [dreg:s7], $0x6FFFF;
	_ =	strace $0x90000049  }
0xb9: {  	s29 =	simm.s32 $0x9;
	_ =	strace $0x8000004B  }
0xba: {  	_ =	swait.ge [sflag:s29], $0x1  }
0xbb: {  	[sflag:s29] =	ssyncadd.s32 $0xFFFFFFFF  }
0xbc: {  	_ =	strace $0x9000004B  }
0xbd: {  	_ =	sfence  }
0xbe: {  	s30 =	sld [smem:$0x0];
	_ =	sdelay $0x2  }
0xbf: {  	s31 =	sshll.u32 s1, $0xD;
	s1 =	sshrl.u32 s1, $0x2  }
0xc0: {  	s3 =	sand.u32 $0x4000, s31;
	s1 =	sadd.s32 s1, s30  }
0xc1: {  	s0 =	sor.u32 s3, s0;
	s1 =	sshll.u32 s1, $0x11  }
0xc2: {  	s0 =	sor.u32 s1, s0  }
0xc3: {  	s0 =	sadd.s32 $0x8F2B, s0  }
0xc4: {  	[sflag:s0] =	ssyncadd.remote.s32 $0x1  }
0xc5: {  	_ =	sfence.sel $0xFFFF  }
0xc6: {  	[dreg:$0x0] =	wrdreg $0xFFFFFFFF;
	(pc) =	sbr.abs _section_cstart, $3  }
0xc7: {  	[dreg:$0x1] =	wrdreg $0xFFFFFFFF  }
0xc8: {  	_ =	task.clear_ibuf [dreg:s7], $0x2FFFF;
	_ =	strace $0x9FFFFFFF  }
0xc9: {  	(tm) =	ssettm $0x7FFFFFFF  }
tec
execute0_lowered:
.L_overlay_start_1:
0x0: {  	(tag) =	ssettag $0x1  }
0x1: {  	s6 =	rddreg [dreg:$0x0]  }
0x2: {  	s14 =	rddreg [dreg:$0x1]  }
0x3: {  	s1 =	rddreg [dreg:$0x2]  }
0x4: {  	s0 =	rddreg [dreg:$0x3];
	s2 =	simm.s32 $0x0;
	s3 =	srdreg.scid  }
0x5: {  	s21 =	simm.s32 $0x50;
	s10 =	sand.u32 $0x1, s3;
	s3 =	stileid.u32  }
0x6: {  	[smem:$0x7FF] =	sst s2;
	s4 =	sadd.s32 $0x5B4400, s6;
	s9 =	smul.u32 $0x4E000, s3  }
0x7: {  	s5 =	sadd.s32 $0xA6200, s6;
	s11 =	sadd.s32 $0xAB200, s6;
	s22 =	smul.u32 $0x2700, s3  }
0x8: {  	_ =	strace $0x8000004A;
	s7 =	ssub.s32 $0x2, s10;
	s12 =	smul.u32 $0x270, s3  }
0x9: {  	s24 =	sshll.u32 s3, $0x3;
	s25 =	sshll.u32 s3, $0x6;
	s20 =	smul.u32 $0x2710, s10  }
0xa: {  	p0 =	sgt.u32 s3, $0x1;
	s8 =	sshrl.u32 s7, $0x1;
	s13 =	sor.u32 $0x2700, s24  }
0xb: {  	s15 =	ssub.s32 s7, s8;
	s23 =	sshrl.u32 s9, $0x2;
	s6 =	sadd.s32 s11, s22  }
0xc: {  	s26 =	sshll.u32 s13, $0x7;
	s7 =	smul.u32 $0x2710, s3;
	s8 =	sor.u32 $0x1C03, s25  }
0xd: {  	s9 =	smul.u32 $0x27100, s10;
	s17 =	sshll.u32 s13, $0x4;
	s29 =	sadd.s32 s12, s20  }
0xe: {  	s13 =	sadd.s32 s20, s13;
	s20 =	simm.s32 $0x1;
	s22 =	simm.s32 $0x2  }
0xf: {  	s16 =	sadd.s32 s23, s1;
	s18 =	sadd.s32 s26, s1;
	s10 =	sadd.s32 s11, s17  }
0x10: {  	s30 =	sshll.u32 s29, $0x4;
	s31 =	sshll.u32 s13, $0x4;
	s15 =	smax.u32 s15, $0x1  }
0x11: {  	s23 =	simm.s32 $0x0;
	s19 =	sshrl.u32 s7, $0x3;
	s28 =	sadd.s32 s7, s9  }
0x12: {  	s13 =	sadd.s32 s14, s30;
	s14 =	sadd.s32 s14, s31;
	s16 =	sshrl.u32 s16, $0x3  }
0x13: {  	s18 =	sshrl.u32 @!p0 s18, $0x3;
	s11 =	sadd.s32 s5, s19;
	s17 =	sshll.u32 s28, $0x4  }
0x14: {  	v0 =	vimm.f32 $0.0e+00;
	s19 =	simm.s32 $0x100;
	s12 =	sadd.s32 s4, s17;
	s17 =	simm.s32 $0x3  }
.LBB2_1:
0x15: {  	[spmem:s16], [sflag:s8] =	dma.local [hbm:s6], $0x2700  }
0x16: {  	_ =	swait.ge [sflag:s17], $0x2700  }
0x17: {  	[sflag:s17] =	ssyncset.done $0x0  }
0x18: {  	s24 =	simm.s32 @!p0 $0x3;
	[sflag:s17] =	ssyncadd.s32 $0xFFFFD900  }
0x19: {  	[spmem:s18], [sflag:s8] =	dma.local @!p0 [hbm:s10], $0x80  }
0x1a: {  	_ =	swait.ge @!p0 [sflag:s24], $0x80  }
0x1b: {  	[sflag:s24] =	ssyncset.done @!p0 $0x0  }
0x1c: {  	s25 =	simm.s32 $0x300;
	[sflag:s24] =	ssyncadd.s32 @!p0 $0xFFFFFF80;
	s24 =	simm.s32 $0x40  }
.LBB2_2:
0x1d: {  	p1 =	sne.s32 s25, $0x9F00;
	[tilespmem:s24+$0x7930] =	vst v0  }
0x1e: {  	[tilespmem:s24+$0x50C0] =	vst v0  }
0x1f: {  	[tilespmem:s24+$0x50D0] =	vst v0  }
0x20: {  	[tilespmem:s24+$0x50E0] =	vst v0  }
0x21: {  	[tilespmem:s24+$0x50F0] =	vst v0  }
0x22: {  	[tilespmem:s24+$0x5100] =	vst v0  }
0x23: {  	[tilespmem:s24+$0x5110] =	vst v0  }
0x24: {  	[tilespmem:s24+$0x5120] =	vst v0  }
0x25: {  	[tilespmem:s24+$0x5130] =	vst v0  }
0x26: {  	[tilespmem:s24+$0x78C0] =	vst v0  }
0x27: {  	[tilespmem:s24+$0x78D0] =	vst v0  }
.Ltmp0:
0x28: {  	[tilespmem:s24+$0x78E0] =	vst v0;
	(pc) =	sbr.rel @p1 .LBB2_2-.Ltmp0, $4  }
0x29: {  	[tilespmem:s24+$0x78F0] =	vst v0  }
0x2a: {  	[tilespmem:s24+$0x7900] =	vst v0  }
0x2b: {  	[tilespmem:s24+$0x7910] =	vst v0  }
0x2c: {  	[tilespmem:s24+$0x7920] =	vst v0;
	s24 =	sshra.s32 s25, $0x2;
	s25 =	sadd.s32 $0x200, s25  }
0x2d: {  	[tilespmem:s24+$0x7930] =	vst v0  }
0x2e: {  	[tilespmem:s24+$0x50C0] =	vst v0  }
0x2f: {  	[tilespmem:s24+$0x50D0] =	vst v0  }
0x30: {  	[tilespmem:s24+$0x50E0] =	vst v0  }
0x31: {  	[tilespmem:s24+$0x50F0] =	vst v0  }
0x32: {  	[tilespmem:s24+$0x5100] =	vst v0  }
0x33: {  	[tilespmem:s24+$0x5110] =	vst v0  }
0x34: {  	[tilespmem:s24+$0x5120] =	vst v0  }
0x35: {  	[tilespmem:s24+$0x5130] =	vst v0  }
0x36: {  	[tilespmem:s24+$0x78C0] =	vst v0  }
0x37: {  	[tilespmem:s24+$0x78D0] =	vst v0  }
0x38: {  	[tilespmem:s24+$0x78E0] =	vst v0  }
0x39: {  	[tilespmem:s24+$0x78F0] =	vst v0  }
0x3a: {  	[tilespmem:s24+$0x7900] =	vst v0  }
0x3b: {  	[tilespmem:s24+$0x7910] =	vst v0  }
0x3c: {  	[tilespmem:s24+$0x7920] =	vst v0  }
0x3d: {  	s24 =	simm.s32 $0x0;
	[bflag:$0x0] =	sbarrier.arrive $0xFFFF  }
0x3e: {  	[tilespmem:s24], [sflag:$0x3] =	stream.linear.gather [hbm4b:s11+s24], $0x50, $0x38;
	[tilespmem:$0x1D980] =	vst v63  }
0x3f: {  	_ =	swait.ge [sflag:s17], $0x50  }
0x40: {  	[sflag:s17] =	ssyncset.done $0x0  }
0x41: {  	[sflag:s17] =	ssyncadd.s32 $0xFFFFFFB0  }
0x42: {  	[tilespmem:s19], [sflag:$0x3] =	stream.linear.gather [hbm4b:s12+s24], $0x2800, $0x38;
	[tilespmem:$0x1D980] =	vst v63  }
0x43: {  	_ =	swait.ge [sflag:s17], $0x2800  }
0x44: {  	[sflag:s17] =	ssyncset.done $0x0  }
0x45: {  	p1 =	por $0x0, $0x0;
	[sflag:s17] =	ssyncadd.s32 $0xFFFFD800  }
.LBB2_4:
0x46: {  	s26 =	smov.u32 s24;
	s24 =	sadd.s32 $0x1, s24  }
0x47: {  	s25 =	smin.u32 s24, $0x7C  }
0x48: {  	s28 =	smul.u32 $0x50, s25  }
0x49: {  	s25 =	sand.u32 $0x1, s26  }
0x4a: {  	s29 =	sxor.u32 $0x1, s25;
	s28 =	sadd.s32 s7, s28  }
0x4b: {  	s31 =	sshll.u32 s29, $0x7;
	s30 =	sshrl.u32 s28, $0x3  }
0x4c: {  	s29 =	smul.u32 $0xA000, s29;
	s28 =	sadd.s32 s9, s28;
	s30 =	sadd.s32 s5, s30  }
0x4d: {  	[tilespmem:s31], [sflag:$0x1] =	stream.linear.gather [hbm4b:s30+s2], $0x50, $0x38;
	[tilespmem:$0x1D980] =	vst v63  }
0x4e: {  	s29 =	sshrl.u32 s29, $0x2;
	s28 =	sshll.u32 s28, $0x4;
	s30 =	simm.s32 $0x1  }
0x4f: {  	s29 =	sor.u32 $0x100, s29;
	s28 =	sadd.s32 s4, s28;
	s30 =	simm.s32 @!p1 $0x0  }
0x50: {  	[tilespmem:s29], [sflag:$0x1] =	stream.linear.gather [hbm4b:s28+s2], $0x2800, $0x38;
	[tilespmem:$0x1D980] =	vst v63  }
0x51: {  	s28 =	smul.u32 $0xA000, s30;
	_ =	sdelay $0x1  }
0x52: {  	s28 =	sshrl.u32 s28, $0x2  }
0x53: {  	s31 =	sadd.s32 $0x5100, s28;
	s28 =	sor.u32 $0x100, s28  }
0x54: {  	p2 =	slt.u32 s26, $0x2;
	v2 =	vmov s28  }
0x55: {  	s26 =	simm.s32 @!p2 $0x2  }
0x56: {  	_ =	swait.ge @!p2 [sflag:s26], $0x2800  }
0x57: {  	[sflag:s26] =	ssyncset.done @!p2 $0x0  }
0x58: {  	[sflag:s26] =	ssyncadd.s32 @!p2 $0xFFFFD800;
	s26 =	simm.s32 $0x0;
	v1 =	vmov s31;
	s28 =	simm.s32 $0x200  }
.LBB2_5:
0x59: {  	p2 =	sne.s32 s28, $0x9E00;
	v3 =	vld.idx.msk [tilespmem:v2+s26+$0x0 ss:$0x1], $0xffff;
	_ =	sdelay $0x1  }
.Ltmp1:
0x5a: {  	(pc) =	sbr.rel @p2 .LBB2_5-.Ltmp1, $2  }
0x5b: {  	_ =	sdelay $0x2  }
0x5c: {  	[tilespmem:v1+s26+$0x0 ss:$0x1] =	vst.idx.msk $0xffff, v3;
	s26 =	sshra.s32 s28, $0x2;
	s28 =	sadd.s32 $0x200, s28  }
0x5d: {  	_ =	sdelay $0x3  }
0x5e: {  	v2 =	vld.idx.msk [tilespmem:v2+s26+$0x0 ss:$0x1], $0xffff;
	_ =	sdelay $0x1  }
0x5f: {  	s28 =	smul.u32 $0xA000, s25;
	_ =	sdelay $0x1  }
0x60: {  	s28 =	sshrl.u32 s28, $0x2  }
0x61: {  	s31 =	sshll.u32 s25, $0x7;
	s30 =	sadd.s32 $0x5100, s28;
	[tilespmem:v1+s26+$0x0 ss:$0x1] =	vst.idx.msk $0xffff, v2  }
0x62: {  	[spmem:s1] =	stream.indirect.scatter.add.f32 [tilespmem:s30], [sflag:$0x2], $0x80, s31, s21, $0xb8;
	[tilespmem:$0x1D980] =	vst v63  }
0x63: {  	p2 =	sne.s32 s24, $0x7D;
	_ =	swait.ge [sflag:s20], $0x50  }
.Ltmp2:
0x64: {  	[sflag:s20] =	ssyncset.done $0x0;
	(pc) =	sbr.rel @p2 .LBB2_4-.Ltmp2, $4  }
0x65: {  	[sflag:s20] =	ssyncadd.s32 $0xFFFFFFB0  }
0x66: {  	_ =	swait.ge [sflag:s20], $0x2800  }
0x67: {  	[sflag:s20] =	ssyncset.done $0x0  }
0x68: {  	p1 =	por !p1, !p1;
	[sflag:s20] =	ssyncadd.s32 $0xFFFFD800  }
0x69: {  	_ =	swait.ge [sflag:s22], $0x2800  }
0x6a: {  	[sflag:s22] =	ssyncset.done $0x0  }
0x6b: {  	[sflag:s22] =	ssyncadd.s32 $0xFFFFD800  }
0x6c: {  	_ =	swait.ge [sflag:s22], $0x2800  }
0x6d: {  	[sflag:s22] =	ssyncset.done $0x0  }
0x6e: {  	[sflag:s22] =	ssyncadd.s32 $0xFFFFD800  }
0x6f: {  	[bflag:$0x0] =	sbarrier.arrive $0xFFFF  }
0x70: {  	[hbm:s13], [sflag:s8] =	dma.local [spmem:s16], $0x2700  }
0x71: {  	s23 =	sadd.s32 $0x1, s23;
	_ =	swait.ge [sflag:s17], $0x2700  }
0x72: {  	p1 =	sne.s32 s23, s15;
	[sflag:s17] =	ssyncset.done $0x0  }
.Ltmp3:
0x73: {  	s24 =	simm.s32 @!p0 $0x3;
	[sflag:s17] =	ssyncadd.s32 $0xFFFFD900;
	(pc) =	sbr.rel @p1 .LBB2_1-.Ltmp3, $4  }
0x74: {  	[hbm:s14], [sflag:s8] =	dma.local @!p0 [spmem:s18], $0x80  }
0x75: {  	_ =	swait.ge @!p0 [sflag:s24], $0x80  }
0x76: {  	[sflag:s24] =	ssyncset.done @!p0 $0x0  }
0x77: {  	[sflag:s24] =	ssyncadd.s32 @!p0 $0xFFFFFF80  }
0x78: {  	_ =	sfence.sel $0x180000  }
0x79: {  	[bflag:$0x0] =	sbarrier.arrive $0xFFFF  }
0x7a: {  	p0 =	sne.s32 s3, $0x0;
	_ =	strace $0x9000004A  }
0x7b: {  	s0 =	sadd.s32 @!p0 $0x100000, s0;
	[bflag:$0x2] =	sbarrier.arrive $0xFFFF  }
0x7c: {  	[sflag:s0] =	ssyncadd.tile.s32 @!p0 $0x1;
	_ =	shalt  }
.Lfunc_end2:
_tile_overlayer_lowered:
.L_overlay_start_2:
0x7d: {  	(tag) =	ssettag $0x2  }
0x7e: {  	s0 =	rddreg [dreg:$0x0];
	s2 =	stileid.u32  }
0x7f: {  	s1 =	rddreg [dreg:$0x1];
	p0 =	sne.s32 s2, $0x0  }
0x80: {  	s3 =	rddreg [dreg:$0x2];
	[bflag:$0x3] =	sbarrier.arrive $0xFFFF;
	s2 =	simm.s32 @!p0 $0x1C03  }
0x81: {  	[timem:s3], [sflag:s2] =	dma.local @!p0 [hbm:s0], s1  }
0x82: {  	s0 =	simm.s32 @!p0 $0x3  }
0x83: {  	_ =	swait.ge @!p0 [sflag:s0], s1  }
0x84: {  	s1 =	ssub.s32 @!p0 $0x0, s1;
	[sflag:s0] =	ssyncset.done @!p0 $0x0  }
0x85: {  	[sflag:s0] =	ssyncadd.s32 @!p0 s1  }
0x86: {  	[bflag:$0x3] =	sbarrier.arrive $0xFFFF  }
0x87: {  	_ =	shalt  }

</sc_bundles>
